<compile_context>
chip_gen: v7x
topology: tpu7x:2x2x1
jax: 0.10.2.dev20260603
libtpu: 0.0.44.dev20260713+nightly
codegen_flags: <defaults>
</compile_context>

<pallas_src>
import functools

import jax
import jax.numpy as jnp
from jax import lax
from jax.experimental import pallas as pl
from jax.experimental.pallas import tpu as pltpu
from jax.experimental.pallas import tpu_sc as plsc

D = 128
CHUNK = 128
NCORES = 2
NSUB = 16
NTILES = NCORES * NSUB
HISTW = 16

_sc_mesh = plsc.VectorSubcoreMesh(core_axis_name="c", subcore_axis_name="s")


def _round_up(a, m):
    return (a + m - 1) // m * m


def _make_edge_kernel(np_, cpt):
    half = np_ // NCORES
    acc_rows = half + CHUNK
    nz = acc_rows // CHUNK
    nw = half // CHUNK
    zper = _round_up(nz, NSUB) // NSUB

    @functools.partial(
        pl.kernel,
        mesh=_sc_mesh,
        out_type=jax.ShapeDtypeStruct((NCORES, half, D), jnp.float32),
        scratch_types=[
            pltpu.VMEM((cpt, CHUNK), jnp.int32),
            pltpu.VMEM((cpt, CHUNK), jnp.int32),
            pltpu.VMEM((CHUNK, D), jnp.float32),
            pltpu.VMEM((CHUNK, D), jnp.float32),
            pltpu.SemaphoreType.DMA,
            pltpu.SemaphoreType.DMA,
            pltpu.SemaphoreType.DMA,
            pltpu.SemaphoreType.DMA,
            pltpu.VMEM_SHARED((acc_rows, D), jnp.float32),
        ],
    )
    def edge_kernel(y, r2d, cl2d, zrows, out, ridx, cidx, buf0, buf1,
                    g0, g1, s0, s1, acc):
        cid = lax.axis_index("c")
        sid = lax.axis_index("s")
        pltpu.sync_copy(zrows, buf0)
        for z in range(zper):
            zi = z * NSUB + sid
            @pl.when(zi < nz)
            def _():
                pltpu.sync_copy(buf0, acc.at[pl.ds(zi * CHUNK, CHUNK)])
        pltpu.sync_copy(r2d.at[pl.ds(sid * cpt, cpt)], ridx)
        pltpu.sync_copy(cl2d.at[cid, pl.ds(sid * cpt, cpt)], cidx)
        plsc.subcore_barrier()

        def gather(j, buf, sem):
            return pltpu.make_async_copy(y.at[ridx.at[j]], buf, sem)

        gather(0, buf0, g0).start()
        gather(1, buf1, g1).start()

        def body(g, carry):
            j0 = 2 * g
            gather(j0, buf0, g0).wait()
            pltpu.sync_copy(buf0, acc.at[cidx.at[j0]], add=True)
            gather(j0 + 2, buf0, g0).start()
            gather(j0 + 1, buf1, g1).wait()
            pltpu.sync_copy(buf1, acc.at[cidx.at[j0 + 1]], add=True)
            gather(j0 + 3, buf1, g1).start()
            return carry

        lax.fori_loop(0, cpt // 2 - 1, body, 0)
        jlast = cpt - 2
        gather(jlast, buf0, g0).wait()
        pltpu.sync_copy(buf0, acc.at[cidx.at[jlast]], add=True)
        gather(jlast + 1, buf1, g1).wait()
        pltpu.sync_copy(buf1, acc.at[cidx.at[jlast + 1]], add=True)
        plsc.subcore_barrier()

        for z in range(zper):
            zi = z * NSUB + sid
            @pl.when(zi < nw)
            def _():
                pltpu.sync_copy(acc.at[pl.ds(zi * CHUNK, CHUNK)], buf0)
                pltpu.sync_copy(buf0, out.at[cid, pl.ds(zi * CHUNK, CHUNK)])

    return edge_kernel


def _make_deg_kernel(np_, cpt):
    half = np_ // NCORES
    acc_rows = half + CHUNK
    nz = acc_rows // CHUNK
    nw = half // CHUNK
    zper = _round_up(nz, NSUB) // NSUB

    @functools.partial(
        pl.kernel,
        mesh=_sc_mesh,
        out_type=jax.ShapeDtypeStruct((NCORES, half, D), jnp.float32),
        scratch_types=[
            pltpu.VMEM((cpt, CHUNK), jnp.int32),
            pltpu.VMEM((CHUNK, D), jnp.float32),
            pltpu.VMEM((CHUNK, D), jnp.float32),
            pltpu.VMEM_SHARED((acc_rows, D), jnp.float32),
        ],
    )
    def deg_kernel(ones_hbm, cl2d, zrows, out, cidx, ones_b, buf0, acc):
        cid = lax.axis_index("c")
        sid = lax.axis_index("s")
        pltpu.sync_copy(zrows, buf0)
        pltpu.sync_copy(ones_hbm, ones_b)
        for z in range(zper):
            zi = z * NSUB + sid
            @pl.when(zi < nz)
            def _():
                pltpu.sync_copy(buf0, acc.at[pl.ds(zi * CHUNK, CHUNK)])
        pltpu.sync_copy(cl2d.at[cid, pl.ds(sid * cpt, cpt)], cidx)
        plsc.subcore_barrier()

        def body(j, carry):
            pltpu.sync_copy(ones_b, acc.at[cidx.at[j]], add=True)
            return carry

        lax.fori_loop(0, cpt, body, 0)
        plsc.subcore_barrier()
        for z in range(zper):
            zi = z * NSUB + sid
            @pl.when(zi < nw)
            def _():
                pltpu.sync_copy(acc.at[pl.ds(zi * CHUNK, CHUNK)], buf0)
                pltpu.sync_copy(buf0, out.at[cid, pl.ds(zi * CHUNK, CHUNK)])

    return deg_kernel


def _mm_scaled_body(d_ref, x_ref, w_ref, o_ref):
    o_ref[...] = jnp.dot(d_ref[...] * x_ref[...], w_ref[...],
                         preferred_element_type=jnp.float32)


def _gcn_epilogue_mm_body(s_ref, d_ref, y_ref, b_ref, w_ref, o_ref):
    dis = d_ref[...]
    h = jax.nn.relu(dis * (s_ref[...] + 2.0 * y_ref[...]) + b_ref[...])
    o_ref[...] = jnp.dot(dis * h, w_ref[...], preferred_element_type=jnp.float32)


def _lstm_head_body(s_ref, d_ref, y_ref, b_ref, wi_ref, wt_ref, wo_ref,
                    bi_ref, bt_ref, bo_ref, wc_ref, wl_ref, bl_ref, o_ref):
    dis = d_ref[...]
    X = jax.nn.relu(dis * (s_ref[...] + 2.0 * y_ref[...]) + b_ref[...])
    for k in range(3):
        AI = jnp.dot(X, wi_ref[k], preferred_element_type=jnp.float32) + bi_ref[k]
        AT = jnp.dot(X, wt_ref[k], preferred_element_type=jnp.float32) + bt_ref[k]
        AO = jnp.dot(X, wo_ref[k], preferred_element_type=jnp.float32) + bo_ref[k]
        Cn = jax.nn.sigmoid(AI) * jnp.tanh(AT)
        X = jax.nn.sigmoid(AO + wc_ref[k] * Cn) * jnp.tanh(Cn)
    o_ref[...] = jnp.dot(jax.nn.relu(X), wl_ref[...],
                         preferred_element_type=jnp.float32) + bl_ref[...]


def kernel(x, edge_index, W1, b1, W2, b2, lstm_Wx, lstm_bx, lstm_Wh, lstm_bh,
           lstm_wc, lstm_b, Wl, bl):
    n, d = x.shape
    out_dim = Wl.shape[1]
    e = edge_index.shape[1]
    np_ = _round_up(max(n + 1, NSUB * CHUNK), NSUB * CHUNK)
    half = np_ // NCORES
    cpt_h = _round_up(e, NTILES * CHUNK) // (NTILES * CHUNK)
    cpt_h += cpt_h % 2
    e_pad = cpt_h * NTILES * CHUNK
    cpt_e = e_pad // (NSUB * CHUNK)
    blk = 512
    grid = (np_ // blk,)

    r = edge_index[0]
    c = edge_index[1]
    rp = jnp.concatenate([r, jnp.full((e_pad - e,), np_ - 1, jnp.int32)])
    cp = jnp.concatenate([c, jnp.full((e_pad - e,), n, jnp.int32)])
    r2d = rp.reshape(e_pad // CHUNK, CHUNK)
    c2d = cp.reshape(e_pad // CHUNK, CHUNK)
    trash = half + (jnp.arange(e_pad, dtype=jnp.int32) % CHUNK).reshape(c2d.shape)
    cl = []
    for core in range(NCORES):
        loc = cp.reshape(c2d.shape) - core * half
        inb = (loc >= 0) & (loc < half)
        cl.append(jnp.where(inb, loc, trash))
    cl2d = jnp.stack(cl)
    xp = jnp.zeros((np_, d), x.dtype).at[:n].set(x)
    onespat = jnp.zeros((CHUNK, HISTW), jnp.float32).at[:, 0].set(1.0)
    zhist = jnp.zeros((np_ // NSUB, HISTW), jnp.float32)
    zrows = jnp.zeros((CHUNK, d), jnp.float32)
    b1r = b1[None, :]
    b2r = b2[None, :]
    wi = lstm_Wx[:, 0]
    wt = lstm_Wx[:, 2]
    wo = lstm_Wx[:, 3]
    bi = (lstm_bx[:, 0] + lstm_bh[:, 0] + lstm_b[:, 0])[:, None, :]
    bt = (lstm_bx[:, 2] + lstm_bh[:, 2] + lstm_b[:, 2])[:, None, :]
    bo = (lstm_bx[:, 3] + lstm_bh[:, 3] + lstm_b[:, 3])[:, None, :]
    wco = lstm_wc[:, 3][:, None, :]
    wlp = jnp.zeros((d, D), jnp.float32).at[:, :out_dim].set(Wl)
    blp = jnp.zeros((1, D), jnp.float32).at[0, :out_dim].set(bl)

    edge_call = _make_edge_kernel(np_, cpt_e)

    ones_chunk = jnp.ones((CHUNK, d), jnp.float32)
    deg = _make_deg_kernel(np_, cpt_e)(
        ones_chunk, cl2d, zrows).reshape(np_, d)[:, 0] + 2.0
    dis = jnp.broadcast_to(lax.rsqrt(deg)[:, None], (np_, d))

    row_spec = pl.BlockSpec((blk, d), lambda i: (i, 0))
    w_spec = pl.BlockSpec((d, D), lambda i: (0, 0))
    b_spec = pl.BlockSpec((1, D), lambda i: (0, 0))
    w3_spec = pl.BlockSpec((3, d, d), lambda i: (0, 0, 0))
    b3_spec = pl.BlockSpec((3, 1, d), lambda i: (0, 0, 0))
    rowD = jax.ShapeDtypeStruct((np_, D), jnp.float32)

    y1 = pl.pallas_call(
        _mm_scaled_body, grid=grid,
        in_specs=[row_spec, row_spec, w_spec],
        out_specs=row_spec, out_shape=rowD,
    )(dis, xp, W1)
    seg1 = edge_call(y1, r2d, cl2d, zrows).reshape(np_, d)

    y2 = pl.pallas_call(
        _gcn_epilogue_mm_body, grid=grid,
        in_specs=[row_spec, row_spec, row_spec, b_spec, w_spec],
        out_specs=row_spec, out_shape=rowD,
    )(seg1, dis, y1, b1r, W2)
    seg2 = edge_call(y2, r2d, cl2d, zrows).reshape(np_, d)

    o = pl.pallas_call(
        _lstm_head_body, grid=grid,
        in_specs=[row_spec, row_spec, row_spec, b_spec,
                  w3_spec, w3_spec, w3_spec, b3_spec, b3_spec, b3_spec,
                  b3_spec, w_spec, b_spec],
        out_specs=row_spec, out_shape=rowD,
    )(seg2, dis, y2, b2r, wi, wt, wo, bi, bt, bo, wco, wlp, blp)

    return o[:n, :out_dim]

# --- scband reference (transcript-rebuilt; emitter-appended) ---
"""Pipeline reference for scband-social-stgcn-67946382623599 (READ-ONLY COPY).

The authoritative reference and input builder live on the scoring server;
editing this copy changes nothing except your own understanding.
"""

import jax
import jax.numpy as jnp
import numpy as np

N = 10000
E = 320000
D = 128
OUT = 3


def setup_inputs(seed: int = 0):
    key = jax.random.key(seed)
    ks = jax.random.split(key, 16)
    s = 0.05
    x = jax.random.normal(ks[0], (N, D), dtype=jnp.float32)
    edge_index = jax.random.randint(ks[1], (2, E), 0, N, dtype=jnp.int32)
    W1 = jax.random.normal(ks[2], (D, D), dtype=jnp.float32) * s
    b1 = jnp.zeros((D,), jnp.float32)
    W2 = jax.random.normal(ks[3], (D, D), dtype=jnp.float32) * s
    b2 = jnp.zeros((D,), jnp.float32)
    lstm_Wx = jax.random.normal(ks[4], (3, 4, D, D), dtype=jnp.float32) * s
    lstm_bx = jnp.zeros((3, 4, D), jnp.float32)
    lstm_Wh = jax.random.normal(ks[5], (3, 4, D, D), dtype=jnp.float32) * s
    lstm_bh = jnp.zeros((3, 4, D), jnp.float32)
    lstm_wc = jax.random.normal(ks[6], (3, 4, D), dtype=jnp.float32) * s
    lstm_b = jnp.zeros((3, 4, D), jnp.float32)
    Wl = jax.random.normal(ks[7], (D, OUT), dtype=jnp.float32) * s
    bl = jnp.zeros((OUT,), jnp.float32)
    return {"x": x, "edge_index": edge_index, "W1": W1, "b1": b1, "W2": W2, "b2": b2,
            "lstm_Wx": lstm_Wx, "lstm_bx": lstm_bx, "lstm_Wh": lstm_Wh, "lstm_bh": lstm_bh,
            "lstm_wc": lstm_wc, "lstm_b": lstm_b, "Wl": Wl, "bl": bl}


def _gcn(x, edge_index, W, b):
    # PyG GCNConv with improved=True: self-loop weight 2.0, sym normalization
    row, col = edge_index[0], edge_index[1]
    n = x.shape[0]
    loop = jnp.arange(n, dtype=row.dtype)
    r = jnp.concatenate([row, loop])
    c = jnp.concatenate([col, loop])
    ew = jnp.concatenate([jnp.ones((row.shape[0],), jnp.float32),
                          2.0 * jnp.ones((n,), jnp.float32)])
    deg = jax.ops.segment_sum(ew, c, num_segments=n)
    dis = jnp.where(deg > 0, jax.lax.rsqrt(jnp.maximum(deg, 1e-12)), 0.0)
    norm = dis[r] * dis[c] * ew
    xw = x @ W
    out = jax.ops.segment_sum(xw[r] * norm[:, None], c, num_segments=n)
    return out + b


def _lstm_cell(X, H, C, Wx, bx, Wh, bh, wc, b):
    # GConvLSTM with ChebConv K=1 (sym): each conv reduces to a linear layer.
    def lin(g, inp, HH):
        return inp @ Wx[g] + bx[g] + HH @ Wh[g] + bh[g]
    I = jax.nn.sigmoid(lin(0, X, H) + wc[0] * C + b[0])
    F = jax.nn.sigmoid(lin(1, X, H) + wc[1] * C + b[1])
    T = jnp.tanh(lin(2, X, H) + b[2])
    Cn = F * C + I * T
    O = jax.nn.sigmoid(lin(3, X, H) + wc[3] * Cn + b[3])
    Hn = O * jnp.tanh(Cn)
    return Hn, Cn


def reference(x, edge_index, W1, b1, W2, b2, lstm_Wx, lstm_bx, lstm_Wh, lstm_bh, lstm_wc, lstm_b, Wl, bl):
    # Padding logic from the torch forward (pads x to at least input_feat in each dim).
    pr = max(0, D - x.shape[0])
    pc = max(0, D - x.shape[1])
    if pr > 0:
        x = jnp.concatenate([x, jnp.zeros((pr, x.shape[1]), x.dtype)], axis=0)
    if pc > 0:
        x = jnp.concatenate([x, jnp.zeros((x.shape[0], pc), x.dtype)], axis=1)
    h = jax.nn.relu(_gcn(x, edge_index, W1, b1))
    h = jax.nn.relu(_gcn(h, edge_index, W2, b2))
    n = h.shape[0]
    Z = jnp.zeros((n, D), jnp.float32)
    H0, C0 = _lstm_cell(h, Z, Z, lstm_Wx[0], lstm_bx[0], lstm_Wh[0], lstm_bh[0], lstm_wc[0], lstm_b[0])
    H1, C1 = _lstm_cell(H0, Z, Z, lstm_Wx[1], lstm_bx[1], lstm_Wh[1], lstm_bh[1], lstm_wc[1], lstm_b[1])
    H2, C2 = _lstm_cell(H1, Z, Z, lstm_Wx[2], lstm_bx[2], lstm_Wh[2], lstm_bh[2], lstm_wc[2], lstm_b[2])
    out = jax.nn.relu(H2) @ Wl + bl
    return out

if __name__ == "__main__":
    import jax
    _d = setup_inputs()
    print(jax.jit(kernel)(*tuple(_d.values())))

</pallas_src>

<mosaic_0001>
#map = affine_map<(d0, d1) -> (0, 0)>
#map1 = affine_map<(d0, d1) -> (0, 0, 0)>
module attributes {stable_mosaic.version = 14 : i64} {
  func.func @deg_kernel(%arg0: i32, %arg1: i32, %arg2: memref<128x128xf32, #tpu.memory_space<hbm>>, %arg3: memref<2x2560x128xi32, #tpu.memory_space<hbm>>, %arg4: memref<128x128xf32, #tpu.memory_space<hbm>>, %arg5: memref<2x5120x128xf32, #tpu.memory_space<hbm>>, %arg6: memref<160x128xi32, #tpu.memory_space<vmem>>, %arg7: memref<128x128xf32, #tpu.memory_space<vmem>>, %arg8: memref<128x128xf32, #tpu.memory_space<vmem>>, %arg9: memref<5248x128xf32, #tpu.memory_space<vmem_shared>>) attributes {dimension_semantics = [#tpu.dimension_semantics<core_parallel>, #tpu.dimension_semantics<subcore_parallel>], iteration_bounds = array<i64: 2, 16>, scalar_prefetch = 0 : i64, scratch_operands = 4 : i64, tpu.core_type = #tpu.core_type<sc_vector_subcore>, window_params = [{transform_indices = #map}, {transform_indices = #map1}, {transform_indices = #map}, {transform_indices = #map1}]} {
    "tpu.region"() ({
      %run_scoped3A = tpu.sem_alloc : memref<!tpu.dma_semaphore, #tpu.memory_space<semaphore_mem>>
      tpu.enqueue_dma source(%arg4 : memref<128x128xf32, #tpu.memory_space<hbm>>) target(%arg8 : memref<128x128xf32, #tpu.memory_space<vmem>>) target_semaphore(%run_scoped3A : memref<!tpu.dma_semaphore, #tpu.memory_space<semaphore_mem>>)
      tpu.wait_dma2 semaphore(%run_scoped3A : memref<!tpu.dma_semaphore, #tpu.memory_space<semaphore_mem>>) src(%arg4 : memref<128x128xf32, #tpu.memory_space<hbm>>) dst(%arg8 : memref<128x128xf32, #tpu.memory_space<vmem>>)
      tpu.yield
    }) : () -> ()
    "tpu.region"() ({
      %run_scoped3A = tpu.sem_alloc : memref<!tpu.dma_semaphore, #tpu.memory_space<semaphore_mem>>
      tpu.enqueue_dma source(%arg2 : memref<128x128xf32, #tpu.memory_space<hbm>>) target(%arg7 : memref<128x128xf32, #tpu.memory_space<vmem>>) target_semaphore(%run_scoped3A : memref<!tpu.dma_semaphore, #tpu.memory_space<semaphore_mem>>)
      tpu.wait_dma2 semaphore(%run_scoped3A : memref<!tpu.dma_semaphore, #tpu.memory_space<semaphore_mem>>) src(%arg2 : memref<128x128xf32, #tpu.memory_space<hbm>>) dst(%arg7 : memref<128x128xf32, #tpu.memory_space<vmem>>)
      tpu.yield
    }) : () -> ()
    %add3A = arith.constant 0 : i32
    %add3A_0 = arith.addi %add3A, %arg1 : i32
    %lt3A = arith.constant 41 : i32
    %lt3A_1 = arith.cmpi slt, %add3A_0, %lt3A : i32
    %convert_element_type3A = arith.extui %lt3A_1 : i1 to i32
    %cond3A = arith.constant 0 : i32
    %cond3A_2 = arith.cmpi ne, %convert_element_type3A, %cond3A : i32
    scf.if %cond3A_2 {
      %mul3A_45 = arith.constant 128 : i32
      %mul3A_46 = arith.muli %add3A_0, %mul3A_45 : i32
      "tpu.region"() ({
        %run_scoped3A = tpu.sem_alloc : memref<!tpu.dma_semaphore, #tpu.memory_space<semaphore_mem>>
        %dma_start3A = arith.constant 0 : i32
        %dma_start3A_47 = tpu.memref_slice %arg9[%mul3A_46, %dma_start3A] : memref<5248x128xf32, #tpu.memory_space<vmem_shared>> -> memref<128x128xf32, #tpu.memory_space<vmem_shared>>
        %dma_start3A_48 = arith.constant 0 : i32
        %dma_start3A_49 = tpu.memref_slice %arg9[%mul3A_46, %dma_start3A_48] : memref<5248x128xf32, #tpu.memory_space<vmem_shared>> -> memref<128x128xf32, #tpu.memory_space<vmem_shared>>
        tpu.enqueue_dma source(%arg8 : memref<128x128xf32, #tpu.memory_space<vmem>>) target(%dma_start3A_49 : memref<128x128xf32, #tpu.memory_space<vmem_shared>>) target_semaphore(%run_scoped3A : memref<!tpu.dma_semaphore, #tpu.memory_space<semaphore_mem>>)
        %dma_wait3A = arith.constant 0 : i32
        %dma_wait3A_50 = tpu.memref_slice %arg9[%mul3A_46, %dma_wait3A] : memref<5248x128xf32, #tpu.memory_space<vmem_shared>> -> memref<128x128xf32, #tpu.memory_space<vmem_shared>>
        %dma_wait3A_51 = arith.constant 0 : i32
        %dma_wait3A_52 = tpu.memref_slice %arg9[%mul3A_46, %dma_wait3A_51] : memref<5248x128xf32, #tpu.memory_space<vmem_shared>> -> memref<128x128xf32, #tpu.memory_space<vmem_shared>>
        tpu.wait_dma2 semaphore(%run_scoped3A : memref<!tpu.dma_semaphore, #tpu.memory_space<semaphore_mem>>) src(%arg8 : memref<128x128xf32, #tpu.memory_space<vmem>>) dst(%dma_wait3A_52 : memref<128x128xf32, #tpu.memory_space<vmem_shared>>)
        tpu.yield
      }) : () -> ()
    } else {
    }
    %add3A_3 = arith.constant 16 : i32
    %add3A_4 = arith.addi %add3A_3, %arg1 : i32
    %lt3A_5 = arith.constant 41 : i32
    %lt3A_6 = arith.cmpi slt, %add3A_4, %lt3A_5 : i32
    %convert_element_type3A_7 = arith.extui %lt3A_6 : i1 to i32
    %cond3A_8 = arith.constant 0 : i32
    %cond3A_9 = arith.cmpi ne, %convert_element_type3A_7, %cond3A_8 : i32
    scf.if %cond3A_9 {
      %mul3A_45 = arith.constant 128 : i32
      %mul3A_46 = arith.muli %add3A_4, %mul3A_45 : i32
      "tpu.region"() ({
        %run_scoped3A = tpu.sem_alloc : memref<!tpu.dma_semaphore, #tpu.memory_space<semaphore_mem>>
        %dma_start3A = arith.constant 0 : i32
        %dma_start3A_47 = tpu.memref_slice %arg9[%mul3A_46, %dma_start3A] : memref<5248x128xf32, #tpu.memory_space<vmem_shared>> -> memref<128x128xf32, #tpu.memory_space<vmem_shared>>
        %dma_start3A_48 = arith.constant 0 : i32
        %dma_start3A_49 = tpu.memref_slice %arg9[%mul3A_46, %dma_start3A_48] : memref<5248x128xf32, #tpu.memory_space<vmem_shared>> -> memref<128x128xf32, #tpu.memory_space<vmem_shared>>
        tpu.enqueue_dma source(%arg8 : memref<128x128xf32, #tpu.memory_space<vmem>>) target(%dma_start3A_49 : memref<128x128xf32, #tpu.memory_space<vmem_shared>>) target_semaphore(%run_scoped3A : memref<!tpu.dma_semaphore, #tpu.memory_space<semaphore_mem>>)
        %dma_wait3A = arith.constant 0 : i32
        %dma_wait3A_50 = tpu.memref_slice %arg9[%mul3A_46, %dma_wait3A] : memref<5248x128xf32, #tpu.memory_space<vmem_shared>> -> memref<128x128xf32, #tpu.memory_space<vmem_shared>>
        %dma_wait3A_51 = arith.constant 0 : i32
        %dma_wait3A_52 = tpu.memref_slice %arg9[%mul3A_46, %dma_wait3A_51] : memref<5248x128xf32, #tpu.memory_space<vmem_shared>> -> memref<128x128xf32, #tpu.memory_space<vmem_shared>>
        tpu.wait_dma2 semaphore(%run_scoped3A : memref<!tpu.dma_semaphore, #tpu.memory_space<semaphore_mem>>) src(%arg8 : memref<128x128xf32, #tpu.memory_space<vmem>>) dst(%dma_wait3A_52 : memref<128x128xf32, #tpu.memory_space<vmem_shared>>)
        tpu.yield
      }) : () -> ()
    } else {
    }
    %add3A_10 = arith.constant 32 : i32
    %add3A_11 = arith.addi %add3A_10, %arg1 : i32
    %lt3A_12 = arith.constant 41 : i32
    %lt3A_13 = arith.cmpi slt, %add3A_11, %lt3A_12 : i32
    %convert_element_type3A_14 = arith.extui %lt3A_13 : i1 to i32
    %cond3A_15 = arith.constant 0 : i32
    %cond3A_16 = arith.cmpi ne, %convert_element_type3A_14, %cond3A_15 : i32
    scf.if %cond3A_16 {
      %mul3A_45 = arith.constant 128 : i32
      %mul3A_46 = arith.muli %add3A_11, %mul3A_45 : i32
      "tpu.region"() ({
        %run_scoped3A = tpu.sem_alloc : memref<!tpu.dma_semaphore, #tpu.memory_space<semaphore_mem>>
        %dma_start3A = arith.constant 0 : i32
        %dma_start3A_47 = tpu.memref_slice %arg9[%mul3A_46, %dma_start3A] : memref<5248x128xf32, #tpu.memory_space<vmem_shared>> -> memref<128x128xf32, #tpu.memory_space<vmem_shared>>
        %dma_start3A_48 = arith.constant 0 : i32
        %dma_start3A_49 = tpu.memref_slice %arg9[%mul3A_46, %dma_start3A_48] : memref<5248x128xf32, #tpu.memory_space<vmem_shared>> -> memref<128x128xf32, #tpu.memory_space<vmem_shared>>
        tpu.enqueue_dma source(%arg8 : memref<128x128xf32, #tpu.memory_space<vmem>>) target(%dma_start3A_49 : memref<128x128xf32, #tpu.memory_space<vmem_shared>>) target_semaphore(%run_scoped3A : memref<!tpu.dma_semaphore, #tpu.memory_space<semaphore_mem>>)
        %dma_wait3A = arith.constant 0 : i32
        %dma_wait3A_50 = tpu.memref_slice %arg9[%mul3A_46, %dma_wait3A] : memref<5248x128xf32, #tpu.memory_space<vmem_shared>> -> memref<128x128xf32, #tpu.memory_space<vmem_shared>>
        %dma_wait3A_51 = arith.constant 0 : i32
        %dma_wait3A_52 = tpu.memref_slice %arg9[%mul3A_46, %dma_wait3A_51] : memref<5248x128xf32, #tpu.memory_space<vmem_shared>> -> memref<128x128xf32, #tpu.memory_space<vmem_shared>>
        tpu.wait_dma2 semaphore(%run_scoped3A : memref<!tpu.dma_semaphore, #tpu.memory_space<semaphore_mem>>) src(%arg8 : memref<128x128xf32, #tpu.memory_space<vmem>>) dst(%dma_wait3A_52 : memref<128x128xf32, #tpu.memory_space<vmem_shared>>)
        tpu.yield
      }) : () -> ()
    } else {
    }
    %mul3A = arith.constant 160 : i32
    %mul3A_17 = arith.muli %arg1, %mul3A : i32
    "tpu.region"() ({
      %run_scoped3A = tpu.sem_alloc : memref<!tpu.dma_semaphore, #tpu.memory_space<semaphore_mem>>
      %dma_start3A = arith.constant 0 : i32
      %dma_start3A_45 = tpu.memref_slice %arg3[%arg0, %mul3A_17, %dma_start3A] : memref<2x2560x128xi32, #tpu.memory_space<hbm>> -> memref<1x160x128xi32, #tpu.memory_space<hbm>>
      %dma_start3A_46 = tpu.memref_squeeze %dma_start3A_45 : memref<1x160x128xi32, #tpu.memory_space<hbm>> -> memref<160x128xi32, #tpu.memory_space<hbm>>
      %dma_start3A_47 = arith.constant 0 : i32
      %dma_start3A_48 = tpu.memref_slice %arg3[%arg0, %mul3A_17, %dma_start3A_47] : memref<2x2560x128xi32, #tpu.memory_space<hbm>> -> memref<1x160x128xi32, #tpu.memory_space<hbm>>
      %dma_start3A_49 = tpu.memref_squeeze %dma_start3A_48 : memref<1x160x128xi32, #tpu.memory_space<hbm>> -> memref<160x128xi32, #tpu.memory_space<hbm>>
      tpu.enqueue_dma source(%dma_start3A_49 : memref<160x128xi32, #tpu.memory_space<hbm>>) target(%arg6 : memref<160x128xi32, #tpu.memory_space<vmem>>) target_semaphore(%run_scoped3A : memref<!tpu.dma_semaphore, #tpu.memory_space<semaphore_mem>>)
      %dma_wait3A = arith.constant 0 : i32
      %dma_wait3A_50 = tpu.memref_slice %arg3[%arg0, %mul3A_17, %dma_wait3A] : memref<2x2560x128xi32, #tpu.memory_space<hbm>> -> memref<1x160x128xi32, #tpu.memory_space<hbm>>
      %dma_wait3A_51 = tpu.memref_squeeze %dma_wait3A_50 : memref<1x160x128xi32, #tpu.memory_space<hbm>> -> memref<160x128xi32, #tpu.memory_space<hbm>>
      %dma_wait3A_52 = arith.constant 0 : i32
      %dma_wait3A_53 = tpu.memref_slice %arg3[%arg0, %mul3A_17, %dma_wait3A_52] : memref<2x2560x128xi32, #tpu.memory_space<hbm>> -> memref<1x160x128xi32, #tpu.memory_space<hbm>>
      %dma_wait3A_54 = tpu.memref_squeeze %dma_wait3A_53 : memref<1x160x128xi32, #tpu.memory_space<hbm>> -> memref<160x128xi32, #tpu.memory_space<hbm>>
      tpu.wait_dma2 semaphore(%run_scoped3A : memref<!tpu.dma_semaphore, #tpu.memory_space<semaphore_mem>>) src(%dma_wait3A_54 : memref<160x128xi32, #tpu.memory_space<hbm>>) dst(%arg6 : memref<160x128xi32, #tpu.memory_space<vmem>>)
      tpu.yield
    }) : () -> ()
    %barrier3A = arith.constant 0 : index
    tpu.barrier barrier_id(%barrier3A)
    %scan3A = arith.constant 0 : i32
    %scan3A_18 = arith.constant 0 : i32
    %scan3A_19 = arith.constant 160 : i32
    %scan3A_20 = arith.addi %scan3A_18, %scan3A_19 : i32
    %scan3A_21 = arith.constant 1 : i32
    scf.for %scan3A_45 = %scan3A_18 to %scan3A_20 step %scan3A_21  : i32 {
      "tpu.region"() ({
        %run_scoped3A = tpu.sem_alloc : memref<!tpu.dma_semaphore, #tpu.memory_space<semaphore_mem>>
        %dma_start3A = arith.constant 0 : i32
        %dma_start3A_46 = tpu.memref_slice %arg6[%scan3A_45, %dma_start3A] : memref<160x128xi32, #tpu.memory_space<vmem>> -> memref<1x128xi32, #tpu.memory_space<vmem>>
        %dma_start3A_47 = tpu.memref_squeeze %dma_start3A_46 : memref<1x128xi32, #tpu.memory_space<vmem>> -> memref<128xi32, #tpu.memory_space<vmem>>
        %dma_start3A_48 = arith.constant 0 : i32
        %dma_start3A_49 = arith.constant 0 : i32
        %dma_start3A_50 = tpu.memref_slice %arg9[%dma_start3A_48, %dma_start3A_49] : memref<5248x128xf32, #tpu.memory_space<vmem_shared>> -> memref<5248x128xf32, #tpu.memory_space<vmem_shared>>
        tpu.enqueue_indirect_dma source(%arg7 : memref<128x128xf32, #tpu.memory_space<vmem>>) target(%dma_start3A_50 : memref<5248x128xf32, #tpu.memory_space<vmem_shared>>) offsets(%dma_start3A_47 : memref<128xi32, #tpu.memory_space<vmem>>) semaphore(%run_scoped3A : memref<!tpu.dma_semaphore, #tpu.memory_space<semaphore_mem>>) {add = true}
        %dma_wait3A = arith.constant 0 : i32
        %dma_wait3A_51 = tpu.memref_slice %arg6[%scan3A_45, %dma_wait3A] : memref<160x128xi32, #tpu.memory_space<vmem>> -> memref<1x128xi32, #tpu.memory_space<vmem>>
        %dma_wait3A_52 = tpu.memref_squeeze %dma_wait3A_51 : memref<1x128xi32, #tpu.memory_space<vmem>> -> memref<128xi32, #tpu.memory_space<vmem>>
        %dma_wait3A_53 = arith.constant 0 : i32
        %dma_wait3A_54 = arith.constant 0 : i32
        %dma_wait3A_55 = tpu.memref_slice %arg9[%dma_wait3A_53, %dma_wait3A_54] : memref<5248x128xf32, #tpu.memory_space<vmem_shared>> -> memref<5248x128xf32, #tpu.memory_space<vmem_shared>>
        tpu.wait_indirect_dma semaphore(%run_scoped3A : memref<!tpu.dma_semaphore, #tpu.memory_space<semaphore_mem>>) src(%arg7 : memref<128x128xf32, #tpu.memory_space<vmem>>) dst(%dma_wait3A_55 : memref<5248x128xf32, #tpu.memory_space<vmem_shared>>)
        tpu.yield
      }) : () -> ()
    }
    %scan3A_22 = arith.constant 160 : i32
    %barrier3A_23 = arith.constant 0 : index
    tpu.barrier barrier_id(%barrier3A_23)
    %add3A_24 = arith.constant 0 : i32
    %add3A_25 = arith.addi %add3A_24, %arg1 : i32
    %lt3A_26 = arith.constant 40 : i32
    %lt3A_27 = arith.cmpi slt, %add3A_25, %lt3A_26 : i32
    %convert_element_type3A_28 = arith.extui %lt3A_27 : i1 to i32
    %cond3A_29 = arith.constant 0 : i32
    %cond3A_30 = arith.cmpi ne, %convert_element_type3A_28, %cond3A_29 : i32
    scf.if %cond3A_30 {
      %mul3A_45 = arith.constant 128 : i32
      %mul3A_46 = arith.muli %add3A_25, %mul3A_45 : i32
      "tpu.region"() ({
        %run_scoped3A = tpu.sem_alloc : memref<!tpu.dma_semaphore, #tpu.memory_space<semaphore_mem>>
        %dma_start3A = arith.constant 0 : i32
        %dma_start3A_49 = tpu.memref_slice %arg9[%mul3A_46, %dma_start3A] : memref<5248x128xf32, #tpu.memory_space<vmem_shared>> -> memref<128x128xf32, #tpu.memory_space<vmem_shared>>
        %dma_start3A_50 = arith.constant 0 : i32
        %dma_start3A_51 = tpu.memref_slice %arg9[%mul3A_46, %dma_start3A_50] : memref<5248x128xf32, #tpu.memory_space<vmem_shared>> -> memref<128x128xf32, #tpu.memory_space<vmem_shared>>
        tpu.enqueue_dma source(%dma_start3A_51 : memref<128x128xf32, #tpu.memory_space<vmem_shared>>) target(%arg8 : memref<128x128xf32, #tpu.memory_space<vmem>>) target_semaphore(%run_scoped3A : memref<!tpu.dma_semaphore, #tpu.memory_space<semaphore_mem>>)
        %dma_wait3A = arith.constant 0 : i32
        %dma_wait3A_52 = tpu.memref_slice %arg9[%mul3A_46, %dma_wait3A] : memref<5248x128xf32, #tpu.memory_space<vmem_shared>> -> memref<128x128xf32, #tpu.memory_space<vmem_shared>>
        %dma_wait3A_53 = arith.constant 0 : i32
        %dma_wait3A_54 = tpu.memref_slice %arg9[%mul3A_46, %dma_wait3A_53] : memref<5248x128xf32, #tpu.memory_space<vmem_shared>> -> memref<128x128xf32, #tpu.memory_space<vmem_shared>>
        tpu.wait_dma2 semaphore(%run_scoped3A : memref<!tpu.dma_semaphore, #tpu.memory_space<semaphore_mem>>) src(%dma_wait3A_54 : memref<128x128xf32, #tpu.memory_space<vmem_shared>>) dst(%arg8 : memref<128x128xf32, #tpu.memory_space<vmem>>)
        tpu.yield
      }) : () -> ()
      %mul3A_47 = arith.constant 128 : i32
      %mul3A_48 = arith.muli %add3A_25, %mul3A_47 : i32
      "tpu.region"() ({
        %run_scoped3A = tpu.sem_alloc : memref<!tpu.dma_semaphore, #tpu.memory_space<semaphore_mem>>
        %dma_start3A = arith.constant 0 : i32
        %dma_start3A_49 = tpu.memref_slice %arg5[%arg0, %mul3A_48, %dma_start3A] : memref<2x5120x128xf32, #tpu.memory_space<hbm>> -> memref<1x128x128xf32, #tpu.memory_space<hbm>>
        %dma_start3A_50 = tpu.memref_squeeze %dma_start3A_49 : memref<1x128x128xf32, #tpu.memory_space<hbm>> -> memref<128x128xf32, #tpu.memory_space<hbm>>
        %dma_start3A_51 = arith.constant 0 : i32
        %dma_start3A_52 = tpu.memref_slice %arg5[%arg0, %mul3A_48, %dma_start3A_51] : memref<2x5120x128xf32, #tpu.memory_space<hbm>> -> memref<1x128x128xf32, #tpu.memory_space<hbm>>
        %dma_start3A_53 = tpu.memref_squeeze %dma_start3A_52 : memref<1x128x128xf32, #tpu.memory_space<hbm>> -> memref<128x128xf32, #tpu.memory_space<hbm>>
        tpu.enqueue_dma source(%arg8 : memref<128x128xf32, #tpu.memory_space<vmem>>) target(%dma_start3A_53 : memref<128x128xf32, #tpu.memory_space<hbm>>) target_semaphore(%run_scoped3A : memref<!tpu.dma_semaphore, #tpu.memory_space<semaphore_mem>>)
        %dma_wait3A = arith.constant 0 : i32
        %dma_wait3A_54 = tpu.memref_slice %arg5[%arg0, %mul3A_48, %dma_wait3A] : memref<2x5120x128xf32, #tpu.memory_space<hbm>> -> memref<1x128x128xf32, #tpu.memory_space<hbm>>
        %dma_wait3A_55 = tpu.memref_squeeze %dma_wait3A_54 : memref<1x128x128xf32, #tpu.memory_space<hbm>> -> memref<128x128xf32, #tpu.memory_space<hbm>>
        %dma_wait3A_56 = arith.constant 0 : i32
        %dma_wait3A_57 = tpu.memref_slice %arg5[%arg0, %mul3A_48, %dma_wait3A_56] : memref<2x5120x128xf32, #tpu.memory_space<hbm>> -> memref<1x128x128xf32, #tpu.memory_space<hbm>>
        %dma_wait3A_58 = tpu.memref_squeeze %dma_wait3A_57 : memref<1x128x128xf32, #tpu.memory_space<hbm>> -> memref<128x128xf32, #tpu.memory_space<hbm>>
        tpu.wait_dma2 semaphore(%run_scoped3A : memref<!tpu.dma_semaphore, #tpu.memory_space<semaphore_mem>>) src(%arg8 : memref<128x128xf32, #tpu.memory_space<vmem>>) dst(%dma_wait3A_58 : memref<128x128xf32, #tpu.memory_space<hbm>>)
        tpu.yield
      }) : () -> ()
    } else {
    }
    %add3A_31 = arith.constant 16 : i32
    %add3A_32 = arith.addi %add3A_31, %arg1 : i32
    %lt3A_33 = arith.constant 40 : i32
    %lt3A_34 = arith.cmpi slt, %add3A_32, %lt3A_33 : i32
    %convert_element_type3A_35 = arith.extui %lt3A_34 : i1 to i32
    %cond3A_36 = arith.constant 0 : i32
    %cond3A_37 = arith.cmpi ne, %convert_element_type3A_35, %cond3A_36 : i32
    scf.if %cond3A_37 {
      %mul3A_45 = arith.constant 128 : i32
      %mul3A_46 = arith.muli %add3A_32, %mul3A_45 : i32
      "tpu.region"() ({
        %run_scoped3A = tpu.sem_alloc : memref<!tpu.dma_semaphore, #tpu.memory_space<semaphore_mem>>
        %dma_start3A = arith.constant 0 : i32
        %dma_start3A_49 = tpu.memref_slice %arg9[%mul3A_46, %dma_start3A] : memref<5248x128xf32, #tpu.memory_space<vmem_shared>> -> memref<128x128xf32, #tpu.memory_space<vmem_shared>>
        %dma_start3A_50 = arith.constant 0 : i32
        %dma_start3A_51 = tpu.memref_slice %arg9[%mul3A_46, %dma_start3A_50] : memref<5248x128xf32, #tpu.memory_space<vmem_shared>> -> memref<128x128xf32, #tpu.memory_space<vmem_shared>>
        tpu.enqueue_dma source(%dma_start3A_51 : memref<128x128xf32, #tpu.memory_space<vmem_shared>>) target(%arg8 : memref<128x128xf32, #tpu.memory_space<vmem>>) target_semaphore(%run_scoped3A : memref<!tpu.dma_semaphore, #tpu.memory_space<semaphore_mem>>)
        %dma_wait3A = arith.constant 0 : i32
        %dma_wait3A_52 = tpu.memref_slice %arg9[%mul3A_46, %dma_wait3A] : memref<5248x128xf32, #tpu.memory_space<vmem_shared>> -> memref<128x128xf32, #tpu.memory_space<vmem_shared>>
        %dma_wait3A_53 = arith.constant 0 : i32
        %dma_wait3A_54 = tpu.memref_slice %arg9[%mul3A_46, %dma_wait3A_53] : memref<5248x128xf32, #tpu.memory_space<vmem_shared>> -> memref<128x128xf32, #tpu.memory_space<vmem_shared>>
        tpu.wait_dma2 semaphore(%run_scoped3A : memref<!tpu.dma_semaphore, #tpu.memory_space<semaphore_mem>>) src(%dma_wait3A_54 : memref<128x128xf32, #tpu.memory_space<vmem_shared>>) dst(%arg8 : memref<128x128xf32, #tpu.memory_space<vmem>>)
        tpu.yield
      }) : () -> ()
      %mul3A_47 = arith.constant 128 : i32
      %mul3A_48 = arith.muli %add3A_32, %mul3A_47 : i32
      "tpu.region"() ({
        %run_scoped3A = tpu.sem_alloc : memref<!tpu.dma_semaphore, #tpu.memory_space<semaphore_mem>>
        %dma_start3A = arith.constant 0 : i32
        %dma_start3A_49 = tpu.memref_slice %arg5[%arg0, %mul3A_48, %dma_start3A] : memref<2x5120x128xf32, #tpu.memory_space<hbm>> -> memref<1x128x128xf32, #tpu.memory_space<hbm>>
        %dma_start3A_50 = tpu.memref_squeeze %dma_start3A_49 : memref<1x128x128xf32, #tpu.memory_space<hbm>> -> memref<128x128xf32, #tpu.memory_space<hbm>>
        %dma_start3A_51 = arith.constant 0 : i32
        %dma_start3A_52 = tpu.memref_slice %arg5[%arg0, %mul3A_48, %dma_start3A_51] : memref<2x5120x128xf32, #tpu.memory_space<hbm>> -> memref<1x128x128xf32, #tpu.memory_space<hbm>>
        %dma_start3A_53 = tpu.memref_squeeze %dma_start3A_52 : memref<1x128x128xf32, #tpu.memory_space<hbm>> -> memref<128x128xf32, #tpu.memory_space<hbm>>
        tpu.enqueue_dma source(%arg8 : memref<128x128xf32, #tpu.memory_space<vmem>>) target(%dma_start3A_53 : memref<128x128xf32, #tpu.memory_space<hbm>>) target_semaphore(%run_scoped3A : memref<!tpu.dma_semaphore, #tpu.memory_space<semaphore_mem>>)
        %dma_wait3A = arith.constant 0 : i32
        %dma_wait3A_54 = tpu.memref_slice %arg5[%arg0, %mul3A_48, %dma_wait3A] : memref<2x5120x128xf32, #tpu.memory_space<hbm>> -> memref<1x128x128xf32, #tpu.memory_space<hbm>>
        %dma_wait3A_55 = tpu.memref_squeeze %dma_wait3A_54 : memref<1x128x128xf32, #tpu.memory_space<hbm>> -> memref<128x128xf32, #tpu.memory_space<hbm>>
        %dma_wait3A_56 = arith.constant 0 : i32
        %dma_wait3A_57 = tpu.memref_slice %arg5[%arg0, %mul3A_48, %dma_wait3A_56] : memref<2x5120x128xf32, #tpu.memory_space<hbm>> -> memref<1x128x128xf32, #tpu.memory_space<hbm>>
        %dma_wait3A_58 = tpu.memref_squeeze %dma_wait3A_57 : memref<1x128x128xf32, #tpu.memory_space<hbm>> -> memref<128x128xf32, #tpu.memory_space<hbm>>
        tpu.wait_dma2 semaphore(%run_scoped3A : memref<!tpu.dma_semaphore, #tpu.memory_space<semaphore_mem>>) src(%arg8 : memref<128x128xf32, #tpu.memory_space<vmem>>) dst(%dma_wait3A_58 : memref<128x128xf32, #tpu.memory_space<hbm>>)
        tpu.yield
      }) : () -> ()
    } else {
    }
    %add3A_38 = arith.constant 32 : i32
    %add3A_39 = arith.addi %add3A_38, %arg1 : i32
    %lt3A_40 = arith.constant 40 : i32
    %lt3A_41 = arith.cmpi slt, %add3A_39, %lt3A_40 : i32
    %convert_element_type3A_42 = arith.extui %lt3A_41 : i1 to i32
    %cond3A_43 = arith.constant 0 : i32
    %cond3A_44 = arith.cmpi ne, %convert_element_type3A_42, %cond3A_43 : i32
    scf.if %cond3A_44 {
      %mul3A_45 = arith.constant 128 : i32
      %mul3A_46 = arith.muli %add3A_39, %mul3A_45 : i32
      "tpu.region"() ({
        %run_scoped3A = tpu.sem_alloc : memref<!tpu.dma_semaphore, #tpu.memory_space<semaphore_mem>>
        %dma_start3A = arith.constant 0 : i32
        %dma_start3A_49 = tpu.memref_slice %arg9[%mul3A_46, %dma_start3A] : memref<5248x128xf32, #tpu.memory_space<vmem_shared>> -> memref<128x128xf32, #tpu.memory_space<vmem_shared>>
        %dma_start3A_50 = arith.constant 0 : i32
        %dma_start3A_51 = tpu.memref_slice %arg9[%mul3A_46, %dma_start3A_50] : memref<5248x128xf32, #tpu.memory_space<vmem_shared>> -> memref<128x128xf32, #tpu.memory_space<vmem_shared>>
        tpu.enqueue_dma source(%dma_start3A_51 : memref<128x128xf32, #tpu.memory_space<vmem_shared>>) target(%arg8 : memref<128x128xf32, #tpu.memory_space<vmem>>) target_semaphore(%run_scoped3A : memref<!tpu.dma_semaphore, #tpu.memory_space<semaphore_mem>>)
        %dma_wait3A = arith.constant 0 : i32
        %dma_wait3A_52 = tpu.memref_slice %arg9[%mul3A_46, %dma_wait3A] : memref<5248x128xf32, #tpu.memory_space<vmem_shared>> -> memref<128x128xf32, #tpu.memory_space<vmem_shared>>
        %dma_wait3A_53 = arith.constant 0 : i32
        %dma_wait3A_54 = tpu.memref_slice %arg9[%mul3A_46, %dma_wait3A_53] : memref<5248x128xf32, #tpu.memory_space<vmem_shared>> -> memref<128x128xf32, #tpu.memory_space<vmem_shared>>
        tpu.wait_dma2 semaphore(%run_scoped3A : memref<!tpu.dma_semaphore, #tpu.memory_space<semaphore_mem>>) src(%dma_wait3A_54 : memref<128x128xf32, #tpu.memory_space<vmem_shared>>) dst(%arg8 : memref<128x128xf32, #tpu.memory_space<vmem>>)
        tpu.yield
      }) : () -> ()
      %mul3A_47 = arith.constant 128 : i32
      %mul3A_48 = arith.muli %add3A_39, %mul3A_47 : i32
      "tpu.region"() ({
        %run_scoped3A = tpu.sem_alloc : memref<!tpu.dma_semaphore, #tpu.memory_space<semaphore_mem>>
        %dma_start3A = arith.constant 0 : i32
        %dma_start3A_49 = tpu.memref_slice %arg5[%arg0, %mul3A_48, %dma_start3A] : memref<2x5120x128xf32, #tpu.memory_space<hbm>> -> memref<1x128x128xf32, #tpu.memory_space<hbm>>
        %dma_start3A_50 = tpu.memref_squeeze %dma_start3A_49 : memref<1x128x128xf32, #tpu.memory_space<hbm>> -> memref<128x128xf32, #tpu.memory_space<hbm>>
        %dma_start3A_51 = arith.constant 0 : i32
        %dma_start3A_52 = tpu.memref_slice %arg5[%arg0, %mul3A_48, %dma_start3A_51] : memref<2x5120x128xf32, #tpu.memory_space<hbm>> -> memref<1x128x128xf32, #tpu.memory_space<hbm>>
        %dma_start3A_53 = tpu.memref_squeeze %dma_start3A_52 : memref<1x128x128xf32, #tpu.memory_space<hbm>> -> memref<128x128xf32, #tpu.memory_space<hbm>>
        tpu.enqueue_dma source(%arg8 : memref<128x128xf32, #tpu.memory_space<vmem>>) target(%dma_start3A_53 : memref<128x128xf32, #tpu.memory_space<hbm>>) target_semaphore(%run_scoped3A : memref<!tpu.dma_semaphore, #tpu.memory_space<semaphore_mem>>)
        %dma_wait3A = arith.constant 0 : i32
        %dma_wait3A_54 = tpu.memref_slice %arg5[%arg0, %mul3A_48, %dma_wait3A] : memref<2x5120x128xf32, #tpu.memory_space<hbm>> -> memref<1x128x128xf32, #tpu.memory_space<hbm>>
        %dma_wait3A_55 = tpu.memref_squeeze %dma_wait3A_54 : memref<1x128x128xf32, #tpu.memory_space<hbm>> -> memref<128x128xf32, #tpu.memory_space<hbm>>
        %dma_wait3A_56 = arith.constant 0 : i32
        %dma_wait3A_57 = tpu.memref_slice %arg5[%arg0, %mul3A_48, %dma_wait3A_56] : memref<2x5120x128xf32, #tpu.memory_space<hbm>> -> memref<1x128x128xf32, #tpu.memory_space<hbm>>
        %dma_wait3A_58 = tpu.memref_squeeze %dma_wait3A_57 : memref<1x128x128xf32, #tpu.memory_space<hbm>> -> memref<128x128xf32, #tpu.memory_space<hbm>>
        tpu.wait_dma2 semaphore(%run_scoped3A : memref<!tpu.dma_semaphore, #tpu.memory_space<semaphore_mem>>) src(%arg8 : memref<128x128xf32, #tpu.memory_space<vmem>>) dst(%dma_wait3A_58 : memref<128x128xf32, #tpu.memory_space<hbm>>)
        tpu.yield
      }) : () -> ()
    } else {
    }
    return
  }
}

#map = affine_map<(d0, d1) -> (0, 0)>
#map1 = affine_map<(d0, d1) -> (0, 0, 0)>
module attributes {stable_mosaic.version = 14 : i64} {
  func.func @edge_kernel(%arg0: i32, %arg1: i32, %arg2: memref<10240x128xf32, #tpu.memory_space<hbm>>, %arg3: memref<2560x128xi32, #tpu.memory_space<hbm>>, %arg4: memref<2x2560x128xi32, #tpu.memory_space<hbm>>, %arg5: memref<128x128xf32, #tpu.memory_space<hbm>>, %arg6: memref<2x5120x128xf32, #tpu.memory_space<hbm>>, %arg7: memref<160x128xi32, #tpu.memory_space<vmem>>, %arg8: memref<160x128xi32, #tpu.memory_space<vmem>>, %arg9: memref<128x128xf32, #tpu.memory_space<vmem>>, %arg10: memref<128x128xf32, #tpu.memory_space<vmem>>, %arg11: memref<!tpu.dma_semaphore, #tpu.memory_space<semaphore_mem>>, %arg12: memref<!tpu.dma_semaphore, #tpu.memory_space<semaphore_mem>>, %arg13: memref<!tpu.dma_semaphore, #tpu.memory_space<semaphore_mem>>, %arg14: memref<!tpu.dma_semaphore, #tpu.memory_space<semaphore_mem>>, %arg15: memref<5248x128xf32, #tpu.memory_space<vmem_shared>>) attributes {dimension_semantics = [#tpu.dimension_semantics<core_parallel>, #tpu.dimension_semantics<subcore_parallel>], iteration_bounds = array<i64: 2, 16>, scalar_prefetch = 0 : i64, scratch_operands = 9 : i64, tpu.core_type = #tpu.core_type<sc_vector_subcore>, window_params = [{transform_indices = #map}, {transform_indices = #map}, {transform_indices = #map1}, {transform_indices = #map}, {transform_indices = #map1}]} {
    "tpu.region"() ({
      %run_scoped3A_74 = tpu.sem_alloc : memref<!tpu.dma_semaphore, #tpu.memory_space<semaphore_mem>>
      tpu.enqueue_dma source(%arg5 : memref<128x128xf32, #tpu.memory_space<hbm>>) target(%arg9 : memref<128x128xf32, #tpu.memory_space<vmem>>) target_semaphore(%run_scoped3A_74 : memref<!tpu.dma_semaphore, #tpu.memory_space<semaphore_mem>>)
      tpu.wait_dma2 semaphore(%run_scoped3A_74 : memref<!tpu.dma_semaphore, #tpu.memory_space<semaphore_mem>>) src(%arg5 : memref<128x128xf32, #tpu.memory_space<hbm>>) dst(%arg9 : memref<128x128xf32, #tpu.memory_space<vmem>>)
      tpu.yield
    }) : () -> ()
    %add3A = arith.constant 0 : i32
    %add3A_0 = arith.addi %add3A, %arg1 : i32
    %lt3A = arith.constant 41 : i32
    %lt3A_1 = arith.cmpi slt, %add3A_0, %lt3A : i32
    %convert_element_type3A = arith.extui %lt3A_1 : i1 to i32
    %cond3A = arith.constant 0 : i32
    %cond3A_2 = arith.cmpi ne, %convert_element_type3A, %cond3A : i32
    scf.if %cond3A_2 {
      %mul3A_74 = arith.constant 128 : i32
      %mul3A_75 = arith.muli %add3A_0, %mul3A_74 : i32
      "tpu.region"() ({
        %run_scoped3A_76 = tpu.sem_alloc : memref<!tpu.dma_semaphore, #tpu.memory_space<semaphore_mem>>
        %dma_start3A_77 = arith.constant 0 : i32
        %dma_start3A_78 = tpu.memref_slice %arg15[%mul3A_75, %dma_start3A_77] : memref<5248x128xf32, #tpu.memory_space<vmem_shared>> -> memref<128x128xf32, #tpu.memory_space<vmem_shared>>
        %dma_start3A_79 = arith.constant 0 : i32
        %dma_start3A_80 = tpu.memref_slice %arg15[%mul3A_75, %dma_start3A_79] : memref<5248x128xf32, #tpu.memory_space<vmem_shared>> -> memref<128x128xf32, #tpu.memory_space<vmem_shared>>
        tpu.enqueue_dma source(%arg9 : memref<128x128xf32, #tpu.memory_space<vmem>>) target(%dma_start3A_80 : memref<128x128xf32, #tpu.memory_space<vmem_shared>>) target_semaphore(%run_scoped3A_76 : memref<!tpu.dma_semaphore, #tpu.memory_space<semaphore_mem>>)
        %dma_wait3A_81 = arith.constant 0 : i32
        %dma_wait3A_82 = tpu.memref_slice %arg15[%mul3A_75, %dma_wait3A_81] : memref<5248x128xf32, #tpu.memory_space<vmem_shared>> -> memref<128x128xf32, #tpu.memory_space<vmem_shared>>
        %dma_wait3A_83 = arith.constant 0 : i32
        %dma_wait3A_84 = tpu.memref_slice %arg15[%mul3A_75, %dma_wait3A_83] : memref<5248x128xf32, #tpu.memory_space<vmem_shared>> -> memref<128x128xf32, #tpu.memory_space<vmem_shared>>
        tpu.wait_dma2 semaphore(%run_scoped3A_76 : memref<!tpu.dma_semaphore, #tpu.memory_space<semaphore_mem>>) src(%arg9 : memref<128x128xf32, #tpu.memory_space<vmem>>) dst(%dma_wait3A_84 : memref<128x128xf32, #tpu.memory_space<vmem_shared>>)
        tpu.yield
      }) : () -> ()
    } else {
    }
    %add3A_3 = arith.constant 16 : i32
    %add3A_4 = arith.addi %add3A_3, %arg1 : i32
    %lt3A_5 = arith.constant 41 : i32
    %lt3A_6 = arith.cmpi slt, %add3A_4, %lt3A_5 : i32
    %convert_element_type3A_7 = arith.extui %lt3A_6 : i1 to i32
    %cond3A_8 = arith.constant 0 : i32
    %cond3A_9 = arith.cmpi ne, %convert_element_type3A_7, %cond3A_8 : i32
    scf.if %cond3A_9 {
      %mul3A_74 = arith.constant 128 : i32
      %mul3A_75 = arith.muli %add3A_4, %mul3A_74 : i32
      "tpu.region"() ({
        %run_scoped3A_76 = tpu.sem_alloc : memref<!tpu.dma_semaphore, #tpu.memory_space<semaphore_mem>>
        %dma_start3A_77 = arith.constant 0 : i32
        %dma_start3A_78 = tpu.memref_slice %arg15[%mul3A_75, %dma_start3A_77] : memref<5248x128xf32, #tpu.memory_space<vmem_shared>> -> memref<128x128xf32, #tpu.memory_space<vmem_shared>>
        %dma_start3A_79 = arith.constant 0 : i32
        %dma_start3A_80 = tpu.memref_slice %arg15[%mul3A_75, %dma_start3A_79] : memref<5248x128xf32, #tpu.memory_space<vmem_shared>> -> memref<128x128xf32, #tpu.memory_space<vmem_shared>>
        tpu.enqueue_dma source(%arg9 : memref<128x128xf32, #tpu.memory_space<vmem>>) target(%dma_start3A_80 : memref<128x128xf32, #tpu.memory_space<vmem_shared>>) target_semaphore(%run_scoped3A_76 : memref<!tpu.dma_semaphore, #tpu.memory_space<semaphore_mem>>)
        %dma_wait3A_81 = arith.constant 0 : i32
        %dma_wait3A_82 = tpu.memref_slice %arg15[%mul3A_75, %dma_wait3A_81] : memref<5248x128xf32, #tpu.memory_space<vmem_shared>> -> memref<128x128xf32, #tpu.memory_space<vmem_shared>>
        %dma_wait3A_83 = arith.constant 0 : i32
        %dma_wait3A_84 = tpu.memref_slice %arg15[%mul3A_75, %dma_wait3A_83] : memref<5248x128xf32, #tpu.memory_space<vmem_shared>> -> memref<128x128xf32, #tpu.memory_space<vmem_shared>>
        tpu.wait_dma2 semaphore(%run_scoped3A_76 : memref<!tpu.dma_semaphore, #tpu.memory_space<semaphore_mem>>) src(%arg9 : memref<128x128xf32, #tpu.memory_space<vmem>>) dst(%dma_wait3A_84 : memref<128x128xf32, #tpu.memory_space<vmem_shared>>)
        tpu.yield
      }) : () -> ()
    } else {
    }
    %add3A_10 = arith.constant 32 : i32
    %add3A_11 = arith.addi %add3A_10, %arg1 : i32
    %lt3A_12 = arith.constant 41 : i32
    %lt3A_13 = arith.cmpi slt, %add3A_11, %lt3A_12 : i32
    %convert_element_type3A_14 = arith.extui %lt3A_13 : i1 to i32
    %cond3A_15 = arith.constant 0 : i32
    %cond3A_16 = arith.cmpi ne, %convert_element_type3A_14, %cond3A_15 : i32
    scf.if %cond3A_16 {
      %mul3A_74 = arith.constant 128 : i32
      %mul3A_75 = arith.muli %add3A_11, %mul3A_74 : i32
      "tpu.region"() ({
        %run_scoped3A_76 = tpu.sem_alloc : memref<!tpu.dma_semaphore, #tpu.memory_space<semaphore_mem>>
        %dma_start3A_77 = arith.constant 0 : i32
        %dma_start3A_78 = tpu.memref_slice %arg15[%mul3A_75, %dma_start3A_77] : memref<5248x128xf32, #tpu.memory_space<vmem_shared>> -> memref<128x128xf32, #tpu.memory_space<vmem_shared>>
        %dma_start3A_79 = arith.constant 0 : i32
        %dma_start3A_80 = tpu.memref_slice %arg15[%mul3A_75, %dma_start3A_79] : memref<5248x128xf32, #tpu.memory_space<vmem_shared>> -> memref<128x128xf32, #tpu.memory_space<vmem_shared>>
        tpu.enqueue_dma source(%arg9 : memref<128x128xf32, #tpu.memory_space<vmem>>) target(%dma_start3A_80 : memref<128x128xf32, #tpu.memory_space<vmem_shared>>) target_semaphore(%run_scoped3A_76 : memref<!tpu.dma_semaphore, #tpu.memory_space<semaphore_mem>>)
        %dma_wait3A_81 = arith.constant 0 : i32
        %dma_wait3A_82 = tpu.memref_slice %arg15[%mul3A_75, %dma_wait3A_81] : memref<5248x128xf32, #tpu.memory_space<vmem_shared>> -> memref<128x128xf32, #tpu.memory_space<vmem_shared>>
        %dma_wait3A_83 = arith.constant 0 : i32
        %dma_wait3A_84 = tpu.memref_slice %arg15[%mul3A_75, %dma_wait3A_83] : memref<5248x128xf32, #tpu.memory_space<vmem_shared>> -> memref<128x128xf32, #tpu.memory_space<vmem_shared>>
        tpu.wait_dma2 semaphore(%run_scoped3A_76 : memref<!tpu.dma_semaphore, #tpu.memory_space<semaphore_mem>>) src(%arg9 : memref<128x128xf32, #tpu.memory_space<vmem>>) dst(%dma_wait3A_84 : memref<128x128xf32, #tpu.memory_space<vmem_shared>>)
        tpu.yield
      }) : () -> ()
    } else {
    }
    %mul3A = arith.constant 160 : i32
    %mul3A_17 = arith.muli %arg1, %mul3A : i32
    "tpu.region"() ({
      %run_scoped3A_74 = tpu.sem_alloc : memref<!tpu.dma_semaphore, #tpu.memory_space<semaphore_mem>>
      %dma_start3A_75 = arith.constant 0 : i32
      %dma_start3A_76 = tpu.memref_slice %arg3[%mul3A_17, %dma_start3A_75] : memref<2560x128xi32, #tpu.memory_space<hbm>> -> memref<160x128xi32, #tpu.memory_space<hbm>>
      %dma_start3A_77 = arith.constant 0 : i32
      %dma_start3A_78 = tpu.memref_slice %arg3[%mul3A_17, %dma_start3A_77] : memref<2560x128xi32, #tpu.memory_space<hbm>> -> memref<160x128xi32, #tpu.memory_space<hbm>>
      tpu.enqueue_dma source(%dma_start3A_78 : memref<160x128xi32, #tpu.memory_space<hbm>>) target(%arg7 : memref<160x128xi32, #tpu.memory_space<vmem>>) target_semaphore(%run_scoped3A_74 : memref<!tpu.dma_semaphore, #tpu.memory_space<semaphore_mem>>)
      %dma_wait3A_79 = arith.constant 0 : i32
      %dma_wait3A_80 = tpu.memref_slice %arg3[%mul3A_17, %dma_wait3A_79] : memref<2560x128xi32, #tpu.memory_space<hbm>> -> memref<160x128xi32, #tpu.memory_space<hbm>>
      %dma_wait3A_81 = arith.constant 0 : i32
      %dma_wait3A_82 = tpu.memref_slice %arg3[%mul3A_17, %dma_wait3A_81] : memref<2560x128xi32, #tpu.memory_space<hbm>> -> memref<160x128xi32, #tpu.memory_space<hbm>>
      tpu.wait_dma2 semaphore(%run_scoped3A_74 : memref<!tpu.dma_semaphore, #tpu.memory_space<semaphore_mem>>) src(%dma_wait3A_82 : memref<160x128xi32, #tpu.memory_space<hbm>>) dst(%arg7 : memref<160x128xi32, #tpu.memory_space<vmem>>)
      tpu.yield
    }) : () -> ()
    %mul3A_18 = arith.constant 160 : i32
    %mul3A_19 = arith.muli %arg1, %mul3A_18 : i32
    "tpu.region"() ({
      %run_scoped3A_74 = tpu.sem_alloc : memref<!tpu.dma_semaphore, #tpu.memory_space<semaphore_mem>>
      %dma_start3A_75 = arith.constant 0 : i32
      %dma_start3A_76 = tpu.memref_slice %arg4[%arg0, %mul3A_19, %dma_start3A_75] : memref<2x2560x128xi32, #tpu.memory_space<hbm>> -> memref<1x160x128xi32, #tpu.memory_space<hbm>>
      %dma_start3A_77 = tpu.memref_squeeze %dma_start3A_76 : memref<1x160x128xi32, #tpu.memory_space<hbm>> -> memref<160x128xi32, #tpu.memory_space<hbm>>
      %dma_start3A_78 = arith.constant 0 : i32
      %dma_start3A_79 = tpu.memref_slice %arg4[%arg0, %mul3A_19, %dma_start3A_78] : memref<2x2560x128xi32, #tpu.memory_space<hbm>> -> memref<1x160x128xi32, #tpu.memory_space<hbm>>
      %dma_start3A_80 = tpu.memref_squeeze %dma_start3A_79 : memref<1x160x128xi32, #tpu.memory_space<hbm>> -> memref<160x128xi32, #tpu.memory_space<hbm>>
      tpu.enqueue_dma source(%dma_start3A_80 : memref<160x128xi32, #tpu.memory_space<hbm>>) target(%arg8 : memref<160x128xi32, #tpu.memory_space<vmem>>) target_semaphore(%run_scoped3A_74 : memref<!tpu.dma_semaphore, #tpu.memory_space<semaphore_mem>>)
      %dma_wait3A_81 = arith.constant 0 : i32
      %dma_wait3A_82 = tpu.memref_slice %arg4[%arg0, %mul3A_19, %dma_wait3A_81] : memref<2x2560x128xi32, #tpu.memory_space<hbm>> -> memref<1x160x128xi32, #tpu.memory_space<hbm>>
      %dma_wait3A_83 = tpu.memref_squeeze %dma_wait3A_82 : memref<1x160x128xi32, #tpu.memory_space<hbm>> -> memref<160x128xi32, #tpu.memory_space<hbm>>
      %dma_wait3A_84 = arith.constant 0 : i32
      %dma_wait3A_85 = tpu.memref_slice %arg4[%arg0, %mul3A_19, %dma_wait3A_84] : memref<2x2560x128xi32, #tpu.memory_space<hbm>> -> memref<1x160x128xi32, #tpu.memory_space<hbm>>
      %dma_wait3A_86 = tpu.memref_squeeze %dma_wait3A_85 : memref<1x160x128xi32, #tpu.memory_space<hbm>> -> memref<160x128xi32, #tpu.memory_space<hbm>>
      tpu.wait_dma2 semaphore(%run_scoped3A_74 : memref<!tpu.dma_semaphore, #tpu.memory_space<semaphore_mem>>) src(%dma_wait3A_86 : memref<160x128xi32, #tpu.memory_space<hbm>>) dst(%arg8 : memref<160x128xi32, #tpu.memory_space<vmem>>)
      tpu.yield
    }) : () -> ()
    %barrier3A = arith.constant 0 : index
    tpu.barrier barrier_id(%barrier3A)
    %dma_start3A = arith.constant 0 : i32
    %dma_start3A_20 = arith.constant 0 : i32
    %dma_start3A_21 = tpu.memref_slice %arg7[%dma_start3A, %dma_start3A_20] : memref<160x128xi32, #tpu.memory_space<vmem>> -> memref<1x128xi32, #tpu.memory_space<vmem>>
    %dma_start3A_22 = tpu.memref_squeeze %dma_start3A_21 : memref<1x128xi32, #tpu.memory_space<vmem>> -> memref<128xi32, #tpu.memory_space<vmem>>
    %dma_start3A_23 = arith.constant 0 : i32
    %dma_start3A_24 = arith.constant 0 : i32
    %dma_start3A_25 = tpu.memref_slice %arg2[%dma_start3A_23, %dma_start3A_24] : memref<10240x128xf32, #tpu.memory_space<hbm>> -> memref<10240x128xf32, #tpu.memory_space<hbm>>
    tpu.enqueue_indirect_dma source(%dma_start3A_25 : memref<10240x128xf32, #tpu.memory_space<hbm>>) target(%arg9 : memref<128x128xf32, #tpu.memory_space<vmem>>) offsets(%dma_start3A_22 : memref<128xi32, #tpu.memory_space<vmem>>) semaphore(%arg11 : memref<!tpu.dma_semaphore, #tpu.memory_space<semaphore_mem>>)
    %dma_start3A_26 = arith.constant 1 : i32
    %dma_start3A_27 = arith.constant 0 : i32
    %dma_start3A_28 = tpu.memref_slice %arg7[%dma_start3A_26, %dma_start3A_27] : memref<160x128xi32, #tpu.memory_space<vmem>> -> memref<1x128xi32, #tpu.memory_space<vmem>>
    %dma_start3A_29 = tpu.memref_squeeze %dma_start3A_28 : memref<1x128xi32, #tpu.memory_space<vmem>> -> memref<128xi32, #tpu.memory_space<vmem>>
    %dma_start3A_30 = arith.constant 0 : i32
    %dma_start3A_31 = arith.constant 0 : i32
    %dma_start3A_32 = tpu.memref_slice %arg2[%dma_start3A_30, %dma_start3A_31] : memref<10240x128xf32, #tpu.memory_space<hbm>> -> memref<10240x128xf32, #tpu.memory_space<hbm>>
    tpu.enqueue_indirect_dma source(%dma_start3A_32 : memref<10240x128xf32, #tpu.memory_space<hbm>>) target(%arg10 : memref<128x128xf32, #tpu.memory_space<vmem>>) offsets(%dma_start3A_29 : memref<128xi32, #tpu.memory_space<vmem>>) semaphore(%arg12 : memref<!tpu.dma_semaphore, #tpu.memory_space<semaphore_mem>>)
    %scan3A = arith.constant 0 : i32
    %scan3A_33 = arith.constant 0 : i32
    %scan3A_34 = arith.constant 79 : i32
    %scan3A_35 = arith.addi %scan3A_33, %scan3A_34 : i32
    %scan3A_36 = arith.constant 1 : i32
    scf.for %scan3A_74 = %scan3A_33 to %scan3A_35 step %scan3A_36  : i32 {
      %mul3A_75 = arith.constant 2 : i32
      %mul3A_76 = arith.muli %mul3A_75, %scan3A_74 : i32
      %dma_wait3A_77 = arith.constant 0 : i32
      %dma_wait3A_78 = tpu.memref_slice %arg7[%mul3A_76, %dma_wait3A_77] : memref<160x128xi32, #tpu.memory_space<vmem>> -> memref<1x128xi32, #tpu.memory_space<vmem>>
      %dma_wait3A_79 = tpu.memref_squeeze %dma_wait3A_78 : memref<1x128xi32, #tpu.memory_space<vmem>> -> memref<128xi32, #tpu.memory_space<vmem>>
      %dma_wait3A_80 = arith.constant 0 : i32
      %dma_wait3A_81 = arith.constant 0 : i32
      %dma_wait3A_82 = tpu.memref_slice %arg2[%dma_wait3A_80, %dma_wait3A_81] : memref<10240x128xf32, #tpu.memory_space<hbm>> -> memref<10240x128xf32, #tpu.memory_space<hbm>>
      tpu.wait_indirect_dma semaphore(%arg11 : memref<!tpu.dma_semaphore, #tpu.memory_space<semaphore_mem>>) src(%dma_wait3A_82 : memref<10240x128xf32, #tpu.memory_space<hbm>>) dst(%arg9 : memref<128x128xf32, #tpu.memory_space<vmem>>)
      "tpu.region"() ({
        %run_scoped3A_109 = tpu.sem_alloc : memref<!tpu.dma_semaphore, #tpu.memory_space<semaphore_mem>>
        %dma_start3A_110 = arith.constant 0 : i32
        %dma_start3A_111 = tpu.memref_slice %arg8[%mul3A_76, %dma_start3A_110] : memref<160x128xi32, #tpu.memory_space<vmem>> -> memref<1x128xi32, #tpu.memory_space<vmem>>
        %dma_start3A_112 = tpu.memref_squeeze %dma_start3A_111 : memref<1x128xi32, #tpu.memory_space<vmem>> -> memref<128xi32, #tpu.memory_space<vmem>>
        %dma_start3A_113 = arith.constant 0 : i32
        %dma_start3A_114 = arith.constant 0 : i32
        %dma_start3A_115 = tpu.memref_slice %arg15[%dma_start3A_113, %dma_start3A_114] : memref<5248x128xf32, #tpu.memory_space<vmem_shared>> -> memref<5248x128xf32, #tpu.memory_space<vmem_shared>>
        tpu.enqueue_indirect_dma source(%arg9 : memref<128x128xf32, #tpu.memory_space<vmem>>) target(%dma_start3A_115 : memref<5248x128xf32, #tpu.memory_space<vmem_shared>>) offsets(%dma_start3A_112 : memref<128xi32, #tpu.memory_space<vmem>>) semaphore(%run_scoped3A_109 : memref<!tpu.dma_semaphore, #tpu.memory_space<semaphore_mem>>) {add = true}
        %dma_wait3A_116 = arith.constant 0 : i32
        %dma_wait3A_117 = tpu.memref_slice %arg8[%mul3A_76, %dma_wait3A_116] : memref<160x128xi32, #tpu.memory_space<vmem>> -> memref<1x128xi32, #tpu.memory_space<vmem>>
        %dma_wait3A_118 = tpu.memref_squeeze %dma_wait3A_117 : memref<1x128xi32, #tpu.memory_space<vmem>> -> memref<128xi32, #tpu.memory_space<vmem>>
        %dma_wait3A_119 = arith.constant 0 : i32
        %dma_wait3A_120 = arith.constant 0 : i32
        %dma_wait3A_121 = tpu.memref_slice %arg15[%dma_wait3A_119, %dma_wait3A_120] : memref<5248x128xf32, #tpu.memory_space<vmem_shared>> -> memref<5248x128xf32, #tpu.memory_space<vmem_shared>>
        tpu.wait_indirect_dma semaphore(%run_scoped3A_109 : memref<!tpu.dma_semaphore, #tpu.memory_space<semaphore_mem>>) src(%arg9 : memref<128x128xf32, #tpu.memory_space<vmem>>) dst(%dma_wait3A_121 : memref<5248x128xf32, #tpu.memory_space<vmem_shared>>)
        tpu.yield
      }) : () -> ()
      %add3A_83 = arith.constant 2 : i32
      %add3A_84 = arith.addi %mul3A_76, %add3A_83 : i32
      %dma_start3A_85 = arith.constant 0 : i32
      %dma_start3A_86 = tpu.memref_slice %arg7[%add3A_84, %dma_start3A_85] : memref<160x128xi32, #tpu.memory_space<vmem>> -> memref<1x128xi32, #tpu.memory_space<vmem>>
      %dma_start3A_87 = tpu.memref_squeeze %dma_start3A_86 : memref<1x128xi32, #tpu.memory_space<vmem>> -> memref<128xi32, #tpu.memory_space<vmem>>
      %dma_start3A_88 = arith.constant 0 : i32
      %dma_start3A_89 = arith.constant 0 : i32
      %dma_start3A_90 = tpu.memref_slice %arg2[%dma_start3A_88, %dma_start3A_89] : memref<10240x128xf32, #tpu.memory_space<hbm>> -> memref<10240x128xf32, #tpu.memory_space<hbm>>
      tpu.enqueue_indirect_dma source(%dma_start3A_90 : memref<10240x128xf32, #tpu.memory_space<hbm>>) target(%arg9 : memref<128x128xf32, #tpu.memory_space<vmem>>) offsets(%dma_start3A_87 : memref<128xi32, #tpu.memory_space<vmem>>) semaphore(%arg11 : memref<!tpu.dma_semaphore, #tpu.memory_space<semaphore_mem>>)
      %add3A_91 = arith.constant 1 : i32
      %add3A_92 = arith.addi %mul3A_76, %add3A_91 : i32
      %dma_wait3A_93 = arith.constant 0 : i32
      %dma_wait3A_94 = tpu.memref_slice %arg7[%add3A_92, %dma_wait3A_93] : memref<160x128xi32, #tpu.memory_space<vmem>> -> memref<1x128xi32, #tpu.memory_space<vmem>>
      %dma_wait3A_95 = tpu.memref_squeeze %dma_wait3A_94 : memref<1x128xi32, #tpu.memory_space<vmem>> -> memref<128xi32, #tpu.memory_space<vmem>>
      %dma_wait3A_96 = arith.constant 0 : i32
      %dma_wait3A_97 = arith.constant 0 : i32
      %dma_wait3A_98 = tpu.memref_slice %arg2[%dma_wait3A_96, %dma_wait3A_97] : memref<10240x128xf32, #tpu.memory_space<hbm>> -> memref<10240x128xf32, #tpu.memory_space<hbm>>
      tpu.wait_indirect_dma semaphore(%arg12 : memref<!tpu.dma_semaphore, #tpu.memory_space<semaphore_mem>>) src(%dma_wait3A_98 : memref<10240x128xf32, #tpu.memory_space<hbm>>) dst(%arg10 : memref<128x128xf32, #tpu.memory_space<vmem>>)
      %add3A_99 = arith.constant 1 : i32
      %add3A_100 = arith.addi %mul3A_76, %add3A_99 : i32
      "tpu.region"() ({
        %run_scoped3A_109 = tpu.sem_alloc : memref<!tpu.dma_semaphore, #tpu.memory_space<semaphore_mem>>
        %dma_start3A_110 = arith.constant 0 : i32
        %dma_start3A_111 = tpu.memref_slice %arg8[%add3A_100, %dma_start3A_110] : memref<160x128xi32, #tpu.memory_space<vmem>> -> memref<1x128xi32, #tpu.memory_space<vmem>>
        %dma_start3A_112 = tpu.memref_squeeze %dma_start3A_111 : memref<1x128xi32, #tpu.memory_space<vmem>> -> memref<128xi32, #tpu.memory_space<vmem>>
        %dma_start3A_113 = arith.constant 0 : i32
        %dma_start3A_114 = arith.constant 0 : i32
        %dma_start3A_115 = tpu.memref_slice %arg15[%dma_start3A_113, %dma_start3A_114] : memref<5248x128xf32, #tpu.memory_space<vmem_shared>> -> memref<5248x128xf32, #tpu.memory_space<vmem_shared>>
        tpu.enqueue_indirect_dma source(%arg10 : memref<128x128xf32, #tpu.memory_space<vmem>>) target(%dma_start3A_115 : memref<5248x128xf32, #tpu.memory_space<vmem_shared>>) offsets(%dma_start3A_112 : memref<128xi32, #tpu.memory_space<vmem>>) semaphore(%run_scoped3A_109 : memref<!tpu.dma_semaphore, #tpu.memory_space<semaphore_mem>>) {add = true}
        %dma_wait3A_116 = arith.constant 0 : i32
        %dma_wait3A_117 = tpu.memref_slice %arg8[%add3A_100, %dma_wait3A_116] : memref<160x128xi32, #tpu.memory_space<vmem>> -> memref<1x128xi32, #tpu.memory_space<vmem>>
        %dma_wait3A_118 = tpu.memref_squeeze %dma_wait3A_117 : memref<1x128xi32, #tpu.memory_space<vmem>> -> memref<128xi32, #tpu.memory_space<vmem>>
        %dma_wait3A_119 = arith.constant 0 : i32
        %dma_wait3A_120 = arith.constant 0 : i32
        %dma_wait3A_121 = tpu.memref_slice %arg15[%dma_wait3A_119, %dma_wait3A_120] : memref<5248x128xf32, #tpu.memory_space<vmem_shared>> -> memref<5248x128xf32, #tpu.memory_space<vmem_shared>>
        tpu.wait_indirect_dma semaphore(%run_scoped3A_109 : memref<!tpu.dma_semaphore, #tpu.memory_space<semaphore_mem>>) src(%arg10 : memref<128x128xf32, #tpu.memory_space<vmem>>) dst(%dma_wait3A_121 : memref<5248x128xf32, #tpu.memory_space<vmem_shared>>)
        tpu.yield
      }) : () -> ()
      %add3A_101 = arith.constant 3 : i32
      %add3A_102 = arith.addi %mul3A_76, %add3A_101 : i32
      %dma_start3A_103 = arith.constant 0 : i32
      %dma_start3A_104 = tpu.memref_slice %arg7[%add3A_102, %dma_start3A_103] : memref<160x128xi32, #tpu.memory_space<vmem>> -> memref<1x128xi32, #tpu.memory_space<vmem>>
      %dma_start3A_105 = tpu.memref_squeeze %dma_start3A_104 : memref<1x128xi32, #tpu.memory_space<vmem>> -> memref<128xi32, #tpu.memory_space<vmem>>
      %dma_start3A_106 = arith.constant 0 : i32
      %dma_start3A_107 = arith.constant 0 : i32
      %dma_start3A_108 = tpu.memref_slice %arg2[%dma_start3A_106, %dma_start3A_107] : memref<10240x128xf32, #tpu.memory_space<hbm>> -> memref<10240x128xf32, #tpu.memory_space<hbm>>
      tpu.enqueue_indirect_dma source(%dma_start3A_108 : memref<10240x128xf32, #tpu.memory_space<hbm>>) target(%arg10 : memref<128x128xf32, #tpu.memory_space<vmem>>) offsets(%dma_start3A_105 : memref<128xi32, #tpu.memory_space<vmem>>) semaphore(%arg12 : memref<!tpu.dma_semaphore, #tpu.memory_space<semaphore_mem>>)
    }
    %scan3A_37 = arith.constant 79 : i32
    %dma_wait3A = arith.constant 158 : i32
    %dma_wait3A_38 = arith.constant 0 : i32
    %dma_wait3A_39 = tpu.memref_slice %arg7[%dma_wait3A, %dma_wait3A_38] : memref<160x128xi32, #tpu.memory_space<vmem>> -> memref<1x128xi32, #tpu.memory_space<vmem>>
    %dma_wait3A_40 = tpu.memref_squeeze %dma_wait3A_39 : memref<1x128xi32, #tpu.memory_space<vmem>> -> memref<128xi32, #tpu.memory_space<vmem>>
    %dma_wait3A_41 = arith.constant 0 : i32
    %dma_wait3A_42 = arith.constant 0 : i32
    %dma_wait3A_43 = tpu.memref_slice %arg2[%dma_wait3A_41, %dma_wait3A_42] : memref<10240x128xf32, #tpu.memory_space<hbm>> -> memref<10240x128xf32, #tpu.memory_space<hbm>>
    tpu.wait_indirect_dma semaphore(%arg11 : memref<!tpu.dma_semaphore, #tpu.memory_space<semaphore_mem>>) src(%dma_wait3A_43 : memref<10240x128xf32, #tpu.memory_space<hbm>>) dst(%arg9 : memref<128x128xf32, #tpu.memory_space<vmem>>)
    %run_scoped3A = arith.constant 158 : i32
    "tpu.region"() ({
      %run_scoped3A_74 = tpu.sem_alloc : memref<!tpu.dma_semaphore, #tpu.memory_space<semaphore_mem>>
      %dma_start3A_75 = arith.constant 0 : i32
      %dma_start3A_76 = tpu.memref_slice %arg8[%run_scoped3A, %dma_start3A_75] : memref<160x128xi32, #tpu.memory_space<vmem>> -> memref<1x128xi32, #tpu.memory_space<vmem>>
      %dma_start3A_77 = tpu.memref_squeeze %dma_start3A_76 : memref<1x128xi32, #tpu.memory_space<vmem>> -> memref<128xi32, #tpu.memory_space<vmem>>
      %dma_start3A_78 = arith.constant 0 : i32
      %dma_start3A_79 = arith.constant 0 : i32
      %dma_start3A_80 = tpu.memref_slice %arg15[%dma_start3A_78, %dma_start3A_79] : memref<5248x128xf32, #tpu.memory_space<vmem_shared>> -> memref<5248x128xf32, #tpu.memory_space<vmem_shared>>
      tpu.enqueue_indirect_dma source(%arg9 : memref<128x128xf32, #tpu.memory_space<vmem>>) target(%dma_start3A_80 : memref<5248x128xf32, #tpu.memory_space<vmem_shared>>) offsets(%dma_start3A_77 : memref<128xi32, #tpu.memory_space<vmem>>) semaphore(%run_scoped3A_74 : memref<!tpu.dma_semaphore, #tpu.memory_space<semaphore_mem>>) {add = true}
      %dma_wait3A_81 = arith.constant 0 : i32
      %dma_wait3A_82 = tpu.memref_slice %arg8[%run_scoped3A, %dma_wait3A_81] : memref<160x128xi32, #tpu.memory_space<vmem>> -> memref<1x128xi32, #tpu.memory_space<vmem>>
      %dma_wait3A_83 = tpu.memref_squeeze %dma_wait3A_82 : memref<1x128xi32, #tpu.memory_space<vmem>> -> memref<128xi32, #tpu.memory_space<vmem>>
      %dma_wait3A_84 = arith.constant 0 : i32
      %dma_wait3A_85 = arith.constant 0 : i32
      %dma_wait3A_86 = tpu.memref_slice %arg15[%dma_wait3A_84, %dma_wait3A_85] : memref<5248x128xf32, #tpu.memory_space<vmem_shared>> -> memref<5248x128xf32, #tpu.memory_space<vmem_shared>>
      tpu.wait_indirect_dma semaphore(%run_scoped3A_74 : memref<!tpu.dma_semaphore, #tpu.memory_space<semaphore_mem>>) src(%arg9 : memref<128x128xf32, #tpu.memory_space<vmem>>) dst(%dma_wait3A_86 : memref<5248x128xf32, #tpu.memory_space<vmem_shared>>)
      tpu.yield
    }) : () -> ()
    %dma_wait3A_44 = arith.constant 159 : i32
    %dma_wait3A_45 = arith.constant 0 : i32
    %dma_wait3A_46 = tpu.memref_slice %arg7[%dma_wait3A_44, %dma_wait3A_45] : memref<160x128xi32, #tpu.memory_space<vmem>> -> memref<1x128xi32, #tpu.memory_space<vmem>>
    %dma_wait3A_47 = tpu.memref_squeeze %dma_wait3A_46 : memref<1x128xi32, #tpu.memory_space<vmem>> -> memref<128xi32, #tpu.memory_space<vmem>>
    %dma_wait3A_48 = arith.constant 0 : i32
    %dma_wait3A_49 = arith.constant 0 : i32
    %dma_wait3A_50 = tpu.memref_slice %arg2[%dma_wait3A_48, %dma_wait3A_49] : memref<10240x128xf32, #tpu.memory_space<hbm>> -> memref<10240x128xf32, #tpu.memory_space<hbm>>
    tpu.wait_indirect_dma semaphore(%arg12 : memref<!tpu.dma_semaphore, #tpu.memory_space<semaphore_mem>>) src(%dma_wait3A_50 : memref<10240x128xf32, #tpu.memory_space<hbm>>) dst(%arg10 : memref<128x128xf32, #tpu.memory_space<vmem>>)
    %run_scoped3A_51 = arith.constant 159 : i32
    "tpu.region"() ({
      %run_scoped3A_74 = tpu.sem_alloc : memref<!tpu.dma_semaphore, #tpu.memory_space<semaphore_mem>>
      %dma_start3A_75 = arith.constant 0 : i32
      %dma_start3A_76 = tpu.memref_slice %arg8[%run_scoped3A_51, %dma_start3A_75] : memref<160x128xi32, #tpu.memory_space<vmem>> -> memref<1x128xi32, #tpu.memory_space<vmem>>
      %dma_start3A_77 = tpu.memref_squeeze %dma_start3A_76 : memref<1x128xi32, #tpu.memory_space<vmem>> -> memref<128xi32, #tpu.memory_space<vmem>>
      %dma_start3A_78 = arith.constant 0 : i32
      %dma_start3A_79 = arith.constant 0 : i32
      %dma_start3A_80 = tpu.memref_slice %arg15[%dma_start3A_78, %dma_start3A_79] : memref<5248x128xf32, #tpu.memory_space<vmem_shared>> -> memref<5248x128xf32, #tpu.memory_space<vmem_shared>>
      tpu.enqueue_indirect_dma source(%arg10 : memref<128x128xf32, #tpu.memory_space<vmem>>) target(%dma_start3A_80 : memref<5248x128xf32, #tpu.memory_space<vmem_shared>>) offsets(%dma_start3A_77 : memref<128xi32, #tpu.memory_space<vmem>>) semaphore(%run_scoped3A_74 : memref<!tpu.dma_semaphore, #tpu.memory_space<semaphore_mem>>) {add = true}
      %dma_wait3A_81 = arith.constant 0 : i32
      %dma_wait3A_82 = tpu.memref_slice %arg8[%run_scoped3A_51, %dma_wait3A_81] : memref<160x128xi32, #tpu.memory_space<vmem>> -> memref<1x128xi32, #tpu.memory_space<vmem>>
      %dma_wait3A_83 = tpu.memref_squeeze %dma_wait3A_82 : memref<1x128xi32, #tpu.memory_space<vmem>> -> memref<128xi32, #tpu.memory_space<vmem>>
      %dma_wait3A_84 = arith.constant 0 : i32
      %dma_wait3A_85 = arith.constant 0 : i32
      %dma_wait3A_86 = tpu.memref_slice %arg15[%dma_wait3A_84, %dma_wait3A_85] : memref<5248x128xf32, #tpu.memory_space<vmem_shared>> -> memref<5248x128xf32, #tpu.memory_space<vmem_shared>>
      tpu.wait_indirect_dma semaphore(%run_scoped3A_74 : memref<!tpu.dma_semaphore, #tpu.memory_space<semaphore_mem>>) src(%arg10 : memref<128x128xf32, #tpu.memory_space<vmem>>) dst(%dma_wait3A_86 : memref<5248x128xf32, #tpu.memory_space<vmem_shared>>)
      tpu.yield
    }) : () -> ()
    %barrier3A_52 = arith.constant 0 : index
    tpu.barrier barrier_id(%barrier3A_52)
    %add3A_53 = arith.constant 0 : i32
    %add3A_54 = arith.addi %add3A_53, %arg1 : i32
    %lt3A_55 = arith.constant 40 : i32
    %lt3A_56 = arith.cmpi slt, %add3A_54, %lt3A_55 : i32
    %convert_element_type3A_57 = arith.extui %lt3A_56 : i1 to i32
    %cond3A_58 = arith.constant 0 : i32
    %cond3A_59 = arith.cmpi ne, %convert_element_type3A_57, %cond3A_58 : i32
    scf.if %cond3A_59 {
      %mul3A_74 = arith.constant 128 : i32
      %mul3A_75 = arith.muli %add3A_54, %mul3A_74 : i32
      "tpu.region"() ({
        %run_scoped3A_78 = tpu.sem_alloc : memref<!tpu.dma_semaphore, #tpu.memory_space<semaphore_mem>>
        %dma_start3A_79 = arith.constant 0 : i32
        %dma_start3A_80 = tpu.memref_slice %arg15[%mul3A_75, %dma_start3A_79] : memref<5248x128xf32, #tpu.memory_space<vmem_shared>> -> memref<128x128xf32, #tpu.memory_space<vmem_shared>>
        %dma_start3A_81 = arith.constant 0 : i32
        %dma_start3A_82 = tpu.memref_slice %arg15[%mul3A_75, %dma_start3A_81] : memref<5248x128xf32, #tpu.memory_space<vmem_shared>> -> memref<128x128xf32, #tpu.memory_space<vmem_shared>>
        tpu.enqueue_dma source(%dma_start3A_82 : memref<128x128xf32, #tpu.memory_space<vmem_shared>>) target(%arg9 : memref<128x128xf32, #tpu.memory_space<vmem>>) target_semaphore(%run_scoped3A_78 : memref<!tpu.dma_semaphore, #tpu.memory_space<semaphore_mem>>)
        %dma_wait3A_83 = arith.constant 0 : i32
        %dma_wait3A_84 = tpu.memref_slice %arg15[%mul3A_75, %dma_wait3A_83] : memref<5248x128xf32, #tpu.memory_space<vmem_shared>> -> memref<128x128xf32, #tpu.memory_space<vmem_shared>>
        %dma_wait3A_85 = arith.constant 0 : i32
        %dma_wait3A_86 = tpu.memref_slice %arg15[%mul3A_75, %dma_wait3A_85] : memref<5248x128xf32, #tpu.memory_space<vmem_shared>> -> memref<128x128xf32, #tpu.memory_space<vmem_shared>>
        tpu.wait_dma2 semaphore(%run_scoped3A_78 : memref<!tpu.dma_semaphore, #tpu.memory_space<semaphore_mem>>) src(%dma_wait3A_86 : memref<128x128xf32, #tpu.memory_space<vmem_shared>>) dst(%arg9 : memref<128x128xf32, #tpu.memory_space<vmem>>)
        tpu.yield
      }) : () -> ()
      %mul3A_76 = arith.constant 128 : i32
      %mul3A_77 = arith.muli %add3A_54, %mul3A_76 : i32
      "tpu.region"() ({
        %run_scoped3A_78 = tpu.sem_alloc : memref<!tpu.dma_semaphore, #tpu.memory_space<semaphore_mem>>
        %dma_start3A_79 = arith.constant 0 : i32
        %dma_start3A_80 = tpu.memref_slice %arg6[%arg0, %mul3A_77, %dma_start3A_79] : memref<2x5120x128xf32, #tpu.memory_space<hbm>> -> memref<1x128x128xf32, #tpu.memory_space<hbm>>
        %dma_start3A_81 = tpu.memref_squeeze %dma_start3A_80 : memref<1x128x128xf32, #tpu.memory_space<hbm>> -> memref<128x128xf32, #tpu.memory_space<hbm>>
        %dma_start3A_82 = arith.constant 0 : i32
        %dma_start3A_83 = tpu.memref_slice %arg6[%arg0, %mul3A_77, %dma_start3A_82] : memref<2x5120x128xf32, #tpu.memory_space<hbm>> -> memref<1x128x128xf32, #tpu.memory_space<hbm>>
        %dma_start3A_84 = tpu.memref_squeeze %dma_start3A_83 : memref<1x128x128xf32, #tpu.memory_space<hbm>> -> memref<128x128xf32, #tpu.memory_space<hbm>>
        tpu.enqueue_dma source(%arg9 : memref<128x128xf32, #tpu.memory_space<vmem>>) target(%dma_start3A_84 : memref<128x128xf32, #tpu.memory_space<hbm>>) target_semaphore(%run_scoped3A_78 : memref<!tpu.dma_semaphore, #tpu.memory_space<semaphore_mem>>)
        %dma_wait3A_85 = arith.constant 0 : i32
        %dma_wait3A_86 = tpu.memref_slice %arg6[%arg0, %mul3A_77, %dma_wait3A_85] : memref<2x5120x128xf32, #tpu.memory_space<hbm>> -> memref<1x128x128xf32, #tpu.memory_space<hbm>>
        %dma_wait3A_87 = tpu.memref_squeeze %dma_wait3A_86 : memref<1x128x128xf32, #tpu.memory_space<hbm>> -> memref<128x128xf32, #tpu.memory_space<hbm>>
        %dma_wait3A_88 = arith.constant 0 : i32
        %dma_wait3A_89 = tpu.memref_slice %arg6[%arg0, %mul3A_77, %dma_wait3A_88] : memref<2x5120x128xf32, #tpu.memory_space<hbm>> -> memref<1x128x128xf32, #tpu.memory_space<hbm>>
        %dma_wait3A_90 = tpu.memref_squeeze %dma_wait3A_89 : memref<1x128x128xf32, #tpu.memory_space<hbm>> -> memref<128x128xf32, #tpu.memory_space<hbm>>
        tpu.wait_dma2 semaphore(%run_scoped3A_78 : memref<!tpu.dma_semaphore, #tpu.memory_space<semaphore_mem>>) src(%arg9 : memref<128x128xf32, #tpu.memory_space<vmem>>) dst(%dma_wait3A_90 : memref<128x128xf32, #tpu.memory_space<hbm>>)
        tpu.yield
      }) : () -> ()
    } else {
    }
    %add3A_60 = arith.constant 16 : i32
    %add3A_61 = arith.addi %add3A_60, %arg1 : i32
    %lt3A_62 = arith.constant 40 : i32
    %lt3A_63 = arith.cmpi slt, %add3A_61, %lt3A_62 : i32
    %convert_element_type3A_64 = arith.extui %lt3A_63 : i1 to i32
    %cond3A_65 = arith.constant 0 : i32
    %cond3A_66 = arith.cmpi ne, %convert_element_type3A_64, %cond3A_65 : i32
    scf.if %cond3A_66 {
      %mul3A_74 = arith.constant 128 : i32
      %mul3A_75 = arith.muli %add3A_61, %mul3A_74 : i32
      "tpu.region"() ({
        %run_scoped3A_78 = tpu.sem_alloc : memref<!tpu.dma_semaphore, #tpu.memory_space<semaphore_mem>>
        %dma_start3A_79 = arith.constant 0 : i32
        %dma_start3A_80 = tpu.memref_slice %arg15[%mul3A_75, %dma_start3A_79] : memref<5248x128xf32, #tpu.memory_space<vmem_shared>> -> memref<128x128xf32, #tpu.memory_space<vmem_shared>>
        %dma_start3A_81 = arith.constant 0 : i32
        %dma_start3A_82 = tpu.memref_slice %arg15[%mul3A_75, %dma_start3A_81] : memref<5248x128xf32, #tpu.memory_space<vmem_shared>> -> memref<128x128xf32, #tpu.memory_space<vmem_shared>>
        tpu.enqueue_dma source(%dma_start3A_82 : memref<128x128xf32, #tpu.memory_space<vmem_shared>>) target(%arg9 : memref<128x128xf32, #tpu.memory_space<vmem>>) target_semaphore(%run_scoped3A_78 : memref<!tpu.dma_semaphore, #tpu.memory_space<semaphore_mem>>)
        %dma_wait3A_83 = arith.constant 0 : i32
        %dma_wait3A_84 = tpu.memref_slice %arg15[%mul3A_75, %dma_wait3A_83] : memref<5248x128xf32, #tpu.memory_space<vmem_shared>> -> memref<128x128xf32, #tpu.memory_space<vmem_shared>>
        %dma_wait3A_85 = arith.constant 0 : i32
        %dma_wait3A_86 = tpu.memref_slice %arg15[%mul3A_75, %dma_wait3A_85] : memref<5248x128xf32, #tpu.memory_space<vmem_shared>> -> memref<128x128xf32, #tpu.memory_space<vmem_shared>>
        tpu.wait_dma2 semaphore(%run_scoped3A_78 : memref<!tpu.dma_semaphore, #tpu.memory_space<semaphore_mem>>) src(%dma_wait3A_86 : memref<128x128xf32, #tpu.memory_space<vmem_shared>>) dst(%arg9 : memref<128x128xf32, #tpu.memory_space<vmem>>)
        tpu.yield
      }) : () -> ()
      %mul3A_76 = arith.constant 128 : i32
      %mul3A_77 = arith.muli %add3A_61, %mul3A_76 : i32
      "tpu.region"() ({
        %run_scoped3A_78 = tpu.sem_alloc : memref<!tpu.dma_semaphore, #tpu.memory_space<semaphore_mem>>
        %dma_start3A_79 = arith.constant 0 : i32
        %dma_start3A_80 = tpu.memref_slice %arg6[%arg0, %mul3A_77, %dma_start3A_79] : memref<2x5120x128xf32, #tpu.memory_space<hbm>> -> memref<1x128x128xf32, #tpu.memory_space<hbm>>
        %dma_start3A_81 = tpu.memref_squeeze %dma_start3A_80 : memref<1x128x128xf32, #tpu.memory_space<hbm>> -> memref<128x128xf32, #tpu.memory_space<hbm>>
        %dma_start3A_82 = arith.constant 0 : i32
        %dma_start3A_83 = tpu.memref_slice %arg6[%arg0, %mul3A_77, %dma_start3A_82] : memref<2x5120x128xf32, #tpu.memory_space<hbm>> -> memref<1x128x128xf32, #tpu.memory_space<hbm>>
        %dma_start3A_84 = tpu.memref_squeeze %dma_start3A_83 : memref<1x128x128xf32, #tpu.memory_space<hbm>> -> memref<128x128xf32, #tpu.memory_space<hbm>>
        tpu.enqueue_dma source(%arg9 : memref<128x128xf32, #tpu.memory_space<vmem>>) target(%dma_start3A_84 : memref<128x128xf32, #tpu.memory_space<hbm>>) target_semaphore(%run_scoped3A_78 : memref<!tpu.dma_semaphore, #tpu.memory_space<semaphore_mem>>)
        %dma_wait3A_85 = arith.constant 0 : i32
        %dma_wait3A_86 = tpu.memref_slice %arg6[%arg0, %mul3A_77, %dma_wait3A_85] : memref<2x5120x128xf32, #tpu.memory_space<hbm>> -> memref<1x128x128xf32, #tpu.memory_space<hbm>>
        %dma_wait3A_87 = tpu.memref_squeeze %dma_wait3A_86 : memref<1x128x128xf32, #tpu.memory_space<hbm>> -> memref<128x128xf32, #tpu.memory_space<hbm>>
        %dma_wait3A_88 = arith.constant 0 : i32
        %dma_wait3A_89 = tpu.memref_slice %arg6[%arg0, %mul3A_77, %dma_wait3A_88] : memref<2x5120x128xf32, #tpu.memory_space<hbm>> -> memref<1x128x128xf32, #tpu.memory_space<hbm>>
        %dma_wait3A_90 = tpu.memref_squeeze %dma_wait3A_89 : memref<1x128x128xf32, #tpu.memory_space<hbm>> -> memref<128x128xf32, #tpu.memory_space<hbm>>
        tpu.wait_dma2 semaphore(%run_scoped3A_78 : memref<!tpu.dma_semaphore, #tpu.memory_space<semaphore_mem>>) src(%arg9 : memref<128x128xf32, #tpu.memory_space<vmem>>) dst(%dma_wait3A_90 : memref<128x128xf32, #tpu.memory_space<hbm>>)
        tpu.yield
      }) : () -> ()
    } else {
    }
    %add3A_67 = arith.constant 32 : i32
    %add3A_68 = arith.addi %add3A_67, %arg1 : i32
    %lt3A_69 = arith.constant 40 : i32
    %lt3A_70 = arith.cmpi slt, %add3A_68, %lt3A_69 : i32
    %convert_element_type3A_71 = arith.extui %lt3A_70 : i1 to i32
    %cond3A_72 = arith.constant 0 : i32
    %cond3A_73 = arith.cmpi ne, %convert_element_type3A_71, %cond3A_72 : i32
    scf.if %cond3A_73 {
      %mul3A_74 = arith.constant 128 : i32
      %mul3A_75 = arith.muli %add3A_68, %mul3A_74 : i32
      "tpu.region"() ({
        %run_scoped3A_78 = tpu.sem_alloc : memref<!tpu.dma_semaphore, #tpu.memory_space<semaphore_mem>>
        %dma_start3A_79 = arith.constant 0 : i32
        %dma_start3A_80 = tpu.memref_slice %arg15[%mul3A_75, %dma_start3A_79] : memref<5248x128xf32, #tpu.memory_space<vmem_shared>> -> memref<128x128xf32, #tpu.memory_space<vmem_shared>>
        %dma_start3A_81 = arith.constant 0 : i32
        %dma_start3A_82 = tpu.memref_slice %arg15[%mul3A_75, %dma_start3A_81] : memref<5248x128xf32, #tpu.memory_space<vmem_shared>> -> memref<128x128xf32, #tpu.memory_space<vmem_shared>>
        tpu.enqueue_dma source(%dma_start3A_82 : memref<128x128xf32, #tpu.memory_space<vmem_shared>>) target(%arg9 : memref<128x128xf32, #tpu.memory_space<vmem>>) target_semaphore(%run_scoped3A_78 : memref<!tpu.dma_semaphore, #tpu.memory_space<semaphore_mem>>)
        %dma_wait3A_83 = arith.constant 0 : i32
        %dma_wait3A_84 = tpu.memref_slice %arg15[%mul3A_75, %dma_wait3A_83] : memref<5248x128xf32, #tpu.memory_space<vmem_shared>> -> memref<128x128xf32, #tpu.memory_space<vmem_shared>>
        %dma_wait3A_85 = arith.constant 0 : i32
        %dma_wait3A_86 = tpu.memref_slice %arg15[%mul3A_75, %dma_wait3A_85] : memref<5248x128xf32, #tpu.memory_space<vmem_shared>> -> memref<128x128xf32, #tpu.memory_space<vmem_shared>>
        tpu.wait_dma2 semaphore(%run_scoped3A_78 : memref<!tpu.dma_semaphore, #tpu.memory_space<semaphore_mem>>) src(%dma_wait3A_86 : memref<128x128xf32, #tpu.memory_space<vmem_shared>>) dst(%arg9 : memref<128x128xf32, #tpu.memory_space<vmem>>)
        tpu.yield
      }) : () -> ()
      %mul3A_76 = arith.constant 128 : i32
      %mul3A_77 = arith.muli %add3A_68, %mul3A_76 : i32
      "tpu.region"() ({
        %run_scoped3A_78 = tpu.sem_alloc : memref<!tpu.dma_semaphore, #tpu.memory_space<semaphore_mem>>
        %dma_start3A_79 = arith.constant 0 : i32
        %dma_start3A_80 = tpu.memref_slice %arg6[%arg0, %mul3A_77, %dma_start3A_79] : memref<2x5120x128xf32, #tpu.memory_space<hbm>> -> memref<1x128x128xf32, #tpu.memory_space<hbm>>
        %dma_start3A_81 = tpu.memref_squeeze %dma_start3A_80 : memref<1x128x128xf32, #tpu.memory_space<hbm>> -> memref<128x128xf32, #tpu.memory_space<hbm>>
        %dma_start3A_82 = arith.constant 0 : i32
        %dma_start3A_83 = tpu.memref_slice %arg6[%arg0, %mul3A_77, %dma_start3A_82] : memref<2x5120x128xf32, #tpu.memory_space<hbm>> -> memref<1x128x128xf32, #tpu.memory_space<hbm>>
        %dma_start3A_84 = tpu.memref_squeeze %dma_start3A_83 : memref<1x128x128xf32, #tpu.memory_space<hbm>> -> memref<128x128xf32, #tpu.memory_space<hbm>>
        tpu.enqueue_dma source(%arg9 : memref<128x128xf32, #tpu.memory_space<vmem>>) target(%dma_start3A_84 : memref<128x128xf32, #tpu.memory_space<hbm>>) target_semaphore(%run_scoped3A_78 : memref<!tpu.dma_semaphore, #tpu.memory_space<semaphore_mem>>)
        %dma_wait3A_85 = arith.constant 0 : i32
        %dma_wait3A_86 = tpu.memref_slice %arg6[%arg0, %mul3A_77, %dma_wait3A_85] : memref<2x5120x128xf32, #tpu.memory_space<hbm>> -> memref<1x128x128xf32, #tpu.memory_space<hbm>>
        %dma_wait3A_87 = tpu.memref_squeeze %dma_wait3A_86 : memref<1x128x128xf32, #tpu.memory_space<hbm>> -> memref<128x128xf32, #tpu.memory_space<hbm>>
        %dma_wait3A_88 = arith.constant 0 : i32
        %dma_wait3A_89 = tpu.memref_slice %arg6[%arg0, %mul3A_77, %dma_wait3A_88] : memref<2x5120x128xf32, #tpu.memory_space<hbm>> -> memref<1x128x128xf32, #tpu.memory_space<hbm>>
        %dma_wait3A_90 = tpu.memref_squeeze %dma_wait3A_89 : memref<1x128x128xf32, #tpu.memory_space<hbm>> -> memref<128x128xf32, #tpu.memory_space<hbm>>
        tpu.wait_dma2 semaphore(%run_scoped3A_78 : memref<!tpu.dma_semaphore, #tpu.memory_space<semaphore_mem>>) src(%arg9 : memref<128x128xf32, #tpu.memory_space<vmem>>) dst(%dma_wait3A_90 : memref<128x128xf32, #tpu.memory_space<hbm>>)
        tpu.yield
      }) : () -> ()
    } else {
    }
    return
  }
}

#map = affine_map<(d0, d1) -> (0, 0)>
#map1 = affine_map<(d0, d1) -> (0, 0, 0)>
module attributes {stable_mosaic.version = 14 : i64} {
  func.func @edge_kernel(%arg0: i32, %arg1: i32, %arg2: memref<10240x128xf32, #tpu.memory_space<hbm>>, %arg3: memref<2560x128xi32, #tpu.memory_space<hbm>>, %arg4: memref<2x2560x128xi32, #tpu.memory_space<hbm>>, %arg5: memref<128x128xf32, #tpu.memory_space<hbm>>, %arg6: memref<2x5120x128xf32, #tpu.memory_space<hbm>>, %arg7: memref<160x128xi32, #tpu.memory_space<vmem>>, %arg8: memref<160x128xi32, #tpu.memory_space<vmem>>, %arg9: memref<128x128xf32, #tpu.memory_space<vmem>>, %arg10: memref<128x128xf32, #tpu.memory_space<vmem>>, %arg11: memref<!tpu.dma_semaphore, #tpu.memory_space<semaphore_mem>>, %arg12: memref<!tpu.dma_semaphore, #tpu.memory_space<semaphore_mem>>, %arg13: memref<!tpu.dma_semaphore, #tpu.memory_space<semaphore_mem>>, %arg14: memref<!tpu.dma_semaphore, #tpu.memory_space<semaphore_mem>>, %arg15: memref<5248x128xf32, #tpu.memory_space<vmem_shared>>) attributes {dimension_semantics = [#tpu.dimension_semantics<core_parallel>, #tpu.dimension_semantics<subcore_parallel>], iteration_bounds = array<i64: 2, 16>, scalar_prefetch = 0 : i64, scratch_operands = 9 : i64, tpu.core_type = #tpu.core_type<sc_vector_subcore>, window_params = [{transform_indices = #map}, {transform_indices = #map}, {transform_indices = #map1}, {transform_indices = #map}, {transform_indices = #map1}]} {
    "tpu.region"() ({
      %run_scoped3A_74 = tpu.sem_alloc : memref<!tpu.dma_semaphore, #tpu.memory_space<semaphore_mem>>
      tpu.enqueue_dma source(%arg5 : memref<128x128xf32, #tpu.memory_space<hbm>>) target(%arg9 : memref<128x128xf32, #tpu.memory_space<vmem>>) target_semaphore(%run_scoped3A_74 : memref<!tpu.dma_semaphore, #tpu.memory_space<semaphore_mem>>)
      tpu.wait_dma2 semaphore(%run_scoped3A_74 : memref<!tpu.dma_semaphore, #tpu.memory_space<semaphore_mem>>) src(%arg5 : memref<128x128xf32, #tpu.memory_space<hbm>>) dst(%arg9 : memref<128x128xf32, #tpu.memory_space<vmem>>)
      tpu.yield
    }) : () -> ()
    %add3A = arith.constant 0 : i32
    %add3A_0 = arith.addi %add3A, %arg1 : i32
    %lt3A = arith.constant 41 : i32
    %lt3A_1 = arith.cmpi slt, %add3A_0, %lt3A : i32
    %convert_element_type3A = arith.extui %lt3A_1 : i1 to i32
    %cond3A = arith.constant 0 : i32
    %cond3A_2 = arith.cmpi ne, %convert_element_type3A, %cond3A : i32
    scf.if %cond3A_2 {
      %mul3A_74 = arith.constant 128 : i32
      %mul3A_75 = arith.muli %add3A_0, %mul3A_74 : i32
      "tpu.region"() ({
        %run_scoped3A_76 = tpu.sem_alloc : memref<!tpu.dma_semaphore, #tpu.memory_space<semaphore_mem>>
        %dma_start3A_77 = arith.constant 0 : i32
        %dma_start3A_78 = tpu.memref_slice %arg15[%mul3A_75, %dma_start3A_77] : memref<5248x128xf32, #tpu.memory_space<vmem_shared>> -> memref<128x128xf32, #tpu.memory_space<vmem_shared>>
        %dma_start3A_79 = arith.constant 0 : i32
        %dma_start3A_80 = tpu.memref_slice %arg15[%mul3A_75, %dma_start3A_79] : memref<5248x128xf32, #tpu.memory_space<vmem_shared>> -> memref<128x128xf32, #tpu.memory_space<vmem_shared>>
        tpu.enqueue_dma source(%arg9 : memref<128x128xf32, #tpu.memory_space<vmem>>) target(%dma_start3A_80 : memref<128x128xf32, #tpu.memory_space<vmem_shared>>) target_semaphore(%run_scoped3A_76 : memref<!tpu.dma_semaphore, #tpu.memory_space<semaphore_mem>>)
        %dma_wait3A_81 = arith.constant 0 : i32
        %dma_wait3A_82 = tpu.memref_slice %arg15[%mul3A_75, %dma_wait3A_81] : memref<5248x128xf32, #tpu.memory_space<vmem_shared>> -> memref<128x128xf32, #tpu.memory_space<vmem_shared>>
        %dma_wait3A_83 = arith.constant 0 : i32
        %dma_wait3A_84 = tpu.memref_slice %arg15[%mul3A_75, %dma_wait3A_83] : memref<5248x128xf32, #tpu.memory_space<vmem_shared>> -> memref<128x128xf32, #tpu.memory_space<vmem_shared>>
        tpu.wait_dma2 semaphore(%run_scoped3A_76 : memref<!tpu.dma_semaphore, #tpu.memory_space<semaphore_mem>>) src(%arg9 : memref<128x128xf32, #tpu.memory_space<vmem>>) dst(%dma_wait3A_84 : memref<128x128xf32, #tpu.memory_space<vmem_shared>>)
        tpu.yield
      }) : () -> ()
    } else {
    }
    %add3A_3 = arith.constant 16 : i32
    %add3A_4 = arith.addi %add3A_3, %arg1 : i32
    %lt3A_5 = arith.constant 41 : i32
    %lt3A_6 = arith.cmpi slt, %add3A_4, %lt3A_5 : i32
    %convert_element_type3A_7 = arith.extui %lt3A_6 : i1 to i32
    %cond3A_8 = arith.constant 0 : i32
    %cond3A_9 = arith.cmpi ne, %convert_element_type3A_7, %cond3A_8 : i32
    scf.if %cond3A_9 {
      %mul3A_74 = arith.constant 128 : i32
      %mul3A_75 = arith.muli %add3A_4, %mul3A_74 : i32
      "tpu.region"() ({
        %run_scoped3A_76 = tpu.sem_alloc : memref<!tpu.dma_semaphore, #tpu.memory_space<semaphore_mem>>
        %dma_start3A_77 = arith.constant 0 : i32
        %dma_start3A_78 = tpu.memref_slice %arg15[%mul3A_75, %dma_start3A_77] : memref<5248x128xf32, #tpu.memory_space<vmem_shared>> -> memref<128x128xf32, #tpu.memory_space<vmem_shared>>
        %dma_start3A_79 = arith.constant 0 : i32
        %dma_start3A_80 = tpu.memref_slice %arg15[%mul3A_75, %dma_start3A_79] : memref<5248x128xf32, #tpu.memory_space<vmem_shared>> -> memref<128x128xf32, #tpu.memory_space<vmem_shared>>
        tpu.enqueue_dma source(%arg9 : memref<128x128xf32, #tpu.memory_space<vmem>>) target(%dma_start3A_80 : memref<128x128xf32, #tpu.memory_space<vmem_shared>>) target_semaphore(%run_scoped3A_76 : memref<!tpu.dma_semaphore, #tpu.memory_space<semaphore_mem>>)
        %dma_wait3A_81 = arith.constant 0 : i32
        %dma_wait3A_82 = tpu.memref_slice %arg15[%mul3A_75, %dma_wait3A_81] : memref<5248x128xf32, #tpu.memory_space<vmem_shared>> -> memref<128x128xf32, #tpu.memory_space<vmem_shared>>
        %dma_wait3A_83 = arith.constant 0 : i32
        %dma_wait3A_84 = tpu.memref_slice %arg15[%mul3A_75, %dma_wait3A_83] : memref<5248x128xf32, #tpu.memory_space<vmem_shared>> -> memref<128x128xf32, #tpu.memory_space<vmem_shared>>
        tpu.wait_dma2 semaphore(%run_scoped3A_76 : memref<!tpu.dma_semaphore, #tpu.memory_space<semaphore_mem>>) src(%arg9 : memref<128x128xf32, #tpu.memory_space<vmem>>) dst(%dma_wait3A_84 : memref<128x128xf32, #tpu.memory_space<vmem_shared>>)
        tpu.yield
      }) : () -> ()
    } else {
    }
    %add3A_10 = arith.constant 32 : i32
    %add3A_11 = arith.addi %add3A_10, %arg1 : i32
    %lt3A_12 = arith.constant 41 : i32
    %lt3A_13 = arith.cmpi slt, %add3A_11, %lt3A_12 : i32
    %convert_element_type3A_14 = arith.extui %lt3A_13 : i1 to i32
    %cond3A_15 = arith.constant 0 : i32
    %cond3A_16 = arith.cmpi ne, %convert_element_type3A_14, %cond3A_15 : i32
    scf.if %cond3A_16 {
      %mul3A_74 = arith.constant 128 : i32
      %mul3A_75 = arith.muli %add3A_11, %mul3A_74 : i32
      "tpu.region"() ({
        %run_scoped3A_76 = tpu.sem_alloc : memref<!tpu.dma_semaphore, #tpu.memory_space<semaphore_mem>>
        %dma_start3A_77 = arith.constant 0 : i32
        %dma_start3A_78 = tpu.memref_slice %arg15[%mul3A_75, %dma_start3A_77] : memref<5248x128xf32, #tpu.memory_space<vmem_shared>> -> memref<128x128xf32, #tpu.memory_space<vmem_shared>>
        %dma_start3A_79 = arith.constant 0 : i32
        %dma_start3A_80 = tpu.memref_slice %arg15[%mul3A_75, %dma_start3A_79] : memref<5248x128xf32, #tpu.memory_space<vmem_shared>> -> memref<128x128xf32, #tpu.memory_space<vmem_shared>>
        tpu.enqueue_dma source(%arg9 : memref<128x128xf32, #tpu.memory_space<vmem>>) target(%dma_start3A_80 : memref<128x128xf32, #tpu.memory_space<vmem_shared>>) target_semaphore(%run_scoped3A_76 : memref<!tpu.dma_semaphore, #tpu.memory_space<semaphore_mem>>)
        %dma_wait3A_81 = arith.constant 0 : i32
        %dma_wait3A_82 = tpu.memref_slice %arg15[%mul3A_75, %dma_wait3A_81] : memref<5248x128xf32, #tpu.memory_space<vmem_shared>> -> memref<128x128xf32, #tpu.memory_space<vmem_shared>>
        %dma_wait3A_83 = arith.constant 0 : i32
        %dma_wait3A_84 = tpu.memref_slice %arg15[%mul3A_75, %dma_wait3A_83] : memref<5248x128xf32, #tpu.memory_space<vmem_shared>> -> memref<128x128xf32, #tpu.memory_space<vmem_shared>>
        tpu.wait_dma2 semaphore(%run_scoped3A_76 : memref<!tpu.dma_semaphore, #tpu.memory_space<semaphore_mem>>) src(%arg9 : memref<128x128xf32, #tpu.memory_space<vmem>>) dst(%dma_wait3A_84 : memref<128x128xf32, #tpu.memory_space<vmem_shared>>)
        tpu.yield
      }) : () -> ()
    } else {
    }
    %mul3A = arith.constant 160 : i32
    %mul3A_17 = arith.muli %arg1, %mul3A : i32
    "tpu.region"() ({
      %run_scoped3A_74 = tpu.sem_alloc : memref<!tpu.dma_semaphore, #tpu.memory_space<semaphore_mem>>
      %dma_start3A_75 = arith.constant 0 : i32
      %dma_start3A_76 = tpu.memref_slice %arg3[%mul3A_17, %dma_start3A_75] : memref<2560x128xi32, #tpu.memory_space<hbm>> -> memref<160x128xi32, #tpu.memory_space<hbm>>
      %dma_start3A_77 = arith.constant 0 : i32
      %dma_start3A_78 = tpu.memref_slice %arg3[%mul3A_17, %dma_start3A_77] : memref<2560x128xi32, #tpu.memory_space<hbm>> -> memref<160x128xi32, #tpu.memory_space<hbm>>
      tpu.enqueue_dma source(%dma_start3A_78 : memref<160x128xi32, #tpu.memory_space<hbm>>) target(%arg7 : memref<160x128xi32, #tpu.memory_space<vmem>>) target_semaphore(%run_scoped3A_74 : memref<!tpu.dma_semaphore, #tpu.memory_space<semaphore_mem>>)
      %dma_wait3A_79 = arith.constant 0 : i32
      %dma_wait3A_80 = tpu.memref_slice %arg3[%mul3A_17, %dma_wait3A_79] : memref<2560x128xi32, #tpu.memory_space<hbm>> -> memref<160x128xi32, #tpu.memory_space<hbm>>
      %dma_wait3A_81 = arith.constant 0 : i32
      %dma_wait3A_82 = tpu.memref_slice %arg3[%mul3A_17, %dma_wait3A_81] : memref<2560x128xi32, #tpu.memory_space<hbm>> -> memref<160x128xi32, #tpu.memory_space<hbm>>
      tpu.wait_dma2 semaphore(%run_scoped3A_74 : memref<!tpu.dma_semaphore, #tpu.memory_space<semaphore_mem>>) src(%dma_wait3A_82 : memref<160x128xi32, #tpu.memory_space<hbm>>) dst(%arg7 : memref<160x128xi32, #tpu.memory_space<vmem>>)
      tpu.yield
    }) : () -> ()
    %mul3A_18 = arith.constant 160 : i32
    %mul3A_19 = arith.muli %arg1, %mul3A_18 : i32
    "tpu.region"() ({
      %run_scoped3A_74 = tpu.sem_alloc : memref<!tpu.dma_semaphore, #tpu.memory_space<semaphore_mem>>
      %dma_start3A_75 = arith.constant 0 : i32
      %dma_start3A_76 = tpu.memref_slice %arg4[%arg0, %mul3A_19, %dma_start3A_75] : memref<2x2560x128xi32, #tpu.memory_space<hbm>> -> memref<1x160x128xi32, #tpu.memory_space<hbm>>
      %dma_start3A_77 = tpu.memref_squeeze %dma_start3A_76 : memref<1x160x128xi32, #tpu.memory_space<hbm>> -> memref<160x128xi32, #tpu.memory_space<hbm>>
      %dma_start3A_78 = arith.constant 0 : i32
      %dma_start3A_79 = tpu.memref_slice %arg4[%arg0, %mul3A_19, %dma_start3A_78] : memref<2x2560x128xi32, #tpu.memory_space<hbm>> -> memref<1x160x128xi32, #tpu.memory_space<hbm>>
      %dma_start3A_80 = tpu.memref_squeeze %dma_start3A_79 : memref<1x160x128xi32, #tpu.memory_space<hbm>> -> memref<160x128xi32, #tpu.memory_space<hbm>>
      tpu.enqueue_dma source(%dma_start3A_80 : memref<160x128xi32, #tpu.memory_space<hbm>>) target(%arg8 : memref<160x128xi32, #tpu.memory_space<vmem>>) target_semaphore(%run_scoped3A_74 : memref<!tpu.dma_semaphore, #tpu.memory_space<semaphore_mem>>)
      %dma_wait3A_81 = arith.constant 0 : i32
      %dma_wait3A_82 = tpu.memref_slice %arg4[%arg0, %mul3A_19, %dma_wait3A_81] : memref<2x2560x128xi32, #tpu.memory_space<hbm>> -> memref<1x160x128xi32, #tpu.memory_space<hbm>>
      %dma_wait3A_83 = tpu.memref_squeeze %dma_wait3A_82 : memref<1x160x128xi32, #tpu.memory_space<hbm>> -> memref<160x128xi32, #tpu.memory_space<hbm>>
      %dma_wait3A_84 = arith.constant 0 : i32
      %dma_wait3A_85 = tpu.memref_slice %arg4[%arg0, %mul3A_19, %dma_wait3A_84] : memref<2x2560x128xi32, #tpu.memory_space<hbm>> -> memref<1x160x128xi32, #tpu.memory_space<hbm>>
      %dma_wait3A_86 = tpu.memref_squeeze %dma_wait3A_85 : memref<1x160x128xi32, #tpu.memory_space<hbm>> -> memref<160x128xi32, #tpu.memory_space<hbm>>
      tpu.wait_dma2 semaphore(%run_scoped3A_74 : memref<!tpu.dma_semaphore, #tpu.memory_space<semaphore_mem>>) src(%dma_wait3A_86 : memref<160x128xi32, #tpu.memory_space<hbm>>) dst(%arg8 : memref<160x128xi32, #tpu.memory_space<vmem>>)
      tpu.yield
    }) : () -> ()
    %barrier3A = arith.constant 0 : index
    tpu.barrier barrier_id(%barrier3A)
    %dma_start3A = arith.constant 0 : i32
    %dma_start3A_20 = arith.constant 0 : i32
    %dma_start3A_21 = tpu.memref_slice %arg7[%dma_start3A, %dma_start3A_20] : memref<160x128xi32, #tpu.memory_space<vmem>> -> memref<1x128xi32, #tpu.memory_space<vmem>>
    %dma_start3A_22 = tpu.memref_squeeze %dma_start3A_21 : memref<1x128xi32, #tpu.memory_space<vmem>> -> memref<128xi32, #tpu.memory_space<vmem>>
    %dma_start3A_23 = arith.constant 0 : i32
    %dma_start3A_24 = arith.constant 0 : i32
    %dma_start3A_25 = tpu.memref_slice %arg2[%dma_start3A_23, %dma_start3A_24] : memref<10240x128xf32, #tpu.memory_space<hbm>> -> memref<10240x128xf32, #tpu.memory_space<hbm>>
    tpu.enqueue_indirect_dma source(%dma_start3A_25 : memref<10240x128xf32, #tpu.memory_space<hbm>>) target(%arg9 : memref<128x128xf32, #tpu.memory_space<vmem>>) offsets(%dma_start3A_22 : memref<128xi32, #tpu.memory_space<vmem>>) semaphore(%arg11 : memref<!tpu.dma_semaphore, #tpu.memory_space<semaphore_mem>>)
    %dma_start3A_26 = arith.constant 1 : i32
    %dma_start3A_27 = arith.constant 0 : i32
    %dma_start3A_28 = tpu.memref_slice %arg7[%dma_start3A_26, %dma_start3A_27] : memref<160x128xi32, #tpu.memory_space<vmem>> -> memref<1x128xi32, #tpu.memory_space<vmem>>
    %dma_start3A_29 = tpu.memref_squeeze %dma_start3A_28 : memref<1x128xi32, #tpu.memory_space<vmem>> -> memref<128xi32, #tpu.memory_space<vmem>>
    %dma_start3A_30 = arith.constant 0 : i32
    %dma_start3A_31 = arith.constant 0 : i32
    %dma_start3A_32 = tpu.memref_slice %arg2[%dma_start3A_30, %dma_start3A_31] : memref<10240x128xf32, #tpu.memory_space<hbm>> -> memref<10240x128xf32, #tpu.memory_space<hbm>>
    tpu.enqueue_indirect_dma source(%dma_start3A_32 : memref<10240x128xf32, #tpu.memory_space<hbm>>) target(%arg10 : memref<128x128xf32, #tpu.memory_space<vmem>>) offsets(%dma_start3A_29 : memref<128xi32, #tpu.memory_space<vmem>>) semaphore(%arg12 : memref<!tpu.dma_semaphore, #tpu.memory_space<semaphore_mem>>)
    %scan3A = arith.constant 0 : i32
    %scan3A_33 = arith.constant 0 : i32
    %scan3A_34 = arith.constant 79 : i32
    %scan3A_35 = arith.addi %scan3A_33, %scan3A_34 : i32
    %scan3A_36 = arith.constant 1 : i32
    scf.for %scan3A_74 = %scan3A_33 to %scan3A_35 step %scan3A_36  : i32 {
      %mul3A_75 = arith.constant 2 : i32
      %mul3A_76 = arith.muli %mul3A_75, %scan3A_74 : i32
      %dma_wait3A_77 = arith.constant 0 : i32
      %dma_wait3A_78 = tpu.memref_slice %arg7[%mul3A_76, %dma_wait3A_77] : memref<160x128xi32, #tpu.memory_space<vmem>> -> memref<1x128xi32, #tpu.memory_space<vmem>>
      %dma_wait3A_79 = tpu.memref_squeeze %dma_wait3A_78 : memref<1x128xi32, #tpu.memory_space<vmem>> -> memref<128xi32, #tpu.memory_space<vmem>>
      %dma_wait3A_80 = arith.constant 0 : i32
      %dma_wait3A_81 = arith.constant 0 : i32
      %dma_wait3A_82 = tpu.memref_slice %arg2[%dma_wait3A_80, %dma_wait3A_81] : memref<10240x128xf32, #tpu.memory_space<hbm>> -> memref<10240x128xf32, #tpu.memory_space<hbm>>
      tpu.wait_indirect_dma semaphore(%arg11 : memref<!tpu.dma_semaphore, #tpu.memory_space<semaphore_mem>>) src(%dma_wait3A_82 : memref<10240x128xf32, #tpu.memory_space<hbm>>) dst(%arg9 : memref<128x128xf32, #tpu.memory_space<vmem>>)
      "tpu.region"() ({
        %run_scoped3A_109 = tpu.sem_alloc : memref<!tpu.dma_semaphore, #tpu.memory_space<semaphore_mem>>
        %dma_start3A_110 = arith.constant 0 : i32
        %dma_start3A_111 = tpu.memref_slice %arg8[%mul3A_76, %dma_start3A_110] : memref<160x128xi32, #tpu.memory_space<vmem>> -> memref<1x128xi32, #tpu.memory_space<vmem>>
        %dma_start3A_112 = tpu.memref_squeeze %dma_start3A_111 : memref<1x128xi32, #tpu.memory_space<vmem>> -> memref<128xi32, #tpu.memory_space<vmem>>
        %dma_start3A_113 = arith.constant 0 : i32
        %dma_start3A_114 = arith.constant 0 : i32
        %dma_start3A_115 = tpu.memref_slice %arg15[%dma_start3A_113, %dma_start3A_114] : memref<5248x128xf32, #tpu.memory_space<vmem_shared>> -> memref<5248x128xf32, #tpu.memory_space<vmem_shared>>
        tpu.enqueue_indirect_dma source(%arg9 : memref<128x128xf32, #tpu.memory_space<vmem>>) target(%dma_start3A_115 : memref<5248x128xf32, #tpu.memory_space<vmem_shared>>) offsets(%dma_start3A_112 : memref<128xi32, #tpu.memory_space<vmem>>) semaphore(%run_scoped3A_109 : memref<!tpu.dma_semaphore, #tpu.memory_space<semaphore_mem>>) {add = true}
        %dma_wait3A_116 = arith.constant 0 : i32
        %dma_wait3A_117 = tpu.memref_slice %arg8[%mul3A_76, %dma_wait3A_116] : memref<160x128xi32, #tpu.memory_space<vmem>> -> memref<1x128xi32, #tpu.memory_space<vmem>>
        %dma_wait3A_118 = tpu.memref_squeeze %dma_wait3A_117 : memref<1x128xi32, #tpu.memory_space<vmem>> -> memref<128xi32, #tpu.memory_space<vmem>>
        %dma_wait3A_119 = arith.constant 0 : i32
        %dma_wait3A_120 = arith.constant 0 : i32
        %dma_wait3A_121 = tpu.memref_slice %arg15[%dma_wait3A_119, %dma_wait3A_120] : memref<5248x128xf32, #tpu.memory_space<vmem_shared>> -> memref<5248x128xf32, #tpu.memory_space<vmem_shared>>
        tpu.wait_indirect_dma semaphore(%run_scoped3A_109 : memref<!tpu.dma_semaphore, #tpu.memory_space<semaphore_mem>>) src(%arg9 : memref<128x128xf32, #tpu.memory_space<vmem>>) dst(%dma_wait3A_121 : memref<5248x128xf32, #tpu.memory_space<vmem_shared>>)
        tpu.yield
      }) : () -> ()
      %add3A_83 = arith.constant 2 : i32
      %add3A_84 = arith.addi %mul3A_76, %add3A_83 : i32
      %dma_start3A_85 = arith.constant 0 : i32
      %dma_start3A_86 = tpu.memref_slice %arg7[%add3A_84, %dma_start3A_85] : memref<160x128xi32, #tpu.memory_space<vmem>> -> memref<1x128xi32, #tpu.memory_space<vmem>>
      %dma_start3A_87 = tpu.memref_squeeze %dma_start3A_86 : memref<1x128xi32, #tpu.memory_space<vmem>> -> memref<128xi32, #tpu.memory_space<vmem>>
      %dma_start3A_88 = arith.constant 0 : i32
      %dma_start3A_89 = arith.constant 0 : i32
      %dma_start3A_90 = tpu.memref_slice %arg2[%dma_start3A_88, %dma_start3A_89] : memref<10240x128xf32, #tpu.memory_space<hbm>> -> memref<10240x128xf32, #tpu.memory_space<hbm>>
      tpu.enqueue_indirect_dma source(%dma_start3A_90 : memref<10240x128xf32, #tpu.memory_space<hbm>>) target(%arg9 : memref<128x128xf32, #tpu.memory_space<vmem>>) offsets(%dma_start3A_87 : memref<128xi32, #tpu.memory_space<vmem>>) semaphore(%arg11 : memref<!tpu.dma_semaphore, #tpu.memory_space<semaphore_mem>>)
      %add3A_91 = arith.constant 1 : i32
      %add3A_92 = arith.addi %mul3A_76, %add3A_91 : i32
      %dma_wait3A_93 = arith.constant 0 : i32
      %dma_wait3A_94 = tpu.memref_slice %arg7[%add3A_92, %dma_wait3A_93] : memref<160x128xi32, #tpu.memory_space<vmem>> -> memref<1x128xi32, #tpu.memory_space<vmem>>
      %dma_wait3A_95 = tpu.memref_squeeze %dma_wait3A_94 : memref<1x128xi32, #tpu.memory_space<vmem>> -> memref<128xi32, #tpu.memory_space<vmem>>
      %dma_wait3A_96 = arith.constant 0 : i32
      %dma_wait3A_97 = arith.constant 0 : i32
      %dma_wait3A_98 = tpu.memref_slice %arg2[%dma_wait3A_96, %dma_wait3A_97] : memref<10240x128xf32, #tpu.memory_space<hbm>> -> memref<10240x128xf32, #tpu.memory_space<hbm>>
      tpu.wait_indirect_dma semaphore(%arg12 : memref<!tpu.dma_semaphore, #tpu.memory_space<semaphore_mem>>) src(%dma_wait3A_98 : memref<10240x128xf32, #tpu.memory_space<hbm>>) dst(%arg10 : memref<128x128xf32, #tpu.memory_space<vmem>>)
      %add3A_99 = arith.constant 1 : i32
      %add3A_100 = arith.addi %mul3A_76, %add3A_99 : i32
      "tpu.region"() ({
        %run_scoped3A_109 = tpu.sem_alloc : memref<!tpu.dma_semaphore, #tpu.memory_space<semaphore_mem>>
        %dma_start3A_110 = arith.constant 0 : i32
        %dma_start3A_111 = tpu.memref_slice %arg8[%add3A_100, %dma_start3A_110] : memref<160x128xi32, #tpu.memory_space<vmem>> -> memref<1x128xi32, #tpu.memory_space<vmem>>
        %dma_start3A_112 = tpu.memref_squeeze %dma_start3A_111 : memref<1x128xi32, #tpu.memory_space<vmem>> -> memref<128xi32, #tpu.memory_space<vmem>>
        %dma_start3A_113 = arith.constant 0 : i32
        %dma_start3A_114 = arith.constant 0 : i32
        %dma_start3A_115 = tpu.memref_slice %arg15[%dma_start3A_113, %dma_start3A_114] : memref<5248x128xf32, #tpu.memory_space<vmem_shared>> -> memref<5248x128xf32, #tpu.memory_space<vmem_shared>>
        tpu.enqueue_indirect_dma source(%arg10 : memref<128x128xf32, #tpu.memory_space<vmem>>) target(%dma_start3A_115 : memref<5248x128xf32, #tpu.memory_space<vmem_shared>>) offsets(%dma_start3A_112 : memref<128xi32, #tpu.memory_space<vmem>>) semaphore(%run_scoped3A_109 : memref<!tpu.dma_semaphore, #tpu.memory_space<semaphore_mem>>) {add = true}
        %dma_wait3A_116 = arith.constant 0 : i32
        %dma_wait3A_117 = tpu.memref_slice %arg8[%add3A_100, %dma_wait3A_116] : memref<160x128xi32, #tpu.memory_space<vmem>> -> memref<1x128xi32, #tpu.memory_space<vmem>>
        %dma_wait3A_118 = tpu.memref_squeeze %dma_wait3A_117 : memref<1x128xi32, #tpu.memory_space<vmem>> -> memref<128xi32, #tpu.memory_space<vmem>>
        %dma_wait3A_119 = arith.constant 0 : i32
        %dma_wait3A_120 = arith.constant 0 : i32
        %dma_wait3A_121 = tpu.memref_slice %arg15[%dma_wait3A_119, %dma_wait3A_120] : memref<5248x128xf32, #tpu.memory_space<vmem_shared>> -> memref<5248x128xf32, #tpu.memory_space<vmem_shared>>
        tpu.wait_indirect_dma semaphore(%run_scoped3A_109 : memref<!tpu.dma_semaphore, #tpu.memory_space<semaphore_mem>>) src(%arg10 : memref<128x128xf32, #tpu.memory_space<vmem>>) dst(%dma_wait3A_121 : memref<5248x128xf32, #tpu.memory_space<vmem_shared>>)
        tpu.yield
      }) : () -> ()
      %add3A_101 = arith.constant 3 : i32
      %add3A_102 = arith.addi %mul3A_76, %add3A_101 : i32
      %dma_start3A_103 = arith.constant 0 : i32
      %dma_start3A_104 = tpu.memref_slice %arg7[%add3A_102, %dma_start3A_103] : memref<160x128xi32, #tpu.memory_space<vmem>> -> memref<1x128xi32, #tpu.memory_space<vmem>>
      %dma_start3A_105 = tpu.memref_squeeze %dma_start3A_104 : memref<1x128xi32, #tpu.memory_space<vmem>> -> memref<128xi32, #tpu.memory_space<vmem>>
      %dma_start3A_106 = arith.constant 0 : i32
      %dma_start3A_107 = arith.constant 0 : i32
      %dma_start3A_108 = tpu.memref_slice %arg2[%dma_start3A_106, %dma_start3A_107] : memref<10240x128xf32, #tpu.memory_space<hbm>> -> memref<10240x128xf32, #tpu.memory_space<hbm>>
      tpu.enqueue_indirect_dma source(%dma_start3A_108 : memref<10240x128xf32, #tpu.memory_space<hbm>>) target(%arg10 : memref<128x128xf32, #tpu.memory_space<vmem>>) offsets(%dma_start3A_105 : memref<128xi32, #tpu.memory_space<vmem>>) semaphore(%arg12 : memref<!tpu.dma_semaphore, #tpu.memory_space<semaphore_mem>>)
    }
    %scan3A_37 = arith.constant 79 : i32
    %dma_wait3A = arith.constant 158 : i32
    %dma_wait3A_38 = arith.constant 0 : i32
    %dma_wait3A_39 = tpu.memref_slice %arg7[%dma_wait3A, %dma_wait3A_38] : memref<160x128xi32, #tpu.memory_space<vmem>> -> memref<1x128xi32, #tpu.memory_space<vmem>>
    %dma_wait3A_40 = tpu.memref_squeeze %dma_wait3A_39 : memref<1x128xi32, #tpu.memory_space<vmem>> -> memref<128xi32, #tpu.memory_space<vmem>>
    %dma_wait3A_41 = arith.constant 0 : i32
    %dma_wait3A_42 = arith.constant 0 : i32
    %dma_wait3A_43 = tpu.memref_slice %arg2[%dma_wait3A_41, %dma_wait3A_42] : memref<10240x128xf32, #tpu.memory_space<hbm>> -> memref<10240x128xf32, #tpu.memory_space<hbm>>
    tpu.wait_indirect_dma semaphore(%arg11 : memref<!tpu.dma_semaphore, #tpu.memory_space<semaphore_mem>>) src(%dma_wait3A_43 : memref<10240x128xf32, #tpu.memory_space<hbm>>) dst(%arg9 : memref<128x128xf32, #tpu.memory_space<vmem>>)
    %run_scoped3A = arith.constant 158 : i32
    "tpu.region"() ({
      %run_scoped3A_74 = tpu.sem_alloc : memref<!tpu.dma_semaphore, #tpu.memory_space<semaphore_mem>>
      %dma_start3A_75 = arith.constant 0 : i32
      %dma_start3A_76 = tpu.memref_slice %arg8[%run_scoped3A, %dma_start3A_75] : memref<160x128xi32, #tpu.memory_space<vmem>> -> memref<1x128xi32, #tpu.memory_space<vmem>>
      %dma_start3A_77 = tpu.memref_squeeze %dma_start3A_76 : memref<1x128xi32, #tpu.memory_space<vmem>> -> memref<128xi32, #tpu.memory_space<vmem>>
      %dma_start3A_78 = arith.constant 0 : i32
      %dma_start3A_79 = arith.constant 0 : i32
      %dma_start3A_80 = tpu.memref_slice %arg15[%dma_start3A_78, %dma_start3A_79] : memref<5248x128xf32, #tpu.memory_space<vmem_shared>> -> memref<5248x128xf32, #tpu.memory_space<vmem_shared>>
      tpu.enqueue_indirect_dma source(%arg9 : memref<128x128xf32, #tpu.memory_space<vmem>>) target(%dma_start3A_80 : memref<5248x128xf32, #tpu.memory_space<vmem_shared>>) offsets(%dma_start3A_77 : memref<128xi32, #tpu.memory_space<vmem>>) semaphore(%run_scoped3A_74 : memref<!tpu.dma_semaphore, #tpu.memory_space<semaphore_mem>>) {add = true}
      %dma_wait3A_81 = arith.constant 0 : i32
      %dma_wait3A_82 = tpu.memref_slice %arg8[%run_scoped3A, %dma_wait3A_81] : memref<160x128xi32, #tpu.memory_space<vmem>> -> memref<1x128xi32, #tpu.memory_space<vmem>>
      %dma_wait3A_83 = tpu.memref_squeeze %dma_wait3A_82 : memref<1x128xi32, #tpu.memory_space<vmem>> -> memref<128xi32, #tpu.memory_space<vmem>>
      %dma_wait3A_84 = arith.constant 0 : i32
      %dma_wait3A_85 = arith.constant 0 : i32
      %dma_wait3A_86 = tpu.memref_slice %arg15[%dma_wait3A_84, %dma_wait3A_85] : memref<5248x128xf32, #tpu.memory_space<vmem_shared>> -> memref<5248x128xf32, #tpu.memory_space<vmem_shared>>
      tpu.wait_indirect_dma semaphore(%run_scoped3A_74 : memref<!tpu.dma_semaphore, #tpu.memory_space<semaphore_mem>>) src(%arg9 : memref<128x128xf32, #tpu.memory_space<vmem>>) dst(%dma_wait3A_86 : memref<5248x128xf32, #tpu.memory_space<vmem_shared>>)
      tpu.yield
    }) : () -> ()
    %dma_wait3A_44 = arith.constant 159 : i32
    %dma_wait3A_45 = arith.constant 0 : i32
    %dma_wait3A_46 = tpu.memref_slice %arg7[%dma_wait3A_44, %dma_wait3A_45] : memref<160x128xi32, #tpu.memory_space<vmem>> -> memref<1x128xi32, #tpu.memory_space<vmem>>
    %dma_wait3A_47 = tpu.memref_squeeze %dma_wait3A_46 : memref<1x128xi32, #tpu.memory_space<vmem>> -> memref<128xi32, #tpu.memory_space<vmem>>
    %dma_wait3A_48 = arith.constant 0 : i32
    %dma_wait3A_49 = arith.constant 0 : i32
    %dma_wait3A_50 = tpu.memref_slice %arg2[%dma_wait3A_48, %dma_wait3A_49] : memref<10240x128xf32, #tpu.memory_space<hbm>> -> memref<10240x128xf32, #tpu.memory_space<hbm>>
    tpu.wait_indirect_dma semaphore(%arg12 : memref<!tpu.dma_semaphore, #tpu.memory_space<semaphore_mem>>) src(%dma_wait3A_50 : memref<10240x128xf32, #tpu.memory_space<hbm>>) dst(%arg10 : memref<128x128xf32, #tpu.memory_space<vmem>>)
    %run_scoped3A_51 = arith.constant 159 : i32
    "tpu.region"() ({
      %run_scoped3A_74 = tpu.sem_alloc : memref<!tpu.dma_semaphore, #tpu.memory_space<semaphore_mem>>
      %dma_start3A_75 = arith.constant 0 : i32
      %dma_start3A_76 = tpu.memref_slice %arg8[%run_scoped3A_51, %dma_start3A_75] : memref<160x128xi32, #tpu.memory_space<vmem>> -> memref<1x128xi32, #tpu.memory_space<vmem>>
      %dma_start3A_77 = tpu.memref_squeeze %dma_start3A_76 : memref<1x128xi32, #tpu.memory_space<vmem>> -> memref<128xi32, #tpu.memory_space<vmem>>
      %dma_start3A_78 = arith.constant 0 : i32
      %dma_start3A_79 = arith.constant 0 : i32
      %dma_start3A_80 = tpu.memref_slice %arg15[%dma_start3A_78, %dma_start3A_79] : memref<5248x128xf32, #tpu.memory_space<vmem_shared>> -> memref<5248x128xf32, #tpu.memory_space<vmem_shared>>
      tpu.enqueue_indirect_dma source(%arg10 : memref<128x128xf32, #tpu.memory_space<vmem>>) target(%dma_start3A_80 : memref<5248x128xf32, #tpu.memory_space<vmem_shared>>) offsets(%dma_start3A_77 : memref<128xi32, #tpu.memory_space<vmem>>) semaphore(%run_scoped3A_74 : memref<!tpu.dma_semaphore, #tpu.memory_space<semaphore_mem>>) {add = true}
      %dma_wait3A_81 = arith.constant 0 : i32
      %dma_wait3A_82 = tpu.memref_slice %arg8[%run_scoped3A_51, %dma_wait3A_81] : memref<160x128xi32, #tpu.memory_space<vmem>> -> memref<1x128xi32, #tpu.memory_space<vmem>>
      %dma_wait3A_83 = tpu.memref_squeeze %dma_wait3A_82 : memref<1x128xi32, #tpu.memory_space<vmem>> -> memref<128xi32, #tpu.memory_space<vmem>>
      %dma_wait3A_84 = arith.constant 0 : i32
      %dma_wait3A_85 = arith.constant 0 : i32
      %dma_wait3A_86 = tpu.memref_slice %arg15[%dma_wait3A_84, %dma_wait3A_85] : memref<5248x128xf32, #tpu.memory_space<vmem_shared>> -> memref<5248x128xf32, #tpu.memory_space<vmem_shared>>
      tpu.wait_indirect_dma semaphore(%run_scoped3A_74 : memref<!tpu.dma_semaphore, #tpu.memory_space<semaphore_mem>>) src(%arg10 : memref<128x128xf32, #tpu.memory_space<vmem>>) dst(%dma_wait3A_86 : memref<5248x128xf32, #tpu.memory_space<vmem_shared>>)
      tpu.yield
    }) : () -> ()
    %barrier3A_52 = arith.constant 0 : index
    tpu.barrier barrier_id(%barrier3A_52)
    %add3A_53 = arith.constant 0 : i32
    %add3A_54 = arith.addi %add3A_53, %arg1 : i32
    %lt3A_55 = arith.constant 40 : i32
    %lt3A_56 = arith.cmpi slt, %add3A_54, %lt3A_55 : i32
    %convert_element_type3A_57 = arith.extui %lt3A_56 : i1 to i32
    %cond3A_58 = arith.constant 0 : i32
    %cond3A_59 = arith.cmpi ne, %convert_element_type3A_57, %cond3A_58 : i32
    scf.if %cond3A_59 {
      %mul3A_74 = arith.constant 128 : i32
      %mul3A_75 = arith.muli %add3A_54, %mul3A_74 : i32
      "tpu.region"() ({
        %run_scoped3A_78 = tpu.sem_alloc : memref<!tpu.dma_semaphore, #tpu.memory_space<semaphore_mem>>
        %dma_start3A_79 = arith.constant 0 : i32
        %dma_start3A_80 = tpu.memref_slice %arg15[%mul3A_75, %dma_start3A_79] : memref<5248x128xf32, #tpu.memory_space<vmem_shared>> -> memref<128x128xf32, #tpu.memory_space<vmem_shared>>
        %dma_start3A_81 = arith.constant 0 : i32
        %dma_start3A_82 = tpu.memref_slice %arg15[%mul3A_75, %dma_start3A_81] : memref<5248x128xf32, #tpu.memory_space<vmem_shared>> -> memref<128x128xf32, #tpu.memory_space<vmem_shared>>
        tpu.enqueue_dma source(%dma_start3A_82 : memref<128x128xf32, #tpu.memory_space<vmem_shared>>) target(%arg9 : memref<128x128xf32, #tpu.memory_space<vmem>>) target_semaphore(%run_scoped3A_78 : memref<!tpu.dma_semaphore, #tpu.memory_space<semaphore_mem>>)
        %dma_wait3A_83 = arith.constant 0 : i32
        %dma_wait3A_84 = tpu.memref_slice %arg15[%mul3A_75, %dma_wait3A_83] : memref<5248x128xf32, #tpu.memory_space<vmem_shared>> -> memref<128x128xf32, #tpu.memory_space<vmem_shared>>
        %dma_wait3A_85 = arith.constant 0 : i32
        %dma_wait3A_86 = tpu.memref_slice %arg15[%mul3A_75, %dma_wait3A_85] : memref<5248x128xf32, #tpu.memory_space<vmem_shared>> -> memref<128x128xf32, #tpu.memory_space<vmem_shared>>
        tpu.wait_dma2 semaphore(%run_scoped3A_78 : memref<!tpu.dma_semaphore, #tpu.memory_space<semaphore_mem>>) src(%dma_wait3A_86 : memref<128x128xf32, #tpu.memory_space<vmem_shared>>) dst(%arg9 : memref<128x128xf32, #tpu.memory_space<vmem>>)
        tpu.yield
      }) : () -> ()
      %mul3A_76 = arith.constant 128 : i32
      %mul3A_77 = arith.muli %add3A_54, %mul3A_76 : i32
      "tpu.region"() ({
        %run_scoped3A_78 = tpu.sem_alloc : memref<!tpu.dma_semaphore, #tpu.memory_space<semaphore_mem>>
        %dma_start3A_79 = arith.constant 0 : i32
        %dma_start3A_80 = tpu.memref_slice %arg6[%arg0, %mul3A_77, %dma_start3A_79] : memref<2x5120x128xf32, #tpu.memory_space<hbm>> -> memref<1x128x128xf32, #tpu.memory_space<hbm>>
        %dma_start3A_81 = tpu.memref_squeeze %dma_start3A_80 : memref<1x128x128xf32, #tpu.memory_space<hbm>> -> memref<128x128xf32, #tpu.memory_space<hbm>>
        %dma_start3A_82 = arith.constant 0 : i32
        %dma_start3A_83 = tpu.memref_slice %arg6[%arg0, %mul3A_77, %dma_start3A_82] : memref<2x5120x128xf32, #tpu.memory_space<hbm>> -> memref<1x128x128xf32, #tpu.memory_space<hbm>>
        %dma_start3A_84 = tpu.memref_squeeze %dma_start3A_83 : memref<1x128x128xf32, #tpu.memory_space<hbm>> -> memref<128x128xf32, #tpu.memory_space<hbm>>
        tpu.enqueue_dma source(%arg9 : memref<128x128xf32, #tpu.memory_space<vmem>>) target(%dma_start3A_84 : memref<128x128xf32, #tpu.memory_space<hbm>>) target_semaphore(%run_scoped3A_78 : memref<!tpu.dma_semaphore, #tpu.memory_space<semaphore_mem>>)
        %dma_wait3A_85 = arith.constant 0 : i32
        %dma_wait3A_86 = tpu.memref_slice %arg6[%arg0, %mul3A_77, %dma_wait3A_85] : memref<2x5120x128xf32, #tpu.memory_space<hbm>> -> memref<1x128x128xf32, #tpu.memory_space<hbm>>
        %dma_wait3A_87 = tpu.memref_squeeze %dma_wait3A_86 : memref<1x128x128xf32, #tpu.memory_space<hbm>> -> memref<128x128xf32, #tpu.memory_space<hbm>>
        %dma_wait3A_88 = arith.constant 0 : i32
        %dma_wait3A_89 = tpu.memref_slice %arg6[%arg0, %mul3A_77, %dma_wait3A_88] : memref<2x5120x128xf32, #tpu.memory_space<hbm>> -> memref<1x128x128xf32, #tpu.memory_space<hbm>>
        %dma_wait3A_90 = tpu.memref_squeeze %dma_wait3A_89 : memref<1x128x128xf32, #tpu.memory_space<hbm>> -> memref<128x128xf32, #tpu.memory_space<hbm>>
        tpu.wait_dma2 semaphore(%run_scoped3A_78 : memref<!tpu.dma_semaphore, #tpu.memory_space<semaphore_mem>>) src(%arg9 : memref<128x128xf32, #tpu.memory_space<vmem>>) dst(%dma_wait3A_90 : memref<128x128xf32, #tpu.memory_space<hbm>>)
        tpu.yield
      }) : () -> ()
    } else {
    }
    %add3A_60 = arith.constant 16 : i32
    %add3A_61 = arith.addi %add3A_60, %arg1 : i32
    %lt3A_62 = arith.constant 40 : i32
    %lt3A_63 = arith.cmpi slt, %add3A_61, %lt3A_62 : i32
    %convert_element_type3A_64 = arith.extui %lt3A_63 : i1 to i32
    %cond3A_65 = arith.constant 0 : i32
    %cond3A_66 = arith.cmpi ne, %convert_element_type3A_64, %cond3A_65 : i32
    scf.if %cond3A_66 {
      %mul3A_74 = arith.constant 128 : i32
      %mul3A_75 = arith.muli %add3A_61, %mul3A_74 : i32
      "tpu.region"() ({
        %run_scoped3A_78 = tpu.sem_alloc : memref<!tpu.dma_semaphore, #tpu.memory_space<semaphore_mem>>
        %dma_start3A_79 = arith.constant 0 : i32
        %dma_start3A_80 = tpu.memref_slice %arg15[%mul3A_75, %dma_start3A_79] : memref<5248x128xf32, #tpu.memory_space<vmem_shared>> -> memref<128x128xf32, #tpu.memory_space<vmem_shared>>
        %dma_start3A_81 = arith.constant 0 : i32
        %dma_start3A_82 = tpu.memref_slice %arg15[%mul3A_75, %dma_start3A_81] : memref<5248x128xf32, #tpu.memory_space<vmem_shared>> -> memref<128x128xf32, #tpu.memory_space<vmem_shared>>
        tpu.enqueue_dma source(%dma_start3A_82 : memref<128x128xf32, #tpu.memory_space<vmem_shared>>) target(%arg9 : memref<128x128xf32, #tpu.memory_space<vmem>>) target_semaphore(%run_scoped3A_78 : memref<!tpu.dma_semaphore, #tpu.memory_space<semaphore_mem>>)
        %dma_wait3A_83 = arith.constant 0 : i32
        %dma_wait3A_84 = tpu.memref_slice %arg15[%mul3A_75, %dma_wait3A_83] : memref<5248x128xf32, #tpu.memory_space<vmem_shared>> -> memref<128x128xf32, #tpu.memory_space<vmem_shared>>
        %dma_wait3A_85 = arith.constant 0 : i32
        %dma_wait3A_86 = tpu.memref_slice %arg15[%mul3A_75, %dma_wait3A_85] : memref<5248x128xf32, #tpu.memory_space<vmem_shared>> -> memref<128x128xf32, #tpu.memory_space<vmem_shared>>
        tpu.wait_dma2 semaphore(%run_scoped3A_78 : memref<!tpu.dma_semaphore, #tpu.memory_space<semaphore_mem>>) src(%dma_wait3A_86 : memref<128x128xf32, #tpu.memory_space<vmem_shared>>) dst(%arg9 : memref<128x128xf32, #tpu.memory_space<vmem>>)
        tpu.yield
      }) : () -> ()
      %mul3A_76 = arith.constant 128 : i32
      %mul3A_77 = arith.muli %add3A_61, %mul3A_76 : i32
      "tpu.region"() ({
        %run_scoped3A_78 = tpu.sem_alloc : memref<!tpu.dma_semaphore, #tpu.memory_space<semaphore_mem>>
        %dma_start3A_79 = arith.constant 0 : i32
        %dma_start3A_80 = tpu.memref_slice %arg6[%arg0, %mul3A_77, %dma_start3A_79] : memref<2x5120x128xf32, #tpu.memory_space<hbm>> -> memref<1x128x128xf32, #tpu.memory_space<hbm>>
        %dma_start3A_81 = tpu.memref_squeeze %dma_start3A_80 : memref<1x128x128xf32, #tpu.memory_space<hbm>> -> memref<128x128xf32, #tpu.memory_space<hbm>>
        %dma_start3A_82 = arith.constant 0 : i32
        %dma_start3A_83 = tpu.memref_slice %arg6[%arg0, %mul3A_77, %dma_start3A_82] : memref<2x5120x128xf32, #tpu.memory_space<hbm>> -> memref<1x128x128xf32, #tpu.memory_space<hbm>>
        %dma_start3A_84 = tpu.memref_squeeze %dma_start3A_83 : memref<1x128x128xf32, #tpu.memory_space<hbm>> -> memref<128x128xf32, #tpu.memory_space<hbm>>
        tpu.enqueue_dma source(%arg9 : memref<128x128xf32, #tpu.memory_space<vmem>>) target(%dma_start3A_84 : memref<128x128xf32, #tpu.memory_space<hbm>>) target_semaphore(%run_scoped3A_78 : memref<!tpu.dma_semaphore, #tpu.memory_space<semaphore_mem>>)
        %dma_wait3A_85 = arith.constant 0 : i32
        %dma_wait3A_86 = tpu.memref_slice %arg6[%arg0, %mul3A_77, %dma_wait3A_85] : memref<2x5120x128xf32, #tpu.memory_space<hbm>> -> memref<1x128x128xf32, #tpu.memory_space<hbm>>
        %dma_wait3A_87 = tpu.memref_squeeze %dma_wait3A_86 : memref<1x128x128xf32, #tpu.memory_space<hbm>> -> memref<128x128xf32, #tpu.memory_space<hbm>>
        %dma_wait3A_88 = arith.constant 0 : i32
        %dma_wait3A_89 = tpu.memref_slice %arg6[%arg0, %mul3A_77, %dma_wait3A_88] : memref<2x5120x128xf32, #tpu.memory_space<hbm>> -> memref<1x128x128xf32, #tpu.memory_space<hbm>>
        %dma_wait3A_90 = tpu.memref_squeeze %dma_wait3A_89 : memref<1x128x128xf32, #tpu.memory_space<hbm>> -> memref<128x128xf32, #tpu.memory_space<hbm>>
        tpu.wait_dma2 semaphore(%run_scoped3A_78 : memref<!tpu.dma_semaphore, #tpu.memory_space<semaphore_mem>>) src(%arg9 : memref<128x128xf32, #tpu.memory_space<vmem>>) dst(%dma_wait3A_90 : memref<128x128xf32, #tpu.memory_space<hbm>>)
        tpu.yield
      }) : () -> ()
    } else {
    }
    %add3A_67 = arith.constant 32 : i32
    %add3A_68 = arith.addi %add3A_67, %arg1 : i32
    %lt3A_69 = arith.constant 40 : i32
    %lt3A_70 = arith.cmpi slt, %add3A_68, %lt3A_69 : i32
    %convert_element_type3A_71 = arith.extui %lt3A_70 : i1 to i32
    %cond3A_72 = arith.constant 0 : i32
    %cond3A_73 = arith.cmpi ne, %convert_element_type3A_71, %cond3A_72 : i32
    scf.if %cond3A_73 {
      %mul3A_74 = arith.constant 128 : i32
      %mul3A_75 = arith.muli %add3A_68, %mul3A_74 : i32
      "tpu.region"() ({
        %run_scoped3A_78 = tpu.sem_alloc : memref<!tpu.dma_semaphore, #tpu.memory_space<semaphore_mem>>
        %dma_start3A_79 = arith.constant 0 : i32
        %dma_start3A_80 = tpu.memref_slice %arg15[%mul3A_75, %dma_start3A_79] : memref<5248x128xf32, #tpu.memory_space<vmem_shared>> -> memref<128x128xf32, #tpu.memory_space<vmem_shared>>
        %dma_start3A_81 = arith.constant 0 : i32
        %dma_start3A_82 = tpu.memref_slice %arg15[%mul3A_75, %dma_start3A_81] : memref<5248x128xf32, #tpu.memory_space<vmem_shared>> -> memref<128x128xf32, #tpu.memory_space<vmem_shared>>
        tpu.enqueue_dma source(%dma_start3A_82 : memref<128x128xf32, #tpu.memory_space<vmem_shared>>) target(%arg9 : memref<128x128xf32, #tpu.memory_space<vmem>>) target_semaphore(%run_scoped3A_78 : memref<!tpu.dma_semaphore, #tpu.memory_space<semaphore_mem>>)
        %dma_wait3A_83 = arith.constant 0 : i32
        %dma_wait3A_84 = tpu.memref_slice %arg15[%mul3A_75, %dma_wait3A_83] : memref<5248x128xf32, #tpu.memory_space<vmem_shared>> -> memref<128x128xf32, #tpu.memory_space<vmem_shared>>
        %dma_wait3A_85 = arith.constant 0 : i32
        %dma_wait3A_86 = tpu.memref_slice %arg15[%mul3A_75, %dma_wait3A_85] : memref<5248x128xf32, #tpu.memory_space<vmem_shared>> -> memref<128x128xf32, #tpu.memory_space<vmem_shared>>
        tpu.wait_dma2 semaphore(%run_scoped3A_78 : memref<!tpu.dma_semaphore, #tpu.memory_space<semaphore_mem>>) src(%dma_wait3A_86 : memref<128x128xf32, #tpu.memory_space<vmem_shared>>) dst(%arg9 : memref<128x128xf32, #tpu.memory_space<vmem>>)
        tpu.yield
      }) : () -> ()
      %mul3A_76 = arith.constant 128 : i32
      %mul3A_77 = arith.muli %add3A_68, %mul3A_76 : i32
      "tpu.region"() ({
        %run_scoped3A_78 = tpu.sem_alloc : memref<!tpu.dma_semaphore, #tpu.memory_space<semaphore_mem>>
        %dma_start3A_79 = arith.constant 0 : i32
        %dma_start3A_80 = tpu.memref_slice %arg6[%arg0, %mul3A_77, %dma_start3A_79] : memref<2x5120x128xf32, #tpu.memory_space<hbm>> -> memref<1x128x128xf32, #tpu.memory_space<hbm>>
        %dma_start3A_81 = tpu.memref_squeeze %dma_start3A_80 : memref<1x128x128xf32, #tpu.memory_space<hbm>> -> memref<128x128xf32, #tpu.memory_space<hbm>>
        %dma_start3A_82 = arith.constant 0 : i32
        %dma_start3A_83 = tpu.memref_slice %arg6[%arg0, %mul3A_77, %dma_start3A_82] : memref<2x5120x128xf32, #tpu.memory_space<hbm>> -> memref<1x128x128xf32, #tpu.memory_space<hbm>>
        %dma_start3A_84 = tpu.memref_squeeze %dma_start3A_83 : memref<1x128x128xf32, #tpu.memory_space<hbm>> -> memref<128x128xf32, #tpu.memory_space<hbm>>
        tpu.enqueue_dma source(%arg9 : memref<128x128xf32, #tpu.memory_space<vmem>>) target(%dma_start3A_84 : memref<128x128xf32, #tpu.memory_space<hbm>>) target_semaphore(%run_scoped3A_78 : memref<!tpu.dma_semaphore, #tpu.memory_space<semaphore_mem>>)
        %dma_wait3A_85 = arith.constant 0 : i32
        %dma_wait3A_86 = tpu.memref_slice %arg6[%arg0, %mul3A_77, %dma_wait3A_85] : memref<2x5120x128xf32, #tpu.memory_space<hbm>> -> memref<1x128x128xf32, #tpu.memory_space<hbm>>
        %dma_wait3A_87 = tpu.memref_squeeze %dma_wait3A_86 : memref<1x128x128xf32, #tpu.memory_space<hbm>> -> memref<128x128xf32, #tpu.memory_space<hbm>>
        %dma_wait3A_88 = arith.constant 0 : i32
        %dma_wait3A_89 = tpu.memref_slice %arg6[%arg0, %mul3A_77, %dma_wait3A_88] : memref<2x5120x128xf32, #tpu.memory_space<hbm>> -> memref<1x128x128xf32, #tpu.memory_space<hbm>>
        %dma_wait3A_90 = tpu.memref_squeeze %dma_wait3A_89 : memref<1x128x128xf32, #tpu.memory_space<hbm>> -> memref<128x128xf32, #tpu.memory_space<hbm>>
        tpu.wait_dma2 semaphore(%run_scoped3A_78 : memref<!tpu.dma_semaphore, #tpu.memory_space<semaphore_mem>>) src(%arg9 : memref<128x128xf32, #tpu.memory_space<vmem>>) dst(%dma_wait3A_90 : memref<128x128xf32, #tpu.memory_space<hbm>>)
        tpu.yield
      }) : () -> ()
    } else {
    }
    return
  }
}

module attributes {stable_mosaic.version = 14 : i64} {
  func.func @_mm_scaled_body(%arg0: i32, %arg1: memref<512x128xf32, #tpu.memory_space<vmem>>, %arg2: memref<512x128xf32, #tpu.memory_space<vmem>>, %arg3: memref<128x128xf32, #tpu.memory_space<vmem>>, %arg4: memref<512x128xf32, #tpu.memory_space<vmem>>) attributes {dimension_semantics = [#tpu.dimension_semantics<arbitrary>], iteration_bounds = array<i64: 20>, scalar_prefetch = 0 : i64, scratch_operands = 0 : i64, tpu.core_type = #tpu.core_type<tc>, window_params = [{transform_indices = @transform_0, window_bounds = array<i64: 512, 128>}, {transform_indices = @transform_1, window_bounds = array<i64: 512, 128>}, {pipeline_mode = #tpu.pipeline_mode<synchronous>, transform_indices = @transform_2, window_bounds = array<i64: 128, 128>}, {transform_indices = @transform_3, window_bounds = array<i64: 512, 128>}]} {
    %get3A = arith.constant 0 : index
    %get3A_0 = arith.constant 0 : index
    %get3A_1 = vector.load %arg1[%get3A, %get3A_0] : memref<512x128xf32, #tpu.memory_space<vmem>>, vector<512x128xf32>
    %get3A_2 = arith.constant 0 : index
    %get3A_3 = arith.constant 0 : index
    %get3A_4 = vector.load %arg2[%get3A_2, %get3A_3] : memref<512x128xf32, #tpu.memory_space<vmem>>, vector<512x128xf32>
    %mul3A = arith.mulf %get3A_1, %get3A_4 : vector<512x128xf32>
    %get3A_5 = arith.constant 0 : index
    %get3A_6 = arith.constant 0 : index
    %get3A_7 = vector.load %arg3[%get3A_5, %get3A_6] : memref<128x128xf32, #tpu.memory_space<vmem>>, vector<128x128xf32>
    %dot_general3A = arith.constant dense<0.000000e+00> : vector<512x128xf32>
    %dot_general3A_8 = tpu.matmul %mul3A, %get3A_7, %dot_general3A {dimension_numbers = #tpu.dot_dimension_numbers<[1], [0], [0], [1], [0, 0, 1, 1], [], []>, transpose_lhs_hint = false} : vector<512x128xf32>, vector<128x128xf32>, vector<512x128xf32> -> vector<512x128xf32>
    %swap3A = arith.constant 0 : index
    %swap3A_9 = arith.constant 0 : index
    %swap3A_10 = vector.load %arg4[%swap3A, %swap3A_9] : memref<512x128xf32, #tpu.memory_space<vmem>>, vector<512x128xf32>
    tpu.vector_store %arg4[%swap3A, %swap3A_9], %dot_general3A_8 {strides = array<i32>} : memref<512x128xf32, #tpu.memory_space<vmem>>, vector<512x128xf32>,
    return
  }
  func.func @transform_0(%arg0: i32) -> (i32, i32) {
    %c0_i32 = arith.constant 0 : i32
    %c0_i32_0 = arith.constant 0 : i32
    return %arg0, %c0_i32 : i32, i32
  }
  func.func @transform_1(%arg0: i32) -> (i32, i32) {
    %c0_i32 = arith.constant 0 : i32
    %c0_i32_0 = arith.constant 0 : i32
    return %arg0, %c0_i32 : i32, i32
  }
  func.func @transform_2(%arg0: i32) -> (i32, i32) {
    %c0_i32 = arith.constant 0 : i32
    %c0_i32_0 = arith.constant 0 : i32
    %c0_i32_1 = arith.constant 0 : i32
    return %c0_i32, %c0_i32_0 : i32, i32
  }
  func.func @transform_3(%arg0: i32) -> (i32, i32) {
    %c0_i32 = arith.constant 0 : i32
    %c0_i32_0 = arith.constant 0 : i32
    return %arg0, %c0_i32 : i32, i32
  }
}

module attributes {stable_mosaic.version = 14 : i64} {
  func.func @_gcn_epilogue_mm_body(%arg0: i32, %arg1: memref<512x128xf32, #tpu.memory_space<vmem>>, %arg2: memref<512x128xf32, #tpu.memory_space<vmem>>, %arg3: memref<512x128xf32, #tpu.memory_space<vmem>>, %arg4: memref<1x128xf32, #tpu.memory_space<vmem>>, %arg5: memref<128x128xf32, #tpu.memory_space<vmem>>, %arg6: memref<512x128xf32, #tpu.memory_space<vmem>>) attributes {dimension_semantics = [#tpu.dimension_semantics<arbitrary>], iteration_bounds = array<i64: 20>, scalar_prefetch = 0 : i64, scratch_operands = 0 : i64, tpu.core_type = #tpu.core_type<tc>, window_params = [{transform_indices = @transform_0, window_bounds = array<i64: 512, 128>}, {transform_indices = @transform_1, window_bounds = array<i64: 512, 128>}, {transform_indices = @transform_2, window_bounds = array<i64: 512, 128>}, {pipeline_mode = #tpu.pipeline_mode<synchronous>, transform_indices = @transform_3, window_bounds = array<i64: 1, 128>}, {pipeline_mode = #tpu.pipeline_mode<synchronous>, transform_indices = @transform_4, window_bounds = array<i64: 128, 128>}, {transform_indices = @transform_5, window_bounds = array<i64: 512, 128>}]} {
    %get3A = arith.constant 0 : index
    %get3A_0 = arith.constant 0 : index
    %get3A_1 = vector.load %arg2[%get3A, %get3A_0] : memref<512x128xf32, #tpu.memory_space<vmem>>, vector<512x128xf32>
    %get3A_2 = arith.constant 0 : index
    %get3A_3 = arith.constant 0 : index
    %get3A_4 = vector.load %arg1[%get3A_2, %get3A_3] : memref<512x128xf32, #tpu.memory_space<vmem>>, vector<512x128xf32>
    %get3A_5 = arith.constant 0 : index
    %get3A_6 = arith.constant 0 : index
    %get3A_7 = vector.load %arg3[%get3A_5, %get3A_6] : memref<512x128xf32, #tpu.memory_space<vmem>>, vector<512x128xf32>
    %mul3A = arith.constant 2.000000e+00 : f32
    %mul3A_8 = vector.broadcast %mul3A : f32 to vector<512x128xf32>
    %mul3A_9 = arith.mulf %mul3A_8, %get3A_7 : vector<512x128xf32>
    %add3A = arith.addf %get3A_4, %mul3A_9 : vector<512x128xf32>
    %mul3A_10 = arith.mulf %get3A_1, %add3A : vector<512x128xf32>
    %get3A_11 = arith.constant 0 : index
    %get3A_12 = arith.constant 0 : index
    %get3A_13 = vector.load %arg4[%get3A_11, %get3A_12] : memref<1x128xf32, #tpu.memory_space<vmem>>, vector<1x128xf32>
    %add3A_14 = vector.broadcast %get3A_13 : vector<1x128xf32> to vector<512x128xf32>
    %add3A_15 = arith.addf %mul3A_10, %add3A_14 : vector<512x128xf32>
    %max3A = arith.constant 0.000000e+00 : f32
    %max3A_16 = vector.broadcast %max3A : f32 to vector<512x128xf32>
    %max3A_17 = arith.maximumf %add3A_15, %max3A_16 : vector<512x128xf32>
    %mul3A_18 = arith.mulf %get3A_1, %max3A_17 : vector<512x128xf32>
    %get3A_19 = arith.constant 0 : index
    %get3A_20 = arith.constant 0 : index
    %get3A_21 = vector.load %arg5[%get3A_19, %get3A_20] : memref<128x128xf32, #tpu.memory_space<vmem>>, vector<128x128xf32>
    %dot_general3A = arith.constant dense<0.000000e+00> : vector<512x128xf32>
    %dot_general3A_22 = tpu.matmul %mul3A_18, %get3A_21, %dot_general3A {dimension_numbers = #tpu.dot_dimension_numbers<[1], [0], [0], [1], [0, 0, 1, 1], [], []>, transpose_lhs_hint = false} : vector<512x128xf32>, vector<128x128xf32>, vector<512x128xf32> -> vector<512x128xf32>
    %swap3A = arith.constant 0 : index
    %swap3A_23 = arith.constant 0 : index
    %swap3A_24 = vector.load %arg6[%swap3A, %swap3A_23] : memref<512x128xf32, #tpu.memory_space<vmem>>, vector<512x128xf32>
    tpu.vector_store %arg6[%swap3A, %swap3A_23], %dot_general3A_22 {strides = array<i32>} : memref<512x128xf32, #tpu.memory_space<vmem>>, vector<512x128xf32>,
    return
  }
  func.func @transform_0(%arg0: i32) -> (i32, i32) {
    %c0_i32 = arith.constant 0 : i32
    %c0_i32_0 = arith.constant 0 : i32
    return %arg0, %c0_i32 : i32, i32
  }
  func.func @transform_1(%arg0: i32) -> (i32, i32) {
    %c0_i32 = arith.constant 0 : i32
    %c0_i32_0 = arith.constant 0 : i32
    return %arg0, %c0_i32 : i32, i32
  }
  func.func @transform_2(%arg0: i32) -> (i32, i32) {
    %c0_i32 = arith.constant 0 : i32
    %c0_i32_0 = arith.constant 0 : i32
    return %arg0, %c0_i32 : i32, i32
  }
  func.func @transform_3(%arg0: i32) -> (i32, i32) {
    %c0_i32 = arith.constant 0 : i32
    %c0_i32_0 = arith.constant 0 : i32
    %c0_i32_1 = arith.constant 0 : i32
    return %c0_i32, %c0_i32_0 : i32, i32
  }
  func.func @transform_4(%arg0: i32) -> (i32, i32) {
    %c0_i32 = arith.constant 0 : i32
    %c0_i32_0 = arith.constant 0 : i32
    %c0_i32_1 = arith.constant 0 : i32
    return %c0_i32, %c0_i32_0 : i32, i32
  }
  func.func @transform_5(%arg0: i32) -> (i32, i32) {
    %c0_i32 = arith.constant 0 : i32
    %c0_i32_0 = arith.constant 0 : i32
    return %arg0, %c0_i32 : i32, i32
  }
}

module attributes {stable_mosaic.version = 14 : i64} {
  func.func @_lstm_head_body(%arg0: i32, %arg1: memref<512x128xf32, #tpu.memory_space<vmem>>, %arg2: memref<512x128xf32, #tpu.memory_space<vmem>>, %arg3: memref<512x128xf32, #tpu.memory_space<vmem>>, %arg4: memref<1x128xf32, #tpu.memory_space<vmem>>, %arg5: memref<3x128x128xf32, #tpu.memory_space<vmem>>, %arg6: memref<3x128x128xf32, #tpu.memory_space<vmem>>, %arg7: memref<3x128x128xf32, #tpu.memory_space<vmem>>, %arg8: memref<3x1x128xf32, #tpu.memory_space<vmem>>, %arg9: memref<3x1x128xf32, #tpu.memory_space<vmem>>, %arg10: memref<3x1x128xf32, #tpu.memory_space<vmem>>, %arg11: memref<3x1x128xf32, #tpu.memory_space<vmem>>, %arg12: memref<128x128xf32, #tpu.memory_space<vmem>>, %arg13: memref<1x128xf32, #tpu.memory_space<vmem>>, %arg14: memref<512x128xf32, #tpu.memory_space<vmem>>) attributes {dimension_semantics = [#tpu.dimension_semantics<arbitrary>], iteration_bounds = array<i64: 20>, scalar_prefetch = 0 : i64, scratch_operands = 0 : i64, tpu.core_type = #tpu.core_type<tc>, window_params = [{transform_indices = @transform_0, window_bounds = array<i64: 512, 128>}, {transform_indices = @transform_1, window_bounds = array<i64: 512, 128>}, {transform_indices = @transform_2, window_bounds = array<i64: 512, 128>}, {pipeline_mode = #tpu.pipeline_mode<synchronous>, transform_indices = @transform_3, window_bounds = array<i64: 1, 128>}, {pipeline_mode = #tpu.pipeline_mode<synchronous>, transform_indices = @transform_4, window_bounds = array<i64: 3, 128, 128>}, {pipeline_mode = #tpu.pipeline_mode<synchronous>, transform_indices = @transform_5, window_bounds = array<i64: 3, 128, 128>}, {pipeline_mode = #tpu.pipeline_mode<synchronous>, transform_indices = @transform_6, window_bounds = array<i64: 3, 128, 128>}, {pipeline_mode = #tpu.pipeline_mode<synchronous>, transform_indices = @transform_7, window_bounds = array<i64: 3, 1, 128>}, {pipeline_mode = #tpu.pipeline_mode<synchronous>, transform_indices = @transform_8, window_bounds = array<i64: 3, 1, 128>}, {pipeline_mode = #tpu.pipeline_mode<synchronous>, transform_indices = @transform_9, window_bounds = array<i64: 3, 1, 128>}, {pipeline_mode = #tpu.pipeline_mode<synchronous>, transform_indices = @transform_10, window_bounds = array<i64: 3, 1, 128>}, {pipeline_mode = #tpu.pipeline_mode<synchronous>, transform_indices = @transform_11, window_bounds = array<i64: 128, 128>}, {pipeline_mode = #tpu.pipeline_mode<synchronous>, transform_indices = @transform_12, window_bounds = array<i64: 1, 128>}, {transform_indices = @transform_13, window_bounds = array<i64: 512, 128>}]} {
    %get3A = arith.constant 0 : index
    %get3A_0 = arith.constant 0 : index
    %get3A_1 = vector.load %arg2[%get3A, %get3A_0] : memref<512x128xf32, #tpu.memory_space<vmem>>, vector<512x128xf32>
    %get3A_2 = arith.constant 0 : index
    %get3A_3 = arith.constant 0 : index
    %get3A_4 = vector.load %arg1[%get3A_2, %get3A_3] : memref<512x128xf32, #tpu.memory_space<vmem>>, vector<512x128xf32>
    %get3A_5 = arith.constant 0 : index
    %get3A_6 = arith.constant 0 : index
    %get3A_7 = vector.load %arg3[%get3A_5, %get3A_6] : memref<512x128xf32, #tpu.memory_space<vmem>>, vector<512x128xf32>
    %mul3A = arith.constant 2.000000e+00 : f32
    %mul3A_8 = vector.broadcast %mul3A : f32 to vector<512x128xf32>
    %mul3A_9 = arith.mulf %mul3A_8, %get3A_7 : vector<512x128xf32>
    %add3A = arith.addf %get3A_4, %mul3A_9 : vector<512x128xf32>
    %mul3A_10 = arith.mulf %get3A_1, %add3A : vector<512x128xf32>
    %get3A_11 = arith.constant 0 : index
    %get3A_12 = arith.constant 0 : index
    %get3A_13 = vector.load %arg4[%get3A_11, %get3A_12] : memref<1x128xf32, #tpu.memory_space<vmem>>, vector<1x128xf32>
    %add3A_14 = vector.broadcast %get3A_13 : vector<1x128xf32> to vector<512x128xf32>
    %add3A_15 = arith.addf %mul3A_10, %add3A_14 : vector<512x128xf32>
    %max3A = arith.constant 0.000000e+00 : f32
    %max3A_16 = vector.broadcast %max3A : f32 to vector<512x128xf32>
    %max3A_17 = arith.maximumf %add3A_15, %max3A_16 : vector<512x128xf32>
    %get3A_18 = arith.constant 0 : index
    %get3A_19 = arith.constant 0 : index
    %get3A_20 = arith.constant 0 : index
    %get3A_21 = vector.load %arg5[%get3A_18, %get3A_19, %get3A_20] : memref<3x128x128xf32, #tpu.memory_space<vmem>>, vector<1x128x128xf32>
    %get3A_22 = vector.shape_cast %get3A_21 : vector<1x128x128xf32> to vector<128x128xf32>
    %dot_general3A = arith.constant dense<0.000000e+00> : vector<512x128xf32>
    %dot_general3A_23 = tpu.matmul %max3A_17, %get3A_22, %dot_general3A {dimension_numbers = #tpu.dot_dimension_numbers<[1], [0], [0], [1], [0, 0, 1, 1], [], []>, transpose_lhs_hint = false} : vector<512x128xf32>, vector<128x128xf32>, vector<512x128xf32> -> vector<512x128xf32>
    %get3A_24 = arith.constant 0 : index
    %get3A_25 = arith.constant 0 : index
    %get3A_26 = arith.constant 0 : index
    %get3A_27 = vector.load %arg8[%get3A_24, %get3A_25, %get3A_26] : memref<3x1x128xf32, #tpu.memory_space<vmem>>, vector<1x1x128xf32>
    %get3A_28 = vector.shape_cast %get3A_27 : vector<1x1x128xf32> to vector<1x128xf32>
    %add3A_29 = vector.broadcast %get3A_28 : vector<1x128xf32> to vector<512x128xf32>
    %add3A_30 = arith.addf %dot_general3A_23, %add3A_29 : vector<512x128xf32>
    %get3A_31 = arith.constant 0 : index
    %get3A_32 = arith.constant 0 : index
    %get3A_33 = arith.constant 0 : index
    %get3A_34 = vector.load %arg6[%get3A_31, %get3A_32, %get3A_33] : memref<3x128x128xf32, #tpu.memory_space<vmem>>, vector<1x128x128xf32>
    %get3A_35 = vector.shape_cast %get3A_34 : vector<1x128x128xf32> to vector<128x128xf32>
    %dot_general3A_36 = arith.constant dense<0.000000e+00> : vector<512x128xf32>
    %dot_general3A_37 = tpu.matmul %max3A_17, %get3A_35, %dot_general3A_36 {dimension_numbers = #tpu.dot_dimension_numbers<[1], [0], [0], [1], [0, 0, 1, 1], [], []>, transpose_lhs_hint = false} : vector<512x128xf32>, vector<128x128xf32>, vector<512x128xf32> -> vector<512x128xf32>
    %get3A_38 = arith.constant 0 : index
    %get3A_39 = arith.constant 0 : index
    %get3A_40 = arith.constant 0 : index
    %get3A_41 = vector.load %arg9[%get3A_38, %get3A_39, %get3A_40] : memref<3x1x128xf32, #tpu.memory_space<vmem>>, vector<1x1x128xf32>
    %get3A_42 = vector.shape_cast %get3A_41 : vector<1x1x128xf32> to vector<1x128xf32>
    %add3A_43 = vector.broadcast %get3A_42 : vector<1x128xf32> to vector<512x128xf32>
    %add3A_44 = arith.addf %dot_general3A_37, %add3A_43 : vector<512x128xf32>
    %get3A_45 = arith.constant 0 : index
    %get3A_46 = arith.constant 0 : index
    %get3A_47 = arith.constant 0 : index
    %get3A_48 = vector.load %arg7[%get3A_45, %get3A_46, %get3A_47] : memref<3x128x128xf32, #tpu.memory_space<vmem>>, vector<1x128x128xf32>
    %get3A_49 = vector.shape_cast %get3A_48 : vector<1x128x128xf32> to vector<128x128xf32>
    %dot_general3A_50 = arith.constant dense<0.000000e+00> : vector<512x128xf32>
    %dot_general3A_51 = tpu.matmul %max3A_17, %get3A_49, %dot_general3A_50 {dimension_numbers = #tpu.dot_dimension_numbers<[1], [0], [0], [1], [0, 0, 1, 1], [], []>, transpose_lhs_hint = false} : vector<512x128xf32>, vector<128x128xf32>, vector<512x128xf32> -> vector<512x128xf32>
    %get3A_52 = arith.constant 0 : index
    %get3A_53 = arith.constant 0 : index
    %get3A_54 = arith.constant 0 : index
    %get3A_55 = vector.load %arg10[%get3A_52, %get3A_53, %get3A_54] : memref<3x1x128xf32, #tpu.memory_space<vmem>>, vector<1x1x128xf32>
    %get3A_56 = vector.shape_cast %get3A_55 : vector<1x1x128xf32> to vector<1x128xf32>
    %add3A_57 = vector.broadcast %get3A_56 : vector<1x128xf32> to vector<512x128xf32>
    %add3A_58 = arith.addf %dot_general3A_51, %add3A_57 : vector<512x128xf32>
    %logistic3A = arith.negf %add3A_30 : vector<512x128xf32>
    %logistic3A_59 = math.exp %logistic3A : vector<512x128xf32>
    %logistic3A_60 = arith.constant 1.000000e+00 : f32
    %logistic3A_61 = vector.broadcast %logistic3A_60 : f32 to vector<512x128xf32>
    %logistic3A_62 = arith.addf %logistic3A_61, %logistic3A_59 : vector<512x128xf32>
    %logistic3A_63 = arith.divf %logistic3A_61, %logistic3A_62 : vector<512x128xf32>
    %tanh3A = math.tanh %add3A_44 : vector<512x128xf32>
    %mul3A_64 = arith.mulf %logistic3A_63, %tanh3A : vector<512x128xf32>
    %get3A_65 = arith.constant 0 : index
    %get3A_66 = arith.constant 0 : index
    %get3A_67 = arith.constant 0 : index
    %get3A_68 = vector.load %arg11[%get3A_65, %get3A_66, %get3A_67] : memref<3x1x128xf32, #tpu.memory_space<vmem>>, vector<1x1x128xf32>
    %get3A_69 = vector.shape_cast %get3A_68 : vector<1x1x128xf32> to vector<1x128xf32>
    %mul3A_70 = vector.broadcast %get3A_69 : vector<1x128xf32> to vector<512x128xf32>
    %mul3A_71 = arith.mulf %mul3A_70, %mul3A_64 : vector<512x128xf32>
    %add3A_72 = arith.addf %add3A_58, %mul3A_71 : vector<512x128xf32>
    %logistic3A_73 = arith.negf %add3A_72 : vector<512x128xf32>
    %logistic3A_74 = math.exp %logistic3A_73 : vector<512x128xf32>
    %logistic3A_75 = arith.constant 1.000000e+00 : f32
    %logistic3A_76 = vector.broadcast %logistic3A_75 : f32 to vector<512x128xf32>
    %logistic3A_77 = arith.addf %logistic3A_76, %logistic3A_74 : vector<512x128xf32>
    %logistic3A_78 = arith.divf %logistic3A_76, %logistic3A_77 : vector<512x128xf32>
    %tanh3A_79 = math.tanh %mul3A_64 : vector<512x128xf32>
    %mul3A_80 = arith.mulf %logistic3A_78, %tanh3A_79 : vector<512x128xf32>
    %get3A_81 = arith.constant 1 : index
    %get3A_82 = arith.constant 0 : index
    %get3A_83 = arith.constant 0 : index
    %get3A_84 = vector.load %arg5[%get3A_81, %get3A_82, %get3A_83] : memref<3x128x128xf32, #tpu.memory_space<vmem>>, vector<1x128x128xf32>
    %get3A_85 = vector.shape_cast %get3A_84 : vector<1x128x128xf32> to vector<128x128xf32>
    %dot_general3A_86 = arith.constant dense<0.000000e+00> : vector<512x128xf32>
    %dot_general3A_87 = tpu.matmul %mul3A_80, %get3A_85, %dot_general3A_86 {dimension_numbers = #tpu.dot_dimension_numbers<[1], [0], [0], [1], [0, 0, 1, 1], [], []>, transpose_lhs_hint = false} : vector<512x128xf32>, vector<128x128xf32>, vector<512x128xf32> -> vector<512x128xf32>
    %get3A_88 = arith.constant 1 : index
    %get3A_89 = arith.constant 0 : index
    %get3A_90 = arith.constant 0 : index
    %get3A_91 = vector.load %arg8[%get3A_88, %get3A_89, %get3A_90] : memref<3x1x128xf32, #tpu.memory_space<vmem>>, vector<1x1x128xf32>
    %get3A_92 = vector.shape_cast %get3A_91 : vector<1x1x128xf32> to vector<1x128xf32>
    %add3A_93 = vector.broadcast %get3A_92 : vector<1x128xf32> to vector<512x128xf32>
    %add3A_94 = arith.addf %dot_general3A_87, %add3A_93 : vector<512x128xf32>
    %get3A_95 = arith.constant 1 : index
    %get3A_96 = arith.constant 0 : index
    %get3A_97 = arith.constant 0 : index
    %get3A_98 = vector.load %arg6[%get3A_95, %get3A_96, %get3A_97] : memref<3x128x128xf32, #tpu.memory_space<vmem>>, vector<1x128x128xf32>
    %get3A_99 = vector.shape_cast %get3A_98 : vector<1x128x128xf32> to vector<128x128xf32>
    %dot_general3A_100 = arith.constant dense<0.000000e+00> : vector<512x128xf32>
    %dot_general3A_101 = tpu.matmul %mul3A_80, %get3A_99, %dot_general3A_100 {dimension_numbers = #tpu.dot_dimension_numbers<[1], [0], [0], [1], [0, 0, 1, 1], [], []>, transpose_lhs_hint = false} : vector<512x128xf32>, vector<128x128xf32>, vector<512x128xf32> -> vector<512x128xf32>
    %get3A_102 = arith.constant 1 : index
    %get3A_103 = arith.constant 0 : index
    %get3A_104 = arith.constant 0 : index
    %get3A_105 = vector.load %arg9[%get3A_102, %get3A_103, %get3A_104] : memref<3x1x128xf32, #tpu.memory_space<vmem>>, vector<1x1x128xf32>
    %get3A_106 = vector.shape_cast %get3A_105 : vector<1x1x128xf32> to vector<1x128xf32>
    %add3A_107 = vector.broadcast %get3A_106 : vector<1x128xf32> to vector<512x128xf32>
    %add3A_108 = arith.addf %dot_general3A_101, %add3A_107 : vector<512x128xf32>
    %get3A_109 = arith.constant 1 : index
    %get3A_110 = arith.constant 0 : index
    %get3A_111 = arith.constant 0 : index
    %get3A_112 = vector.load %arg7[%get3A_109, %get3A_110, %get3A_111] : memref<3x128x128xf32, #tpu.memory_space<vmem>>, vector<1x128x128xf32>
    %get3A_113 = vector.shape_cast %get3A_112 : vector<1x128x128xf32> to vector<128x128xf32>
    %dot_general3A_114 = arith.constant dense<0.000000e+00> : vector<512x128xf32>
    %dot_general3A_115 = tpu.matmul %mul3A_80, %get3A_113, %dot_general3A_114 {dimension_numbers = #tpu.dot_dimension_numbers<[1], [0], [0], [1], [0, 0, 1, 1], [], []>, transpose_lhs_hint = false} : vector<512x128xf32>, vector<128x128xf32>, vector<512x128xf32> -> vector<512x128xf32>
    %get3A_116 = arith.constant 1 : index
    %get3A_117 = arith.constant 0 : index
    %get3A_118 = arith.constant 0 : index
    %get3A_119 = vector.load %arg10[%get3A_116, %get3A_117, %get3A_118] : memref<3x1x128xf32, #tpu.memory_space<vmem>>, vector<1x1x128xf32>
    %get3A_120 = vector.shape_cast %get3A_119 : vector<1x1x128xf32> to vector<1x128xf32>
    %add3A_121 = vector.broadcast %get3A_120 : vector<1x128xf32> to vector<512x128xf32>
    %add3A_122 = arith.addf %dot_general3A_115, %add3A_121 : vector<512x128xf32>
    %logistic3A_123 = arith.negf %add3A_94 : vector<512x128xf32>
    %logistic3A_124 = math.exp %logistic3A_123 : vector<512x128xf32>
    %logistic3A_125 = arith.constant 1.000000e+00 : f32
    %logistic3A_126 = vector.broadcast %logistic3A_125 : f32 to vector<512x128xf32>
    %logistic3A_127 = arith.addf %logistic3A_126, %logistic3A_124 : vector<512x128xf32>
    %logistic3A_128 = arith.divf %logistic3A_126, %logistic3A_127 : vector<512x128xf32>
    %tanh3A_129 = math.tanh %add3A_108 : vector<512x128xf32>
    %mul3A_130 = arith.mulf %logistic3A_128, %tanh3A_129 : vector<512x128xf32>
    %get3A_131 = arith.constant 1 : index
    %get3A_132 = arith.constant 0 : index
    %get3A_133 = arith.constant 0 : index
    %get3A_134 = vector.load %arg11[%get3A_131, %get3A_132, %get3A_133] : memref<3x1x128xf32, #tpu.memory_space<vmem>>, vector<1x1x128xf32>
    %get3A_135 = vector.shape_cast %get3A_134 : vector<1x1x128xf32> to vector<1x128xf32>
    %mul3A_136 = vector.broadcast %get3A_135 : vector<1x128xf32> to vector<512x128xf32>
    %mul3A_137 = arith.mulf %mul3A_136, %mul3A_130 : vector<512x128xf32>
    %add3A_138 = arith.addf %add3A_122, %mul3A_137 : vector<512x128xf32>
    %logistic3A_139 = arith.negf %add3A_138 : vector<512x128xf32>
    %logistic3A_140 = math.exp %logistic3A_139 : vector<512x128xf32>
    %logistic3A_141 = arith.constant 1.000000e+00 : f32
    %logistic3A_142 = vector.broadcast %logistic3A_141 : f32 to vector<512x128xf32>
    %logistic3A_143 = arith.addf %logistic3A_142, %logistic3A_140 : vector<512x128xf32>
    %logistic3A_144 = arith.divf %logistic3A_142, %logistic3A_143 : vector<512x128xf32>
    %tanh3A_145 = math.tanh %mul3A_130 : vector<512x128xf32>
    %mul3A_146 = arith.mulf %logistic3A_144, %tanh3A_145 : vector<512x128xf32>
    %get3A_147 = arith.constant 2 : index
    %get3A_148 = arith.constant 0 : index
    %get3A_149 = arith.constant 0 : index
    %get3A_150 = vector.load %arg5[%get3A_147, %get3A_148, %get3A_149] : memref<3x128x128xf32, #tpu.memory_space<vmem>>, vector<1x128x128xf32>
    %get3A_151 = vector.shape_cast %get3A_150 : vector<1x128x128xf32> to vector<128x128xf32>
    %dot_general3A_152 = arith.constant dense<0.000000e+00> : vector<512x128xf32>
    %dot_general3A_153 = tpu.matmul %mul3A_146, %get3A_151, %dot_general3A_152 {dimension_numbers = #tpu.dot_dimension_numbers<[1], [0], [0], [1], [0, 0, 1, 1], [], []>, transpose_lhs_hint = false} : vector<512x128xf32>, vector<128x128xf32>, vector<512x128xf32> -> vector<512x128xf32>
    %get3A_154 = arith.constant 2 : index
    %get3A_155 = arith.constant 0 : index
    %get3A_156 = arith.constant 0 : index
    %get3A_157 = vector.load %arg8[%get3A_154, %get3A_155, %get3A_156] : memref<3x1x128xf32, #tpu.memory_space<vmem>>, vector<1x1x128xf32>
    %get3A_158 = vector.shape_cast %get3A_157 : vector<1x1x128xf32> to vector<1x128xf32>
    %add3A_159 = vector.broadcast %get3A_158 : vector<1x128xf32> to vector<512x128xf32>
    %add3A_160 = arith.addf %dot_general3A_153, %add3A_159 : vector<512x128xf32>
    %get3A_161 = arith.constant 2 : index
    %get3A_162 = arith.constant 0 : index
    %get3A_163 = arith.constant 0 : index
    %get3A_164 = vector.load %arg6[%get3A_161, %get3A_162, %get3A_163] : memref<3x128x128xf32, #tpu.memory_space<vmem>>, vector<1x128x128xf32>
    %get3A_165 = vector.shape_cast %get3A_164 : vector<1x128x128xf32> to vector<128x128xf32>
    %dot_general3A_166 = arith.constant dense<0.000000e+00> : vector<512x128xf32>
    %dot_general3A_167 = tpu.matmul %mul3A_146, %get3A_165, %dot_general3A_166 {dimension_numbers = #tpu.dot_dimension_numbers<[1], [0], [0], [1], [0, 0, 1, 1], [], []>, transpose_lhs_hint = false} : vector<512x128xf32>, vector<128x128xf32>, vector<512x128xf32> -> vector<512x128xf32>
    %get3A_168 = arith.constant 2 : index
    %get3A_169 = arith.constant 0 : index
    %get3A_170 = arith.constant 0 : index
    %get3A_171 = vector.load %arg9[%get3A_168, %get3A_169, %get3A_170] : memref<3x1x128xf32, #tpu.memory_space<vmem>>, vector<1x1x128xf32>
    %get3A_172 = vector.shape_cast %get3A_171 : vector<1x1x128xf32> to vector<1x128xf32>
    %add3A_173 = vector.broadcast %get3A_172 : vector<1x128xf32> to vector<512x128xf32>
    %add3A_174 = arith.addf %dot_general3A_167, %add3A_173 : vector<512x128xf32>
    %get3A_175 = arith.constant 2 : index
    %get3A_176 = arith.constant 0 : index
    %get3A_177 = arith.constant 0 : index
    %get3A_178 = vector.load %arg7[%get3A_175, %get3A_176, %get3A_177] : memref<3x128x128xf32, #tpu.memory_space<vmem>>, vector<1x128x128xf32>
    %get3A_179 = vector.shape_cast %get3A_178 : vector<1x128x128xf32> to vector<128x128xf32>
    %dot_general3A_180 = arith.constant dense<0.000000e+00> : vector<512x128xf32>
    %dot_general3A_181 = tpu.matmul %mul3A_146, %get3A_179, %dot_general3A_180 {dimension_numbers = #tpu.dot_dimension_numbers<[1], [0], [0], [1], [0, 0, 1, 1], [], []>, transpose_lhs_hint = false} : vector<512x128xf32>, vector<128x128xf32>, vector<512x128xf32> -> vector<512x128xf32>
    %get3A_182 = arith.constant 2 : index
    %get3A_183 = arith.constant 0 : index
    %get3A_184 = arith.constant 0 : index
    %get3A_185 = vector.load %arg10[%get3A_182, %get3A_183, %get3A_184] : memref<3x1x128xf32, #tpu.memory_space<vmem>>, vector<1x1x128xf32>
    %get3A_186 = vector.shape_cast %get3A_185 : vector<1x1x128xf32> to vector<1x128xf32>
    %add3A_187 = vector.broadcast %get3A_186 : vector<1x128xf32> to vector<512x128xf32>
    %add3A_188 = arith.addf %dot_general3A_181, %add3A_187 : vector<512x128xf32>
    %logistic3A_189 = arith.negf %add3A_160 : vector<512x128xf32>
    %logistic3A_190 = math.exp %logistic3A_189 : vector<512x128xf32>
    %logistic3A_191 = arith.constant 1.000000e+00 : f32
    %logistic3A_192 = vector.broadcast %logistic3A_191 : f32 to vector<512x128xf32>
    %logistic3A_193 = arith.addf %logistic3A_192, %logistic3A_190 : vector<512x128xf32>
    %logistic3A_194 = arith.divf %logistic3A_192, %logistic3A_193 : vector<512x128xf32>
    %tanh3A_195 = math.tanh %add3A_174 : vector<512x128xf32>
    %mul3A_196 = arith.mulf %logistic3A_194, %tanh3A_195 : vector<512x128xf32>
    %get3A_197 = arith.constant 2 : index
    %get3A_198 = arith.constant 0 : index
    %get3A_199 = arith.constant 0 : index
    %get3A_200 = vector.load %arg11[%get3A_197, %get3A_198, %get3A_199] : memref<3x1x128xf32, #tpu.memory_space<vmem>>, vector<1x1x128xf32>
    %get3A_201 = vector.shape_cast %get3A_200 : vector<1x1x128xf32> to vector<1x128xf32>
    %mul3A_202 = vector.broadcast %get3A_201 : vector<1x128xf32> to vector<512x128xf32>
    %mul3A_203 = arith.mulf %mul3A_202, %mul3A_196 : vector<512x128xf32>
    %add3A_204 = arith.addf %add3A_188, %mul3A_203 : vector<512x128xf32>
    %logistic3A_205 = arith.negf %add3A_204 : vector<512x128xf32>
    %logistic3A_206 = math.exp %logistic3A_205 : vector<512x128xf32>
    %logistic3A_207 = arith.constant 1.000000e+00 : f32
    %logistic3A_208 = vector.broadcast %logistic3A_207 : f32 to vector<512x128xf32>
    %logistic3A_209 = arith.addf %logistic3A_208, %logistic3A_206 : vector<512x128xf32>
    %logistic3A_210 = arith.divf %logistic3A_208, %logistic3A_209 : vector<512x128xf32>
    %tanh3A_211 = math.tanh %mul3A_196 : vector<512x128xf32>
    %mul3A_212 = arith.mulf %logistic3A_210, %tanh3A_211 : vector<512x128xf32>
    %max3A_213 = arith.constant 0.000000e+00 : f32
    %max3A_214 = vector.broadcast %max3A_213 : f32 to vector<512x128xf32>
    %max3A_215 = arith.maximumf %mul3A_212, %max3A_214 : vector<512x128xf32>
    %get3A_216 = arith.constant 0 : index
    %get3A_217 = arith.constant 0 : index
    %get3A_218 = vector.load %arg12[%get3A_216, %get3A_217] : memref<128x128xf32, #tpu.memory_space<vmem>>, vector<128x128xf32>
    %dot_general3A_219 = arith.constant dense<0.000000e+00> : vector<512x128xf32>
    %dot_general3A_220 = tpu.matmul %max3A_215, %get3A_218, %dot_general3A_219 {dimension_numbers = #tpu.dot_dimension_numbers<[1], [0], [0], [1], [0, 0, 1, 1], [], []>, transpose_lhs_hint = false} : vector<512x128xf32>, vector<128x128xf32>, vector<512x128xf32> -> vector<512x128xf32>
    %get3A_221 = arith.constant 0 : index
    %get3A_222 = arith.constant 0 : index
    %get3A_223 = vector.load %arg13[%get3A_221, %get3A_222] : memref<1x128xf32, #tpu.memory_space<vmem>>, vector<1x128xf32>
    %add3A_224 = vector.broadcast %get3A_223 : vector<1x128xf32> to vector<512x128xf32>
    %add3A_225 = arith.addf %dot_general3A_220, %add3A_224 : vector<512x128xf32>
    %swap3A = arith.constant 0 : index
    %swap3A_226 = arith.constant 0 : index
    %swap3A_227 = vector.load %arg14[%swap3A, %swap3A_226] : memref<512x128xf32, #tpu.memory_space<vmem>>, vector<512x128xf32>
    tpu.vector_store %arg14[%swap3A, %swap3A_226], %add3A_225 {strides = array<i32>} : memref<512x128xf32, #tpu.memory_space<vmem>>, vector<512x128xf32>,
    return
  }
  func.func @transform_0(%arg0: i32) -> (i32, i32) {
    %c0_i32 = arith.constant 0 : i32
    %c0_i32_0 = arith.constant 0 : i32
    return %arg0, %c0_i32 : i32, i32
  }
  func.func @transform_1(%arg0: i32) -> (i32, i32) {
    %c0_i32 = arith.constant 0 : i32
    %c0_i32_0 = arith.constant 0 : i32
    return %arg0, %c0_i32 : i32, i32
  }
  func.func @transform_2(%arg0: i32) -> (i32, i32) {
    %c0_i32 = arith.constant 0 : i32
    %c0_i32_0 = arith.constant 0 : i32
    return %arg0, %c0_i32 : i32, i32
  }
  func.func @transform_3(%arg0: i32) -> (i32, i32) {
    %c0_i32 = arith.constant 0 : i32
    %c0_i32_0 = arith.constant 0 : i32
    %c0_i32_1 = arith.constant 0 : i32
    return %c0_i32, %c0_i32_0 : i32, i32
  }
  func.func @transform_4(%arg0: i32) -> (i32, i32, i32) {
    %c0_i32 = arith.constant 0 : i32
    %c0_i32_0 = arith.constant 0 : i32
    %c0_i32_1 = arith.constant 0 : i32
    %c0_i32_2 = arith.constant 0 : i32
    return %c0_i32, %c0_i32_0, %c0_i32_1 : i32, i32, i32
  }
  func.func @transform_5(%arg0: i32) -> (i32, i32, i32) {
    %c0_i32 = arith.constant 0 : i32
    %c0_i32_0 = arith.constant 0 : i32
    %c0_i32_1 = arith.constant 0 : i32
    %c0_i32_2 = arith.constant 0 : i32
    return %c0_i32, %c0_i32_0, %c0_i32_1 : i32, i32, i32
  }
  func.func @transform_6(%arg0: i32) -> (i32, i32, i32) {
    %c0_i32 = arith.constant 0 : i32
    %c0_i32_0 = arith.constant 0 : i32
    %c0_i32_1 = arith.constant 0 : i32
    %c0_i32_2 = arith.constant 0 : i32
    return %c0_i32, %c0_i32_0, %c0_i32_1 : i32, i32, i32
  }
  func.func @transform_7(%arg0: i32) -> (i32, i32, i32) {
    %c0_i32 = arith.constant 0 : i32
    %c0_i32_0 = arith.constant 0 : i32
    %c0_i32_1 = arith.constant 0 : i32
    %c0_i32_2 = arith.constant 0 : i32
    return %c0_i32, %c0_i32_0, %c0_i32_1 : i32, i32, i32
  }
  func.func @transform_8(%arg0: i32) -> (i32, i32, i32) {
    %c0_i32 = arith.constant 0 : i32
    %c0_i32_0 = arith.constant 0 : i32
    %c0_i32_1 = arith.constant 0 : i32
    %c0_i32_2 = arith.constant 0 : i32
    return %c0_i32, %c0_i32_0, %c0_i32_1 : i32, i32, i32
  }
  func.func @transform_9(%arg0: i32) -> (i32, i32, i32) {
    %c0_i32 = arith.constant 0 : i32
    %c0_i32_0 = arith.constant 0 : i32
    %c0_i32_1 = arith.constant 0 : i32
    %c0_i32_2 = arith.constant 0 : i32
    return %c0_i32, %c0_i32_0, %c0_i32_1 : i32, i32, i32
  }
  func.func @transform_10(%arg0: i32) -> (i32, i32, i32) {
    %c0_i32 = arith.constant 0 : i32
    %c0_i32_0 = arith.constant 0 : i32
    %c0_i32_1 = arith.constant 0 : i32
    %c0_i32_2 = arith.constant 0 : i32
    return %c0_i32, %c0_i32_0, %c0_i32_1 : i32, i32, i32
  }
  func.func @transform_11(%arg0: i32) -> (i32, i32) {
    %c0_i32 = arith.constant 0 : i32
    %c0_i32_0 = arith.constant 0 : i32
    %c0_i32_1 = arith.constant 0 : i32
    return %c0_i32, %c0_i32_0 : i32, i32
  }
  func.func @transform_12(%arg0: i32) -> (i32, i32) {
    %c0_i32 = arith.constant 0 : i32
    %c0_i32_0 = arith.constant 0 : i32
    %c0_i32_1 = arith.constant 0 : i32
    return %c0_i32, %c0_i32_0 : i32, i32
  }
  func.func @transform_13(%arg0: i32) -> (i32, i32) {
    %c0_i32 = arith.constant 0 : i32
    %c0_i32_0 = arith.constant 0 : i32
    return %arg0, %c0_i32 : i32, i32
  }
}

</mosaic_0001>

<sc_bundles>
// kernel: kernel.11.cloned.1.call-start
scs
__scs_entry_jumppad:
0x0: {  	(pc) =	sbr.rel $0x88, $3  }
0x1: {  	(tag) =	ssettag $0x0;
	lr =	simm.s32 $0x1  }
0x2: {  	[smem:$0x3F94] =	sst lr;
	_ =	strace $0xD0000000  }
0x3: {  	_ = 	snop  }
0x4: {  	_ = 	snop  }
0x5: {  	_ = 	snop  }
0x6: {  	_ = 	snop  }
0x7: {  	_ = 	snop  }
__scs_overlays_trampoline_lowered:
0x8: {  	[smem:$0x3FA3] =	sst s0  }
0x9: {  	[smem:$0x3FA4] =	sst s1  }
0xa: {  	[smem:$0x3FA5] =	sst s2  }
0xb: {  	[smem:$0x3FA6] =	sst s3  }
0xc: {  	[smem:$0x3FA7] =	sst s4  }
0xd: {  	[smem:$0x3FA8] =	sst s5  }
0xe: {  	[smem:$0x3FA9] =	sst s6  }
0xf: {  	[smem:$0x3FAA] =	sst s7  }
0x10: {  	[smem:$0x3FAB] =	sst s8  }
0x11: {  	[smem:$0x3FAC] =	sst s9;
	s0 =	simm.s32 @!p0 $0x0  }
0x12: {  	s1 =	sld [smem:$0x3F92];
	s0 =	simm.s32 @p0 $0x1  }
0x13: {  	[smem:$0x3FAD] =	sst s0;
	s0 =	simm.s32 @!p1 $0x0  }
0x14: {  	s2 =	sld [smem:$0x3F91];
	s0 =	simm.s32 @p1 $0x1  }
0x15: {  	[smem:$0x3FAE] =	sst s0;
	s0 =	simm.s32 @!p2 $0x0  }
0x16: {  	s3 =	sld [smem:$0x3FDB];
	s0 =	simm.s32 @p2 $0x1  }
0x17: {  	s4 =	simm.s32 $0x1BF5;
	[smem:$0x3FB0] =	sst s0  }
0x18: {  	s0 =	sld [smem:$0x3F93];
	_ =	swait.ge [sflag:s4], $0x0  }
0x19: {  	s7 =	sld [smem:$0x3F94]  }
0x1a: {  	s8 =	sadd.s32 $0xFFFFE003, lr  }
0x1b: {  	s9 =	sadd.s32 $0xFFFFFEF7, lr;
	s5 =	simm.s32 $0xFFFFFFFF;
	p2 =	slt.u32 s8, $0xFFFFF086  }
0x1c: {  	p1 =	slt.u32 s9, $0xF7A;
	s5 =	simm.s32 @!p2 $0x0  }
0x1d: {  	s5 =	simm.s32 @p1 $0x1;
	p0 =	seq.s32 s7, s2  }
0x1e: {  	s7 =	smul.u32 @!p0 $0xF7A, s2;
	p2 =	seq.s32 @!p0 s5, $0x0  }
0x1f: {  	s9 =	smul.u32 $0xF7A, s1;
	s8 =	simm.s32 @!p0 $0x1BF5;
	p2 =	por !p2, p0  }
0x20: {  	[sflag:s8] =	ssyncset.s32 @!p0 $0xFFFFF086;
	s6 =	sadd.s32 @!p0 s3, s7;
	s7 =	simm.s32 @!p0 $0x108  }
0x21: {  	s3 =	sadd.s32 s3, s9;
	s6 =	sadd.s32 @!p0 $0x88, s6;
	s7 =	simm.s32 @p2 $0x1082  }
0x22: {  	[simem:s7], [sflag:s8] =	dma.local @!p0 [hbm:s6], $0xF7A  }
0x23: {  	s9 =	sor.u32 $0xD0000000, s2;
	s6 =	simm.s32 $0x108;
	_ =	swait.ge @!p0 [sflag:s8], $0x0  }
0x24: {  	s3 =	sadd.s32 $0x88, s3;
	s6 =	simm.s32 @!p1 $0x1082;
	[sflag:s4] =	ssyncset.s32 $0xFFFFF086  }
0x25: {  	[simem:s6], [sflag:s4] =	dma.local [hbm:s3], $0xF7A  }
0x26: {  	[smem:$0x3F94] =	sst s1;
	(tag) =	ssettag s2;
	_ =	strace s9  }
0x27: {  	s1 =	sld [smem:$0x3FA4]  }
0x28: {  	s2 =	sld [smem:$0x3FA5]  }
0x29: {  	s4 =	sld [smem:$0x3FA7]  }
0x2a: {  	p0 =	seq.s32 s5, $0x0;
	s5 =	sld [smem:$0x3FA8]  }
0x2b: {  	s6 =	sld [smem:$0x3FA9]  }
0x2c: {  	s7 =	sld [smem:$0x3FAA]  }
0x2d: {  	s3 =	simm.s32 $0x108;
	s8 =	sld [smem:$0x3FAB]  }
0x2e: {  	s3 =	simm.s32 @!p0 $0x1082;
	s9 =	sld [smem:$0x3FAC]  }
0x2f: {  	lr =	sadd.s32 s0, s3;
	s0 =	sld [smem:$0x3FA3]  }
0x30: {  	s3 =	sld [smem:$0x3FA6]  }
0x31: {  	[smem:$0x3FAF] =	sst s10  }
0x32: {  	s10 =	sld [smem:$0x3FAD];
	_ =	sdelay $0x3  }
0x33: {  	p0 =	seq.s32 s10, $0x1;
	s10 =	sld [smem:$0x3FAF];
	_ =	sdelay $0x3  }
0x34: {  	[smem:$0x3FAF] =	sst s10  }
0x35: {  	s10 =	sld [smem:$0x3FAE];
	_ =	sdelay $0x3  }
0x36: {  	p1 =	seq.s32 s10, $0x1;
	s10 =	sld [smem:$0x3FAF];
	_ =	sdelay $0x3  }
0x37: {  	[smem:$0x3FAF] =	sst s10  }
0x38: {  	s10 =	sld [smem:$0x3FB0]  }
0x39: {  	_ = 	snop;
	(pc) =	sbr.ind lr, $3  }
0x3a: {  	_ = 	snop  }
0x3b: {  	_ = 	snop  }
0x3c: {  	p2 =	seq.s32 s10, $0x1;
	s10 =	sld [smem:$0x3FAF]  }
0x3d: {  	_ =	shalt  }
0x3e: {  	_ =	shalt  }
0x3f: {  	_ =	shalt  }
0x40: {  	_ =	shalt  }
0x41: {  	_ =	shalt  }
0x42: {  	_ =	shalt  }
0x43: {  	_ =	shalt  }
0x44: {  	_ =	shalt  }
0x45: {  	_ =	shalt  }
0x46: {  	_ =	shalt  }
0x47: {  	_ =	shalt  }
0x48: {  	_ =	shalt  }
0x49: {  	_ =	shalt  }
0x4a: {  	_ =	shalt  }
0x4b: {  	_ =	shalt  }
0x4c: {  	_ =	shalt  }
0x4d: {  	_ =	shalt  }
0x4e: {  	_ =	shalt  }
0x4f: {  	_ =	shalt  }
0x50: {  	_ =	shalt  }
0x51: {  	_ =	shalt  }
0x52: {  	_ =	shalt  }
0x53: {  	_ =	shalt  }
0x54: {  	_ =	shalt  }
0x55: {  	_ =	shalt  }
0x56: {  	_ =	shalt  }
0x57: {  	_ =	shalt  }
0x58: {  	_ =	shalt  }
0x59: {  	_ =	shalt  }
0x5a: {  	_ =	shalt  }
0x5b: {  	_ =	shalt  }
0x5c: {  	_ =	shalt  }
0x5d: {  	_ =	shalt  }
0x5e: {  	_ =	shalt  }
0x5f: {  	_ =	shalt  }
0x60: {  	_ =	shalt  }
0x61: {  	_ =	shalt  }
0x62: {  	_ =	shalt  }
0x63: {  	_ =	shalt  }
0x64: {  	_ =	shalt  }
0x65: {  	_ =	shalt  }
0x66: {  	_ =	shalt  }
0x67: {  	_ =	shalt  }
0x68: {  	_ =	shalt  }
0x69: {  	_ =	shalt  }
0x6a: {  	_ =	shalt  }
0x6b: {  	_ =	shalt  }
0x6c: {  	_ =	shalt  }
0x6d: {  	_ =	shalt  }
0x6e: {  	_ =	shalt  }
0x6f: {  	_ =	shalt  }
0x70: {  	_ =	shalt  }
0x71: {  	_ =	shalt  }
0x72: {  	_ =	shalt  }
0x73: {  	_ =	shalt  }
0x74: {  	_ =	shalt  }
0x75: {  	_ =	shalt  }
0x76: {  	_ =	shalt  }
0x77: {  	_ =	shalt  }
0x78: {  	_ =	shalt  }
0x79: {  	_ =	shalt  }
0x7a: {  	_ =	shalt  }
0x7b: {  	_ =	shalt  }
0x7c: {  	_ =	shalt  }
0x7d: {  	_ =	shalt  }
0x7e: {  	_ =	shalt  }
0x7f: {  	_ =	shalt  }
0x80: {  	_ =	shalt  }
0x81: {  	_ =	shalt  }
0x82: {  	_ =	shalt  }
0x83: {  	_ =	shalt  }
0x84: {  	_ =	shalt  }
0x85: {  	_ =	shalt  }
0x86: {  	_ =	shalt  }
0x87: {  	_ =	shalt  }
.Lfunc_end0:
.L_simem_size_0:
called_computation.1_lowered:
.L_overlay_start_0:
0x88: {  	s2 =	sld [smem:$0x3FD9]  }
0x89: {  	s3 =	sld [smem:$0x3FFE];
	_ =	sdelay $0x1  }
0x8a: {  	s1 =	srdreg.scid  }
0x8b: {  	s0 =	sand.u32 $0x1, s1  }
0x8c: {  	s16 =	sshll.u32 s0, $0xA;
	s2 =	sadd.s32 s3, s2  }
0x8d: {  	s2 =	sadd.s32 s2, s16  }
0x8e: {  	[smem:$0x3FBB] =	sst s2  }
0x8f: {  	_ = 	snop  }
0x90: {  	(tm) =	ssettm $0x1  }
0x91: {  	s17 =	sld [smem:$0x3FFB];
	_ =	sdelay $0x3  }
0x92: {  	_ =	strace s17  }
0x93: {  	s2 =	sld [smem:$0x3FFC];
	_ =	sdelay $0x3  }
0x94: {  	_ =	strace s2  }
0x95: {  	s2 =	sld [smem:$0x3FFD];
	_ =	sdelay $0x3  }
0x96: {  	_ =	strace s2  }
0x97: {  	_ =	strace $0x8FFFFFFF  }
0x98: {  	s18 =	sld [smem:$0x3FDB];
	_ =	sdelay $0x1  }
0x99: {  	s19 =	simm.s32 $_scs_section_size  }
0x9a: {  	s4 =	simm.s32 $_size__tile_overlayer_lowered;
	s5 =	simm.s32 $_tile_overlayer_lowered  }
0x9b: {  	s22 =	simm.s32 $0x1BFF;
	s21 =	sshll.u32 s5, $0x1;
	s2 =	sadd.s32 s19, s18  }
0x9c: {  	s6 =	simm.s32 $0x0;
	s20 =	sshll.u32 s4, $0x1;
	s4 =	sadd.s32 s21, s2  }
0x9d: {  	[timem:s6], [sflag:s22] =	dma.local [hbm:s4], s20  }
0x9e: {  	_ =	swait.ge [sflag:s22], s20  }
0x9f: {  	s3 =	ssub.s32 $0x0, s20;
	[sflag:s22] =	ssyncset.done $0x0  }
0xa0: {  	[sflag:s22] =	ssyncadd.s32 s3;
	_ =	sdelay $0x1  }
0xa1: {  	s23 =	simm.s32 $0x1B8B  }
0xa2: {  	_ =	swait.ge [sflag:s23], $0x1  }
0xa3: {  	[sflag:s23] =	ssyncset.done $0x0  }
0xa4: {  	s25 =	simm.s32 $0x1B8E;
	s24 =	sld [smem:$0x3FFE];
	[sflag:s23] =	ssyncadd.s32 $0xFFFFFFFF  }
0xa5: {  	s26 =	simm.s32 $execute0_lowered;
	[smem:$0x3FD2] =	sst s25  }
0xa6: {  	s4 =	sshll.u32 s26, $0x1;
	_ =	strace $0x80000049;
	[dreg:$0x1] =	wrdreg $0xFFFFFFFF  }
0xa7: {  	s28 =	simm.s32 $_size_execute0_lowered;
	s2 =	sadd.s32 s2, s4;
	[dreg:$0x0] =	wrdreg $0x0  }
0xa8: {  	s4 =	sshll.u32 s28, $0x1;
	[dreg:$0x2] =	wrdreg s2  }
0xa9: {  	[dreg:$0x3] =	wrdreg s4  }
0xaa: {  	[dreg:$0x4] =	wrdreg $0xC0  }
0xab: {  	_ =	task [dreg:s6], $0x5FFFF  }
0xac: {  	[dreg:$0x1] =	wrdreg $0xFFFFFFFF  }
0xad: {  	[dreg:$0x0] =	wrdreg $0x60  }
0xae: {  	[dreg:$0x2] =	wrdreg s24  }
0xaf: {  	[dreg:$0x3] =	wrdreg $0x120000  }
0xb0: {  	[dreg:$0x4] =	wrdreg $0x9  }
0xb1: {  	_ =	task.clear_ibuf [dreg:s6], $0x5FFFF;
	_ =	strace $0x90000049  }
0xb2: {  	s29 =	simm.s32 $0x9;
	_ =	strace $0x8000004B  }
0xb3: {  	_ =	swait.ge [sflag:s29], $0x1  }
0xb4: {  	[sflag:s29] =	ssyncadd.s32 $0xFFFFFFFF  }
0xb5: {  	_ =	strace $0x9000004B  }
0xb6: {  	_ =	sfence  }
0xb7: {  	s30 =	sld [smem:$0x0];
	_ =	sdelay $0x2  }
0xb8: {  	s31 =	sshll.u32 s1, $0xD;
	s1 =	sshrl.u32 s1, $0x2  }
0xb9: {  	s3 =	sand.u32 $0x4000, s31;
	s1 =	sadd.s32 s1, s30  }
0xba: {  	s0 =	sor.u32 s3, s0;
	s1 =	sshll.u32 s1, $0x11  }
0xbb: {  	s0 =	sor.u32 s1, s0  }
0xbc: {  	s0 =	sadd.s32 $0x8F2B, s0  }
0xbd: {  	[sflag:s0] =	ssyncadd.remote.s32 $0x1  }
0xbe: {  	_ =	sfence.sel $0xFFFF  }
0xbf: {  	[dreg:$0x0] =	wrdreg $0xFFFFFFFF;
	(pc) =	sbr.abs _section_cstart, $3  }
0xc0: {  	[dreg:$0x1] =	wrdreg $0xFFFFFFFF  }
0xc1: {  	_ =	task.clear_ibuf [dreg:s6], $0x2FFFF;
	_ =	strace $0x9FFFFFFF  }
0xc2: {  	(tm) =	ssettm $0x7FFFFFFF  }
0xc3: {  	_ =	shalt  }
tec
execute0_lowered:
.L_overlay_start_1:
0x0: {  	(tag) =	ssettag $0x1  }
0x1: {  	s6 =	rddreg [dreg:$0x0]  }
0x2: {  	s2 =	rddreg [dreg:$0x1]  }
0x3: {  	s0 =	rddreg [dreg:$0x2]  }
0x4: {  	s1 =	stileid.u32;
	s4 =	srdreg.scid  }
0x5: {  	s3 =	simm.s32 $0x0;
	s17 =	simm.s32 $0x5000;
	s18 =	simm.s32 $0x80  }
0x6: {  	s19 =	simm.s32 $0xE000;
	s20 =	simm.s32 $0x1;
	s21 =	simm.s32 $0x2  }
0x7: {  	s22 =	simm.s32 $0x9F00;
	s23 =	simm.s32 $0x9F80;
	s24 =	simm.s32 $0x0  }
0x8: {  	s5 =	smul.u32 $0x5000, s1;
	s7 =	sand.u32 $0x1, s4;
	[smem:$0x7FF] =	sst s3  }
0x9: {  	s4 =	sadd.s32 $0x17400, s6;
	s13 =	sadd.s32 $0x49400, s6;
	s31 =	sshll.u32 s1, $0xE  }
0xa: {  	p0 =	sgt.u32 s1, $0x8;
	p1 =	sgt.u32 s1, $0x7;
	s8 =	smul.u32 $0x50000, s7  }
0xb: {  	_ =	strace $0x8000004A;
	s30 =	ssub.s32 $0x2, s7;
	s12 =	sor.u32 $0x40000, s31  }
0xc: {  	s15 =	sor.u32 $0x80000, s31;
	s16 =	smul.u32 $0xA0000, s7;
	s9 =	sshrl.u32 s5, $0x3  }
0xd: {  	s11 =	sshrl.u32 s30, $0x1;
	s7 =	sadd.s32 s12, s2;
	s5 =	sadd.s32 s5, s8  }
0xe: {  	s9 =	sadd.s32 s9, s6;
	s14 =	ssub.s32 s30, s11;
	s8 =	sadd.s32 s15, s2  }
0xf: {  	s11 =	sadd.s32 s31, s16;
	s12 =	sadd.s32 s16, s12;
	s15 =	sadd.s32 s16, s15  }
0x10: {  	s16 =	simm.s32 $0x3;
	s5 =	sshrl.u32 s5, $0x3;
	s9 =	sadd.s32 $0x3F400, s9  }
0x11: {  	s11 =	sshrl.u32 s11, $0x3;
	s12 =	sshrl.u32 s12, $0x3;
	s15 =	sshrl.u32 s15, $0x3  }
0x12: {  	s14 =	smax.u32 s14, $0x1;
	s10 =	sadd.s32 s5, s6;
	s5 =	sadd.s32 $0x16C00, s6  }
0x13: {  	s6 =	sadd.s32 s31, s2;
	s11 =	sadd.s32 s13, s11;
	s12 =	sadd.s32 s13, s12  }
0x14: {  	s13 =	sadd.s32 s13, s15;
	s15 =	simm.s32 $0xA000;
	s10 =	sadd.s32 $0x2C00, s10  }
.LBB2_1:
0x15: {  	[tilespmem:s15], [sflag:$0x3] =	stream.linear.gather [hbm4b:s5+s3], $0x4000, $0x38;
	[tilespmem:$0x1C400] =	vst v63  }
0x16: {  	_ =	swait.ge [sflag:s16], $0x4000  }
0x17: {  	[sflag:s16] =	ssyncset.done $0x0  }
0x18: {  	[sflag:s16] =	ssyncadd.s32 $0xFFFFC000  }
0x19: {  	[spmem:s6] =	stream.linear.scatter [tilespmem:s15], [sflag:$0x3], $0x4000, $0x38;
	[tilespmem:$0x1C400] =	vst v63  }
0x1a: {  	_ =	swait.ge [sflag:s16], $0x4000  }
0x1b: {  	[sflag:s16] =	ssyncset.done $0x0  }
0x1c: {  	[sflag:s16] =	ssyncadd.s32 $0xFFFFC000  }
0x1d: {  	[spmem:s7] =	stream.linear.scatter [tilespmem:s15], [sflag:$0x3], $0x4000, $0x38;
	[tilespmem:$0x1C400] =	vst v63  }
0x1e: {  	_ =	swait.ge [sflag:s16], $0x4000  }
0x1f: {  	[sflag:s16] =	ssyncset.done $0x0  }
0x20: {  	s25 =	simm.s32 @!p0 $0xA000;
	[sflag:s16] =	ssyncadd.s32 $0xFFFFC000  }
0x21: {  	[spmem:s8] =	stream.linear.scatter @!p0 [tilespmem:s25], [sflag:$0x3], $0x4000, $0x38;
	[tilespmem:$0x1C400] =	vst v63  }
0x22: {  	s25 =	simm.s32 @!p0 $0x3  }
0x23: {  	_ =	swait.ge @!p0 [sflag:s25], $0x4000  }
0x24: {  	[sflag:s25] =	ssyncset.done @!p0 $0x0  }
0x25: {  	[sflag:s25] =	ssyncadd.s32 @!p0 $0xFFFFC000  }
0x26: {  	[tilespmem:s3], [sflag:$0x3] =	stream.linear.gather [hbm4b:s9+s3], $0x5000, $0x38;
	[tilespmem:$0x1C400] =	vst v63  }
0x27: {  	_ =	swait.ge [sflag:s16], $0x5000  }
0x28: {  	[sflag:s16] =	ssyncset.done $0x0  }
0x29: {  	[sflag:s16] =	ssyncadd.s32 $0xFFFFB000  }
0x2a: {  	[tilespmem:s17], [sflag:$0x3] =	stream.linear.gather [hbm4b:s10+s3], $0x5000, $0x38;
	[tilespmem:$0x1C400] =	vst v63  }
0x2b: {  	_ =	swait.ge [sflag:s16], $0x5000  }
0x2c: {  	[sflag:s16] =	ssyncset.done $0x0  }
0x2d: {  	[sflag:s16] =	ssyncadd.s32 $0xFFFFB000  }
0x2e: {  	[bflag:$0x0] =	sbarrier.arrive $0xFFFF  }
0x2f: {  	[tilespmem:s15], [sflag:$0x1] =	stream.indirect.gather [hbm4b:s4+s18], $0x80, s3, s18, $0xb8;
	[tilespmem:$0x1C400] =	vst v63  }
0x30: {  	_ = 	snop  }
0x31: {  	[tilespmem:s19], [sflag:$0x2] =	stream.indirect.gather [hbm4b:s4+s18], $0x80, s18, s18, $0xb8;
	[tilespmem:$0x1C400] =	vst v63  }
0x32: {  	_ =	swait.ge [sflag:s20], $0x4000  }
0x33: {  	[sflag:s20] =	ssyncset.done $0x0  }
0x34: {  	s29 =	simm.s32 $0x5000;
	[sflag:s20] =	ssyncadd.s32 $0xFFFFC000  }
0x35: {  	[spmem:s2] =	stream.indirect.scatter.add.f32 [tilespmem:s15], [sflag:$0x3], $0x80, s29, s18, $0xb8;
	[tilespmem:$0x1C400] =	vst v63  }
0x36: {  	_ =	swait.ge [sflag:s16], $0x4000  }
0x37: {  	[sflag:s16] =	ssyncset.done $0x0  }
0x38: {  	s30 =	simm.s32 $0x100;
	[sflag:s16] =	ssyncadd.s32 $0xFFFFC000  }
0x39: {  	[tilespmem:s15], [sflag:$0x1] =	stream.indirect.gather [hbm4b:s4+s18], $0x80, s30, s18, $0xb8;
	[tilespmem:$0x1C400] =	vst v63  }
0x3a: {  	_ =	swait.ge [sflag:s21], $0x4000  }
0x3b: {  	[sflag:s21] =	ssyncset.done $0x0  }
0x3c: {  	s31 =	simm.s32 $0x5080;
	[sflag:s21] =	ssyncadd.s32 $0xFFFFC000  }
0x3d: {  	[spmem:s2] =	stream.indirect.scatter.add.f32 [tilespmem:s19], [sflag:$0x3], $0x80, s31, s18, $0xb8;
	[tilespmem:$0x1C400] =	vst v63  }
0x3e: {  	_ =	swait.ge [sflag:s16], $0x4000  }
0x3f: {  	[sflag:s16] =	ssyncset.done $0x0  }
0x40: {  	s26 =	simm.s32 $0x180;
	s25 =	simm.s32 $0x400;
	[sflag:s16] =	ssyncadd.s32 $0xFFFFC000  }
.LBB2_2:
0x41: {  	[tilespmem:s19], [sflag:$0x2] =	stream.indirect.gather [hbm4b:s4+s18], $0x80, s26, s18, $0xb8;
	[tilespmem:$0x1C400] =	vst v63  }
0x42: {  	s26 =	smov.u32 s25  }
0x43: {  	p2 =	sne.s32 s25, $0x13800;
	s25 =	sadd.s32 $0x400, s25;
	_ =	swait.ge [sflag:s20], $0x4000  }
0x44: {  	s26 =	sshra.s32 s26, $0x2;
	[sflag:s20] =	ssyncset.done $0x0  }
0x45: {  	s28 =	sadd.s32 $0x5000, s26;
	[sflag:s20] =	ssyncadd.s32 $0xFFFFC000  }
0x46: {  	[spmem:s2] =	stream.indirect.scatter.add.f32 [tilespmem:s15], [sflag:$0x3], $0x80, s28, s18, $0xb8;
	[tilespmem:$0x1C400] =	vst v63  }
0x47: {  	_ =	swait.ge [sflag:s16], $0x4000  }
0x48: {  	[sflag:s16] =	ssyncset.done $0x0  }
0x49: {  	s28 =	sadd.s32 $0x100, s26;
	[sflag:s16] =	ssyncadd.s32 $0xFFFFC000  }
0x4a: {  	[tilespmem:s15], [sflag:$0x1] =	stream.indirect.gather [hbm4b:s4+s18], $0x80, s28, s18, $0xb8;
	[tilespmem:$0x1C400] =	vst v63  }
0x4b: {  	_ =	swait.ge [sflag:s21], $0x4000  }
0x4c: {  	[sflag:s21] =	ssyncset.done $0x0  }
.Ltmp0:
0x4d: {  	s28 =	sadd.s32 $0x5080, s26;
	[sflag:s21] =	ssyncadd.s32 $0xFFFFC000;
	(pc) =	sbr.rel @p2 .LBB2_2-.Ltmp0, $4  }
0x4e: {  	[spmem:s2] =	stream.indirect.scatter.add.f32 [tilespmem:s19], [sflag:$0x3], $0x80, s28, s18, $0xb8;
	[tilespmem:$0x1C400] =	vst v63  }
0x4f: {  	_ =	swait.ge [sflag:s16], $0x4000  }
0x50: {  	[sflag:s16] =	ssyncset.done $0x0  }
0x51: {  	s26 =	sadd.s32 $0x180, s26;
	[sflag:s16] =	ssyncadd.s32 $0xFFFFC000  }
0x52: {  	[tilespmem:s19], [sflag:$0x2] =	stream.indirect.gather [hbm4b:s4+s18], $0x80, s26, s18, $0xb8;
	[tilespmem:$0x1C400] =	vst v63  }
0x53: {  	_ =	swait.ge [sflag:s20], $0x4000  }
0x54: {  	[sflag:s20] =	ssyncset.done $0x0  }
0x55: {  	[sflag:s20] =	ssyncadd.s32 $0xFFFFC000  }
0x56: {  	[spmem:s2] =	stream.indirect.scatter.add.f32 [tilespmem:s15], [sflag:$0x3], $0x80, s22, s18, $0xb8;
	[tilespmem:$0x1C400] =	vst v63  }
0x57: {  	_ =	swait.ge [sflag:s16], $0x4000  }
0x58: {  	[sflag:s16] =	ssyncset.done $0x0  }
0x59: {  	[sflag:s16] =	ssyncadd.s32 $0xFFFFC000  }
0x5a: {  	_ =	swait.ge [sflag:s21], $0x4000  }
0x5b: {  	[sflag:s21] =	ssyncset.done $0x0  }
0x5c: {  	[sflag:s21] =	ssyncadd.s32 $0xFFFFC000  }
0x5d: {  	[spmem:s2] =	stream.indirect.scatter.add.f32 [tilespmem:s19], [sflag:$0x3], $0x80, s23, s18, $0xb8;
	[tilespmem:$0x1C400] =	vst v63  }
0x5e: {  	_ =	swait.ge [sflag:s16], $0x4000  }
0x5f: {  	[sflag:s16] =	ssyncset.done $0x0  }
0x60: {  	[sflag:s16] =	ssyncadd.s32 $0xFFFFC000  }
0x61: {  	[bflag:$0x0] =	sbarrier.arrive $0xFFFF  }
0x62: {  	[tilespmem:s15], [sflag:$0x3] =	stream.linear.gather [spmem:s6], $0x4000, $0x38;
	[tilespmem:$0x1C400] =	vst v63  }
0x63: {  	_ =	swait.ge [sflag:s16], $0x4000  }
0x64: {  	[sflag:s16] =	ssyncset.done $0x0  }
0x65: {  	[sflag:s16] =	ssyncadd.s32 $0xFFFFC000  }
0x66: {  	[hbm4b:s11+s3] =	stream.linear.scatter [tilespmem:s15], [sflag:$0x3], $0x4000, $0x38;
	[tilespmem:$0x1C400] =	vst v63  }
0x67: {  	_ =	swait.ge [sflag:s16], $0x4000  }
0x68: {  	[sflag:s16] =	ssyncset.done $0x0  }
0x69: {  	[sflag:s16] =	ssyncadd.s32 $0xFFFFC000  }
0x6a: {  	[tilespmem:s15], [sflag:$0x3] =	stream.linear.gather [spmem:s7], $0x4000, $0x38;
	[tilespmem:$0x1C400] =	vst v63  }
0x6b: {  	_ =	swait.ge [sflag:s16], $0x4000  }
0x6c: {  	[sflag:s16] =	ssyncset.done $0x0  }
0x6d: {  	[sflag:s16] =	ssyncadd.s32 $0xFFFFC000  }
0x6e: {  	[hbm4b:s12+s3] =	stream.linear.scatter [tilespmem:s15], [sflag:$0x3], $0x4000, $0x38;
	[tilespmem:$0x1C400] =	vst v63  }
0x6f: {  	_ =	swait.ge [sflag:s16], $0x4000  }
0x70: {  	[sflag:s16] =	ssyncset.done $0x0  }
0x71: {  	s25 =	simm.s32 @!p1 $0xA000;
	s26 =	simm.s32 @!p1 $0x3;
	[sflag:s16] =	ssyncadd.s32 $0xFFFFC000  }
0x72: {  	[tilespmem:s25], [sflag:$0x3] =	stream.linear.gather @!p1 [spmem:s8], $0x4000, $0x38;
	[tilespmem:$0x1C400] =	vst v63  }
0x73: {  	s24 =	sadd.s32 $0x1, s24;
	_ =	swait.ge @!p1 [sflag:s26], $0x4000  }
0x74: {  	p2 =	sne.s32 s24, s14;
	[sflag:s26] =	ssyncset.done @!p1 $0x0  }
.Ltmp1:
0x75: {  	s28 =	simm.s32 @!p1 $0x0;
	[sflag:s26] =	ssyncadd.s32 @!p1 $0xFFFFC000;
	(pc) =	sbr.rel @p2 .LBB2_1-.Ltmp1, $4  }
0x76: {  	[hbm4b:s13+s28] =	stream.linear.scatter @!p1 [tilespmem:s25], [sflag:$0x3], $0x4000, $0x38;
	[tilespmem:$0x1C400] =	vst v63  }
0x77: {  	_ =	swait.ge @!p1 [sflag:s26], $0x4000  }
0x78: {  	[sflag:s26] =	ssyncset.done @!p1 $0x0  }
0x79: {  	[sflag:s26] =	ssyncadd.s32 @!p1 $0xFFFFC000  }
0x7a: {  	_ =	sfence.sel $0x180000  }
0x7b: {  	[bflag:$0x0] =	sbarrier.arrive $0xFFFF  }
0x7c: {  	p0 =	sne.s32 s1, $0x0;
	_ =	strace $0x9000004A  }
0x7d: {  	s0 =	sadd.s32 @!p0 $0x100000, s0;
	[bflag:$0x2] =	sbarrier.arrive $0xFFFF  }
0x7e: {  	[sflag:s0] =	ssyncadd.tile.s32 @!p0 $0x1;
	_ =	shalt  }
.Lfunc_end2:
_tile_overlayer_lowered:
.L_overlay_start_2:
0x7f: {  	(tag) =	ssettag $0x2  }
0x80: {  	s0 =	rddreg [dreg:$0x0];
	s2 =	stileid.u32  }
0x81: {  	s1 =	rddreg [dreg:$0x1];
	p0 =	sne.s32 s2, $0x0  }
0x82: {  	s3 =	rddreg [dreg:$0x2];
	[bflag:$0x3] =	sbarrier.arrive $0xFFFF;
	s2 =	simm.s32 @!p0 $0x1C03  }
0x83: {  	[timem:s3], [sflag:s2] =	dma.local @!p0 [hbm:s0], s1  }
0x84: {  	s0 =	simm.s32 @!p0 $0x3  }
0x85: {  	_ =	swait.ge @!p0 [sflag:s0], s1  }
0x86: {  	s1 =	ssub.s32 @!p0 $0x0, s1;
	[sflag:s0] =	ssyncset.done @!p0 $0x0  }
0x87: {  	[sflag:s0] =	ssyncadd.s32 @!p0 s1  }
0x88: {  	[bflag:$0x3] =	sbarrier.arrive $0xFFFF  }
0x89: {  	_ =	shalt  }

// kernel: kernel.14.cloned.1.call-start
scs
__scs_entry_jumppad:
0x0: {  	(pc) =	sbr.rel $0x88, $3  }
0x1: {  	(tag) =	ssettag $0x0;
	lr =	simm.s32 $0x1  }
0x2: {  	[smem:$0x3F94] =	sst lr;
	_ =	strace $0xD0000000  }
0x3: {  	_ = 	snop  }
0x4: {  	_ = 	snop  }
0x5: {  	_ = 	snop  }
0x6: {  	_ = 	snop  }
0x7: {  	_ = 	snop  }
__scs_overlays_trampoline_lowered:
0x8: {  	[smem:$0x3FA3] =	sst s0  }
0x9: {  	[smem:$0x3FA4] =	sst s1  }
0xa: {  	[smem:$0x3FA5] =	sst s2  }
0xb: {  	[smem:$0x3FA6] =	sst s3  }
0xc: {  	[smem:$0x3FA7] =	sst s4  }
0xd: {  	[smem:$0x3FA8] =	sst s5  }
0xe: {  	[smem:$0x3FA9] =	sst s6  }
0xf: {  	[smem:$0x3FAA] =	sst s7  }
0x10: {  	[smem:$0x3FAB] =	sst s8  }
0x11: {  	[smem:$0x3FAC] =	sst s9;
	s0 =	simm.s32 @!p0 $0x0  }
0x12: {  	s1 =	sld [smem:$0x3F92];
	s0 =	simm.s32 @p0 $0x1  }
0x13: {  	[smem:$0x3FAD] =	sst s0;
	s0 =	simm.s32 @!p1 $0x0  }
0x14: {  	s2 =	sld [smem:$0x3F91];
	s0 =	simm.s32 @p1 $0x1  }
0x15: {  	[smem:$0x3FAE] =	sst s0;
	s0 =	simm.s32 @!p2 $0x0  }
0x16: {  	s3 =	sld [smem:$0x3FDB];
	s0 =	simm.s32 @p2 $0x1  }
0x17: {  	s4 =	simm.s32 $0x1BF5;
	[smem:$0x3FB0] =	sst s0  }
0x18: {  	s0 =	sld [smem:$0x3F93];
	_ =	swait.ge [sflag:s4], $0x0  }
0x19: {  	s7 =	sld [smem:$0x3F94]  }
0x1a: {  	s8 =	sadd.s32 $0xFFFFE003, lr  }
0x1b: {  	s9 =	sadd.s32 $0xFFFFFEF7, lr;
	s5 =	simm.s32 $0xFFFFFFFF;
	p2 =	slt.u32 s8, $0xFFFFF086  }
0x1c: {  	p1 =	slt.u32 s9, $0xF7A;
	s5 =	simm.s32 @!p2 $0x0  }
0x1d: {  	s5 =	simm.s32 @p1 $0x1;
	p0 =	seq.s32 s7, s2  }
0x1e: {  	s7 =	smul.u32 @!p0 $0xF7A, s2;
	p2 =	seq.s32 @!p0 s5, $0x0  }
0x1f: {  	s9 =	smul.u32 $0xF7A, s1;
	s8 =	simm.s32 @!p0 $0x1BF5;
	p2 =	por !p2, p0  }
0x20: {  	[sflag:s8] =	ssyncset.s32 @!p0 $0xFFFFF086;
	s6 =	sadd.s32 @!p0 s3, s7;
	s7 =	simm.s32 @!p0 $0x108  }
0x21: {  	s3 =	sadd.s32 s3, s9;
	s6 =	sadd.s32 @!p0 $0x88, s6;
	s7 =	simm.s32 @p2 $0x1082  }
0x22: {  	[simem:s7], [sflag:s8] =	dma.local @!p0 [hbm:s6], $0xF7A  }
0x23: {  	s9 =	sor.u32 $0xD0000000, s2;
	s6 =	simm.s32 $0x108;
	_ =	swait.ge @!p0 [sflag:s8], $0x0  }
0x24: {  	s3 =	sadd.s32 $0x88, s3;
	s6 =	simm.s32 @!p1 $0x1082;
	[sflag:s4] =	ssyncset.s32 $0xFFFFF086  }
0x25: {  	[simem:s6], [sflag:s4] =	dma.local [hbm:s3], $0xF7A  }
0x26: {  	[smem:$0x3F94] =	sst s1;
	(tag) =	ssettag s2;
	_ =	strace s9  }
0x27: {  	s1 =	sld [smem:$0x3FA4]  }
0x28: {  	s2 =	sld [smem:$0x3FA5]  }
0x29: {  	s4 =	sld [smem:$0x3FA7]  }
0x2a: {  	p0 =	seq.s32 s5, $0x0;
	s5 =	sld [smem:$0x3FA8]  }
0x2b: {  	s6 =	sld [smem:$0x3FA9]  }
0x2c: {  	s7 =	sld [smem:$0x3FAA]  }
0x2d: {  	s3 =	simm.s32 $0x108;
	s8 =	sld [smem:$0x3FAB]  }
0x2e: {  	s3 =	simm.s32 @!p0 $0x1082;
	s9 =	sld [smem:$0x3FAC]  }
0x2f: {  	lr =	sadd.s32 s0, s3;
	s0 =	sld [smem:$0x3FA3]  }
0x30: {  	s3 =	sld [smem:$0x3FA6]  }
0x31: {  	[smem:$0x3FAF] =	sst s10  }
0x32: {  	s10 =	sld [smem:$0x3FAD];
	_ =	sdelay $0x3  }
0x33: {  	p0 =	seq.s32 s10, $0x1;
	s10 =	sld [smem:$0x3FAF];
	_ =	sdelay $0x3  }
0x34: {  	[smem:$0x3FAF] =	sst s10  }
0x35: {  	s10 =	sld [smem:$0x3FAE];
	_ =	sdelay $0x3  }
0x36: {  	p1 =	seq.s32 s10, $0x1;
	s10 =	sld [smem:$0x3FAF];
	_ =	sdelay $0x3  }
0x37: {  	[smem:$0x3FAF] =	sst s10  }
0x38: {  	s10 =	sld [smem:$0x3FB0]  }
0x39: {  	_ = 	snop;
	(pc) =	sbr.ind lr, $3  }
0x3a: {  	_ = 	snop  }
0x3b: {  	_ = 	snop  }
0x3c: {  	p2 =	seq.s32 s10, $0x1;
	s10 =	sld [smem:$0x3FAF]  }
0x3d: {  	_ =	shalt  }
0x3e: {  	_ =	shalt  }
0x3f: {  	_ =	shalt  }
0x40: {  	_ =	shalt  }
0x41: {  	_ =	shalt  }
0x42: {  	_ =	shalt  }
0x43: {  	_ =	shalt  }
0x44: {  	_ =	shalt  }
0x45: {  	_ =	shalt  }
0x46: {  	_ =	shalt  }
0x47: {  	_ =	shalt  }
0x48: {  	_ =	shalt  }
0x49: {  	_ =	shalt  }
0x4a: {  	_ =	shalt  }
0x4b: {  	_ =	shalt  }
0x4c: {  	_ =	shalt  }
0x4d: {  	_ =	shalt  }
0x4e: {  	_ =	shalt  }
0x4f: {  	_ =	shalt  }
0x50: {  	_ =	shalt  }
0x51: {  	_ =	shalt  }
0x52: {  	_ =	shalt  }
0x53: {  	_ =	shalt  }
0x54: {  	_ =	shalt  }
0x55: {  	_ =	shalt  }
0x56: {  	_ =	shalt  }
0x57: {  	_ =	shalt  }
0x58: {  	_ =	shalt  }
0x59: {  	_ =	shalt  }
0x5a: {  	_ =	shalt  }
0x5b: {  	_ =	shalt  }
0x5c: {  	_ =	shalt  }
0x5d: {  	_ =	shalt  }
0x5e: {  	_ =	shalt  }
0x5f: {  	_ =	shalt  }
0x60: {  	_ =	shalt  }
0x61: {  	_ =	shalt  }
0x62: {  	_ =	shalt  }
0x63: {  	_ =	shalt  }
0x64: {  	_ =	shalt  }
0x65: {  	_ =	shalt  }
0x66: {  	_ =	shalt  }
0x67: {  	_ =	shalt  }
0x68: {  	_ =	shalt  }
0x69: {  	_ =	shalt  }
0x6a: {  	_ =	shalt  }
0x6b: {  	_ =	shalt  }
0x6c: {  	_ =	shalt  }
0x6d: {  	_ =	shalt  }
0x6e: {  	_ =	shalt  }
0x6f: {  	_ =	shalt  }
0x70: {  	_ =	shalt  }
0x71: {  	_ =	shalt  }
0x72: {  	_ =	shalt  }
0x73: {  	_ =	shalt  }
0x74: {  	_ =	shalt  }
0x75: {  	_ =	shalt  }
0x76: {  	_ =	shalt  }
0x77: {  	_ =	shalt  }
0x78: {  	_ =	shalt  }
0x79: {  	_ =	shalt  }
0x7a: {  	_ =	shalt  }
0x7b: {  	_ =	shalt  }
0x7c: {  	_ =	shalt  }
0x7d: {  	_ =	shalt  }
0x7e: {  	_ =	shalt  }
0x7f: {  	_ =	shalt  }
0x80: {  	_ =	shalt  }
0x81: {  	_ =	shalt  }
0x82: {  	_ =	shalt  }
0x83: {  	_ =	shalt  }
0x84: {  	_ =	shalt  }
0x85: {  	_ =	shalt  }
0x86: {  	_ =	shalt  }
0x87: {  	_ =	shalt  }
.Lfunc_end0:
.L_simem_size_0:
called_computation.2_lowered:
.L_overlay_start_0:
0x88: {  	s2 =	sld [smem:$0x3FD9]  }
0x89: {  	s3 =	sld [smem:$0x3FFE];
	_ =	sdelay $0x1  }
0x8a: {  	s1 =	srdreg.scid  }
0x8b: {  	s0 =	sand.u32 $0x1, s1  }
0x8c: {  	s16 =	sshll.u32 s0, $0xA;
	s2 =	sadd.s32 s3, s2  }
0x8d: {  	s2 =	sadd.s32 s2, s16  }
0x8e: {  	[smem:$0x3FBB] =	sst s2  }
0x8f: {  	_ = 	snop  }
0x90: {  	(tm) =	ssettm $0x1  }
0x91: {  	s17 =	sld [smem:$0x3FFB];
	_ =	sdelay $0x3  }
0x92: {  	_ =	strace s17  }
0x93: {  	s2 =	sld [smem:$0x3FFC];
	_ =	sdelay $0x3  }
0x94: {  	_ =	strace s2  }
0x95: {  	s2 =	sld [smem:$0x3FFD];
	_ =	sdelay $0x3  }
0x96: {  	_ =	strace s2  }
0x97: {  	_ =	strace $0x8FFFFFFF  }
0x98: {  	s18 =	sld [smem:$0x3FDB];
	_ =	sdelay $0x1  }
0x99: {  	s19 =	simm.s32 $_scs_section_size  }
0x9a: {  	s4 =	simm.s32 $_size__tile_overlayer_lowered;
	s5 =	simm.s32 $_tile_overlayer_lowered  }
0x9b: {  	s22 =	simm.s32 $0x1BFF;
	s21 =	sshll.u32 s5, $0x1;
	s2 =	sadd.s32 s19, s18  }
0x9c: {  	s6 =	simm.s32 $0x0;
	s20 =	sshll.u32 s4, $0x1;
	s4 =	sadd.s32 s21, s2  }
0x9d: {  	[timem:s6], [sflag:s22] =	dma.local [hbm:s4], s20  }
0x9e: {  	_ =	swait.ge [sflag:s22], s20  }
0x9f: {  	s3 =	ssub.s32 $0x0, s20;
	[sflag:s22] =	ssyncset.done $0x0  }
0xa0: {  	[sflag:s22] =	ssyncadd.s32 s3;
	_ =	sdelay $0x1  }
0xa1: {  	s23 =	simm.s32 $0x1B8B  }
0xa2: {  	_ =	swait.ge [sflag:s23], $0x1  }
0xa3: {  	[sflag:s23] =	ssyncset.done $0x0  }
0xa4: {  	s25 =	simm.s32 $0x1B8E;
	s24 =	sld [smem:$0x3FFE];
	[sflag:s23] =	ssyncadd.s32 $0xFFFFFFFF  }
0xa5: {  	s26 =	simm.s32 $execute0_lowered;
	[smem:$0x3FD2] =	sst s25  }
0xa6: {  	s4 =	sshll.u32 s26, $0x1;
	_ =	strace $0x8000004C;
	[dreg:$0x1] =	wrdreg $0xFFFFFFFF  }
0xa7: {  	s28 =	simm.s32 $_size_execute0_lowered;
	s2 =	sadd.s32 s2, s4;
	[dreg:$0x0] =	wrdreg $0x0  }
0xa8: {  	s4 =	sshll.u32 s28, $0x1;
	[dreg:$0x2] =	wrdreg s2  }
0xa9: {  	[dreg:$0x3] =	wrdreg s4  }
0xaa: {  	[dreg:$0x4] =	wrdreg $0xC0  }
0xab: {  	_ =	task [dreg:s6], $0x5FFFF  }
0xac: {  	[dreg:$0x1] =	wrdreg $0xFFFFFFFF  }
0xad: {  	[dreg:$0x0] =	wrdreg $0x60  }
0xae: {  	[dreg:$0x2] =	wrdreg s24  }
0xaf: {  	[dreg:$0x3] =	wrdreg $0x120000  }
0xb0: {  	[dreg:$0x4] =	wrdreg $0x9  }
0xb1: {  	_ =	task.clear_ibuf [dreg:s6], $0x5FFFF;
	_ =	strace $0x9000004C  }
0xb2: {  	s29 =	simm.s32 $0x9;
	_ =	strace $0x8000004E  }
0xb3: {  	_ =	swait.ge [sflag:s29], $0x1  }
0xb4: {  	[sflag:s29] =	ssyncadd.s32 $0xFFFFFFFF  }
0xb5: {  	_ =	strace $0x9000004E  }
0xb6: {  	_ =	sfence  }
0xb7: {  	s30 =	sld [smem:$0x0];
	_ =	sdelay $0x2  }
0xb8: {  	s31 =	sshll.u32 s1, $0xD;
	s1 =	sshrl.u32 s1, $0x2  }
0xb9: {  	s3 =	sand.u32 $0x4000, s31;
	s1 =	sadd.s32 s1, s30  }
0xba: {  	s0 =	sor.u32 s3, s0;
	s1 =	sshll.u32 s1, $0x11  }
0xbb: {  	s0 =	sor.u32 s1, s0  }
0xbc: {  	s0 =	sadd.s32 $0x8F2B, s0  }
0xbd: {  	[sflag:s0] =	ssyncadd.remote.s32 $0x1  }
0xbe: {  	_ =	sfence.sel $0xFFFF  }
0xbf: {  	[dreg:$0x0] =	wrdreg $0xFFFFFFFF;
	(pc) =	sbr.abs _section_cstart, $3  }
0xc0: {  	[dreg:$0x1] =	wrdreg $0xFFFFFFFF  }
0xc1: {  	_ =	task.clear_ibuf [dreg:s6], $0x2FFFF;
	_ =	strace $0x9FFFFFFF  }
0xc2: {  	(tm) =	ssettm $0x7FFFFFFF  }
0xc3: {  	_ =	shalt  }
tec
execute0_lowered:
.L_overlay_start_1:
0x0: {  	(tag) =	ssettag $0x1  }
0x1: {  	s6 =	rddreg [dreg:$0x0]  }
0x2: {  	s2 =	rddreg [dreg:$0x1]  }
0x3: {  	s0 =	rddreg [dreg:$0x2]  }
0x4: {  	s1 =	stileid.u32;
	s4 =	srdreg.scid  }
0x5: {  	s3 =	simm.s32 $0x0;
	s17 =	simm.s32 $0x5000;
	s18 =	simm.s32 $0x80  }
0x6: {  	s19 =	simm.s32 $0xE000;
	s20 =	simm.s32 $0x1;
	s21 =	simm.s32 $0x2  }
0x7: {  	s22 =	simm.s32 $0x9F00;
	s23 =	simm.s32 $0x9F80;
	s24 =	simm.s32 $0x0  }
0x8: {  	s5 =	smul.u32 $0x5000, s1;
	s7 =	sand.u32 $0x1, s4;
	[smem:$0x7FF] =	sst s3  }
0x9: {  	s4 =	sadd.s32 $0x17400, s6;
	s13 =	sadd.s32 $0x49400, s6;
	s31 =	sshll.u32 s1, $0xE  }
0xa: {  	p0 =	sgt.u32 s1, $0x8;
	p1 =	sgt.u32 s1, $0x7;
	s8 =	smul.u32 $0x50000, s7  }
0xb: {  	_ =	strace $0x8000004D;
	s30 =	ssub.s32 $0x2, s7;
	s12 =	sor.u32 $0x40000, s31  }
0xc: {  	s15 =	sor.u32 $0x80000, s31;
	s16 =	smul.u32 $0xA0000, s7;
	s9 =	sshrl.u32 s5, $0x3  }
0xd: {  	s11 =	sshrl.u32 s30, $0x1;
	s7 =	sadd.s32 s12, s2;
	s5 =	sadd.s32 s5, s8  }
0xe: {  	s9 =	sadd.s32 s9, s6;
	s14 =	ssub.s32 s30, s11;
	s8 =	sadd.s32 s15, s2  }
0xf: {  	s11 =	sadd.s32 s31, s16;
	s12 =	sadd.s32 s16, s12;
	s15 =	sadd.s32 s16, s15  }
0x10: {  	s16 =	simm.s32 $0x3;
	s5 =	sshrl.u32 s5, $0x3;
	s9 =	sadd.s32 $0x3F400, s9  }
0x11: {  	s11 =	sshrl.u32 s11, $0x3;
	s12 =	sshrl.u32 s12, $0x3;
	s15 =	sshrl.u32 s15, $0x3  }
0x12: {  	s14 =	smax.u32 s14, $0x1;
	s10 =	sadd.s32 s5, s6;
	s5 =	sadd.s32 $0x16C00, s6  }
0x13: {  	s6 =	sadd.s32 s31, s2;
	s11 =	sadd.s32 s13, s11;
	s12 =	sadd.s32 s13, s12  }
0x14: {  	s13 =	sadd.s32 s13, s15;
	s15 =	simm.s32 $0xA000;
	s10 =	sadd.s32 $0x2C00, s10  }
.LBB2_1:
0x15: {  	[tilespmem:s15], [sflag:$0x3] =	stream.linear.gather [hbm4b:s5+s3], $0x4000, $0x38;
	[tilespmem:$0x1C400] =	vst v63  }
0x16: {  	_ =	swait.ge [sflag:s16], $0x4000  }
0x17: {  	[sflag:s16] =	ssyncset.done $0x0  }
0x18: {  	[sflag:s16] =	ssyncadd.s32 $0xFFFFC000  }
0x19: {  	[spmem:s6] =	stream.linear.scatter [tilespmem:s15], [sflag:$0x3], $0x4000, $0x38;
	[tilespmem:$0x1C400] =	vst v63  }
0x1a: {  	_ =	swait.ge [sflag:s16], $0x4000  }
0x1b: {  	[sflag:s16] =	ssyncset.done $0x0  }
0x1c: {  	[sflag:s16] =	ssyncadd.s32 $0xFFFFC000  }
0x1d: {  	[spmem:s7] =	stream.linear.scatter [tilespmem:s15], [sflag:$0x3], $0x4000, $0x38;
	[tilespmem:$0x1C400] =	vst v63  }
0x1e: {  	_ =	swait.ge [sflag:s16], $0x4000  }
0x1f: {  	[sflag:s16] =	ssyncset.done $0x0  }
0x20: {  	s25 =	simm.s32 @!p0 $0xA000;
	[sflag:s16] =	ssyncadd.s32 $0xFFFFC000  }
0x21: {  	[spmem:s8] =	stream.linear.scatter @!p0 [tilespmem:s25], [sflag:$0x3], $0x4000, $0x38;
	[tilespmem:$0x1C400] =	vst v63  }
0x22: {  	s25 =	simm.s32 @!p0 $0x3  }
0x23: {  	_ =	swait.ge @!p0 [sflag:s25], $0x4000  }
0x24: {  	[sflag:s25] =	ssyncset.done @!p0 $0x0  }
0x25: {  	[sflag:s25] =	ssyncadd.s32 @!p0 $0xFFFFC000  }
0x26: {  	[tilespmem:s3], [sflag:$0x3] =	stream.linear.gather [hbm4b:s9+s3], $0x5000, $0x38;
	[tilespmem:$0x1C400] =	vst v63  }
0x27: {  	_ =	swait.ge [sflag:s16], $0x5000  }
0x28: {  	[sflag:s16] =	ssyncset.done $0x0  }
0x29: {  	[sflag:s16] =	ssyncadd.s32 $0xFFFFB000  }
0x2a: {  	[tilespmem:s17], [sflag:$0x3] =	stream.linear.gather [hbm4b:s10+s3], $0x5000, $0x38;
	[tilespmem:$0x1C400] =	vst v63  }
0x2b: {  	_ =	swait.ge [sflag:s16], $0x5000  }
0x2c: {  	[sflag:s16] =	ssyncset.done $0x0  }
0x2d: {  	[sflag:s16] =	ssyncadd.s32 $0xFFFFB000  }
0x2e: {  	[bflag:$0x0] =	sbarrier.arrive $0xFFFF  }
0x2f: {  	[tilespmem:s15], [sflag:$0x1] =	stream.indirect.gather [hbm4b:s4+s18], $0x80, s3, s18, $0xb8;
	[tilespmem:$0x1C400] =	vst v63  }
0x30: {  	_ = 	snop  }
0x31: {  	[tilespmem:s19], [sflag:$0x2] =	stream.indirect.gather [hbm4b:s4+s18], $0x80, s18, s18, $0xb8;
	[tilespmem:$0x1C400] =	vst v63  }
0x32: {  	_ =	swait.ge [sflag:s20], $0x4000  }
0x33: {  	[sflag:s20] =	ssyncset.done $0x0  }
0x34: {  	s29 =	simm.s32 $0x5000;
	[sflag:s20] =	ssyncadd.s32 $0xFFFFC000  }
0x35: {  	[spmem:s2] =	stream.indirect.scatter.add.f32 [tilespmem:s15], [sflag:$0x3], $0x80, s29, s18, $0xb8;
	[tilespmem:$0x1C400] =	vst v63  }
0x36: {  	_ =	swait.ge [sflag:s16], $0x4000  }
0x37: {  	[sflag:s16] =	ssyncset.done $0x0  }
0x38: {  	s30 =	simm.s32 $0x100;
	[sflag:s16] =	ssyncadd.s32 $0xFFFFC000  }
0x39: {  	[tilespmem:s15], [sflag:$0x1] =	stream.indirect.gather [hbm4b:s4+s18], $0x80, s30, s18, $0xb8;
	[tilespmem:$0x1C400] =	vst v63  }
0x3a: {  	_ =	swait.ge [sflag:s21], $0x4000  }
0x3b: {  	[sflag:s21] =	ssyncset.done $0x0  }
0x3c: {  	s31 =	simm.s32 $0x5080;
	[sflag:s21] =	ssyncadd.s32 $0xFFFFC000  }
0x3d: {  	[spmem:s2] =	stream.indirect.scatter.add.f32 [tilespmem:s19], [sflag:$0x3], $0x80, s31, s18, $0xb8;
	[tilespmem:$0x1C400] =	vst v63  }
0x3e: {  	_ =	swait.ge [sflag:s16], $0x4000  }
0x3f: {  	[sflag:s16] =	ssyncset.done $0x0  }
0x40: {  	s26 =	simm.s32 $0x180;
	s25 =	simm.s32 $0x400;
	[sflag:s16] =	ssyncadd.s32 $0xFFFFC000  }
.LBB2_2:
0x41: {  	[tilespmem:s19], [sflag:$0x2] =	stream.indirect.gather [hbm4b:s4+s18], $0x80, s26, s18, $0xb8;
	[tilespmem:$0x1C400] =	vst v63  }
0x42: {  	s26 =	smov.u32 s25  }
0x43: {  	p2 =	sne.s32 s25, $0x13800;
	s25 =	sadd.s32 $0x400, s25;
	_ =	swait.ge [sflag:s20], $0x4000  }
0x44: {  	s26 =	sshra.s32 s26, $0x2;
	[sflag:s20] =	ssyncset.done $0x0  }
0x45: {  	s28 =	sadd.s32 $0x5000, s26;
	[sflag:s20] =	ssyncadd.s32 $0xFFFFC000  }
0x46: {  	[spmem:s2] =	stream.indirect.scatter.add.f32 [tilespmem:s15], [sflag:$0x3], $0x80, s28, s18, $0xb8;
	[tilespmem:$0x1C400] =	vst v63  }
0x47: {  	_ =	swait.ge [sflag:s16], $0x4000  }
0x48: {  	[sflag:s16] =	ssyncset.done $0x0  }
0x49: {  	s28 =	sadd.s32 $0x100, s26;
	[sflag:s16] =	ssyncadd.s32 $0xFFFFC000  }
0x4a: {  	[tilespmem:s15], [sflag:$0x1] =	stream.indirect.gather [hbm4b:s4+s18], $0x80, s28, s18, $0xb8;
	[tilespmem:$0x1C400] =	vst v63  }
0x4b: {  	_ =	swait.ge [sflag:s21], $0x4000  }
0x4c: {  	[sflag:s21] =	ssyncset.done $0x0  }
.Ltmp0:
0x4d: {  	s28 =	sadd.s32 $0x5080, s26;
	[sflag:s21] =	ssyncadd.s32 $0xFFFFC000;
	(pc) =	sbr.rel @p2 .LBB2_2-.Ltmp0, $4  }
0x4e: {  	[spmem:s2] =	stream.indirect.scatter.add.f32 [tilespmem:s19], [sflag:$0x3], $0x80, s28, s18, $0xb8;
	[tilespmem:$0x1C400] =	vst v63  }
0x4f: {  	_ =	swait.ge [sflag:s16], $0x4000  }
0x50: {  	[sflag:s16] =	ssyncset.done $0x0  }
0x51: {  	s26 =	sadd.s32 $0x180, s26;
	[sflag:s16] =	ssyncadd.s32 $0xFFFFC000  }
0x52: {  	[tilespmem:s19], [sflag:$0x2] =	stream.indirect.gather [hbm4b:s4+s18], $0x80, s26, s18, $0xb8;
	[tilespmem:$0x1C400] =	vst v63  }
0x53: {  	_ =	swait.ge [sflag:s20], $0x4000  }
0x54: {  	[sflag:s20] =	ssyncset.done $0x0  }
0x55: {  	[sflag:s20] =	ssyncadd.s32 $0xFFFFC000  }
0x56: {  	[spmem:s2] =	stream.indirect.scatter.add.f32 [tilespmem:s15], [sflag:$0x3], $0x80, s22, s18, $0xb8;
	[tilespmem:$0x1C400] =	vst v63  }
0x57: {  	_ =	swait.ge [sflag:s16], $0x4000  }
0x58: {  	[sflag:s16] =	ssyncset.done $0x0  }
0x59: {  	[sflag:s16] =	ssyncadd.s32 $0xFFFFC000  }
0x5a: {  	_ =	swait.ge [sflag:s21], $0x4000  }
0x5b: {  	[sflag:s21] =	ssyncset.done $0x0  }
0x5c: {  	[sflag:s21] =	ssyncadd.s32 $0xFFFFC000  }
0x5d: {  	[spmem:s2] =	stream.indirect.scatter.add.f32 [tilespmem:s19], [sflag:$0x3], $0x80, s23, s18, $0xb8;
	[tilespmem:$0x1C400] =	vst v63  }
0x5e: {  	_ =	swait.ge [sflag:s16], $0x4000  }
0x5f: {  	[sflag:s16] =	ssyncset.done $0x0  }
0x60: {  	[sflag:s16] =	ssyncadd.s32 $0xFFFFC000  }
0x61: {  	[bflag:$0x0] =	sbarrier.arrive $0xFFFF  }
0x62: {  	[tilespmem:s15], [sflag:$0x3] =	stream.linear.gather [spmem:s6], $0x4000, $0x38;
	[tilespmem:$0x1C400] =	vst v63  }
0x63: {  	_ =	swait.ge [sflag:s16], $0x4000  }
0x64: {  	[sflag:s16] =	ssyncset.done $0x0  }
0x65: {  	[sflag:s16] =	ssyncadd.s32 $0xFFFFC000  }
0x66: {  	[hbm4b:s11+s3] =	stream.linear.scatter [tilespmem:s15], [sflag:$0x3], $0x4000, $0x38;
	[tilespmem:$0x1C400] =	vst v63  }
0x67: {  	_ =	swait.ge [sflag:s16], $0x4000  }
0x68: {  	[sflag:s16] =	ssyncset.done $0x0  }
0x69: {  	[sflag:s16] =	ssyncadd.s32 $0xFFFFC000  }
0x6a: {  	[tilespmem:s15], [sflag:$0x3] =	stream.linear.gather [spmem:s7], $0x4000, $0x38;
	[tilespmem:$0x1C400] =	vst v63  }
0x6b: {  	_ =	swait.ge [sflag:s16], $0x4000  }
0x6c: {  	[sflag:s16] =	ssyncset.done $0x0  }
0x6d: {  	[sflag:s16] =	ssyncadd.s32 $0xFFFFC000  }
0x6e: {  	[hbm4b:s12+s3] =	stream.linear.scatter [tilespmem:s15], [sflag:$0x3], $0x4000, $0x38;
	[tilespmem:$0x1C400] =	vst v63  }
0x6f: {  	_ =	swait.ge [sflag:s16], $0x4000  }
0x70: {  	[sflag:s16] =	ssyncset.done $0x0  }
0x71: {  	s25 =	simm.s32 @!p1 $0xA000;
	s26 =	simm.s32 @!p1 $0x3;
	[sflag:s16] =	ssyncadd.s32 $0xFFFFC000  }
0x72: {  	[tilespmem:s25], [sflag:$0x3] =	stream.linear.gather @!p1 [spmem:s8], $0x4000, $0x38;
	[tilespmem:$0x1C400] =	vst v63  }
0x73: {  	s24 =	sadd.s32 $0x1, s24;
	_ =	swait.ge @!p1 [sflag:s26], $0x4000  }
0x74: {  	p2 =	sne.s32 s24, s14;
	[sflag:s26] =	ssyncset.done @!p1 $0x0  }
.Ltmp1:
0x75: {  	s28 =	simm.s32 @!p1 $0x0;
	[sflag:s26] =	ssyncadd.s32 @!p1 $0xFFFFC000;
	(pc) =	sbr.rel @p2 .LBB2_1-.Ltmp1, $4  }
0x76: {  	[hbm4b:s13+s28] =	stream.linear.scatter @!p1 [tilespmem:s25], [sflag:$0x3], $0x4000, $0x38;
	[tilespmem:$0x1C400] =	vst v63  }
0x77: {  	_ =	swait.ge @!p1 [sflag:s26], $0x4000  }
0x78: {  	[sflag:s26] =	ssyncset.done @!p1 $0x0  }
0x79: {  	[sflag:s26] =	ssyncadd.s32 @!p1 $0xFFFFC000  }
0x7a: {  	_ =	sfence.sel $0x180000  }
0x7b: {  	[bflag:$0x0] =	sbarrier.arrive $0xFFFF  }
0x7c: {  	p0 =	sne.s32 s1, $0x0;
	_ =	strace $0x9000004D  }
0x7d: {  	s0 =	sadd.s32 @!p0 $0x100000, s0;
	[bflag:$0x2] =	sbarrier.arrive $0xFFFF  }
0x7e: {  	[sflag:s0] =	ssyncadd.tile.s32 @!p0 $0x1;
	_ =	shalt  }
.Lfunc_end2:
_tile_overlayer_lowered:
.L_overlay_start_2:
0x7f: {  	(tag) =	ssettag $0x2  }
0x80: {  	s0 =	rddreg [dreg:$0x0];
	s2 =	stileid.u32  }
0x81: {  	s1 =	rddreg [dreg:$0x1];
	p0 =	sne.s32 s2, $0x0  }
0x82: {  	s3 =	rddreg [dreg:$0x2];
	[bflag:$0x3] =	sbarrier.arrive $0xFFFF;
	s2 =	simm.s32 @!p0 $0x1C03  }
0x83: {  	[timem:s3], [sflag:s2] =	dma.local @!p0 [hbm:s0], s1  }
0x84: {  	s0 =	simm.s32 @!p0 $0x3  }
0x85: {  	_ =	swait.ge @!p0 [sflag:s0], s1  }
0x86: {  	s1 =	ssub.s32 @!p0 $0x0, s1;
	[sflag:s0] =	ssyncset.done @!p0 $0x0  }
0x87: {  	[sflag:s0] =	ssyncadd.s32 @!p0 s1  }
0x88: {  	[bflag:$0x3] =	sbarrier.arrive $0xFFFF  }
0x89: {  	_ =	shalt  }

// kernel: kernel.8.cloned.1.call-start
scs
__scs_entry_jumppad:
0x0: {  	(pc) =	sbr.rel $0x88, $3  }
0x1: {  	(tag) =	ssettag $0x0;
	lr =	simm.s32 $0x1  }
0x2: {  	[smem:$0x3F94] =	sst lr;
	_ =	strace $0xD0000000  }
0x3: {  	_ = 	snop  }
0x4: {  	_ = 	snop  }
0x5: {  	_ = 	snop  }
0x6: {  	_ = 	snop  }
0x7: {  	_ = 	snop  }
__scs_overlays_trampoline_lowered:
0x8: {  	[smem:$0x3FA3] =	sst s0  }
0x9: {  	[smem:$0x3FA4] =	sst s1  }
0xa: {  	[smem:$0x3FA5] =	sst s2  }
0xb: {  	[smem:$0x3FA6] =	sst s3  }
0xc: {  	[smem:$0x3FA7] =	sst s4  }
0xd: {  	[smem:$0x3FA8] =	sst s5  }
0xe: {  	[smem:$0x3FA9] =	sst s6  }
0xf: {  	[smem:$0x3FAA] =	sst s7  }
0x10: {  	[smem:$0x3FAB] =	sst s8  }
0x11: {  	[smem:$0x3FAC] =	sst s9;
	s0 =	simm.s32 @!p0 $0x0  }
0x12: {  	s1 =	sld [smem:$0x3F92];
	s0 =	simm.s32 @p0 $0x1  }
0x13: {  	[smem:$0x3FAD] =	sst s0;
	s0 =	simm.s32 @!p1 $0x0  }
0x14: {  	s2 =	sld [smem:$0x3F91];
	s0 =	simm.s32 @p1 $0x1  }
0x15: {  	[smem:$0x3FAE] =	sst s0;
	s0 =	simm.s32 @!p2 $0x0  }
0x16: {  	s3 =	sld [smem:$0x3FDB];
	s0 =	simm.s32 @p2 $0x1  }
0x17: {  	s4 =	simm.s32 $0x1BF5;
	[smem:$0x3FB0] =	sst s0  }
0x18: {  	s0 =	sld [smem:$0x3F93];
	_ =	swait.ge [sflag:s4], $0x0  }
0x19: {  	s7 =	sld [smem:$0x3F94]  }
0x1a: {  	s8 =	sadd.s32 $0xFFFFE003, lr  }
0x1b: {  	s9 =	sadd.s32 $0xFFFFFEF7, lr;
	s5 =	simm.s32 $0xFFFFFFFF;
	p2 =	slt.u32 s8, $0xFFFFF086  }
0x1c: {  	p1 =	slt.u32 s9, $0xF7A;
	s5 =	simm.s32 @!p2 $0x0  }
0x1d: {  	s5 =	simm.s32 @p1 $0x1;
	p0 =	seq.s32 s7, s2  }
0x1e: {  	s7 =	smul.u32 @!p0 $0xF7A, s2;
	p2 =	seq.s32 @!p0 s5, $0x0  }
0x1f: {  	s9 =	smul.u32 $0xF7A, s1;
	s8 =	simm.s32 @!p0 $0x1BF5;
	p2 =	por !p2, p0  }
0x20: {  	[sflag:s8] =	ssyncset.s32 @!p0 $0xFFFFF086;
	s6 =	sadd.s32 @!p0 s3, s7;
	s7 =	simm.s32 @!p0 $0x108  }
0x21: {  	s3 =	sadd.s32 s3, s9;
	s6 =	sadd.s32 @!p0 $0x88, s6;
	s7 =	simm.s32 @p2 $0x1082  }
0x22: {  	[simem:s7], [sflag:s8] =	dma.local @!p0 [hbm:s6], $0xF7A  }
0x23: {  	s9 =	sor.u32 $0xD0000000, s2;
	s6 =	simm.s32 $0x108;
	_ =	swait.ge @!p0 [sflag:s8], $0x0  }
0x24: {  	s3 =	sadd.s32 $0x88, s3;
	s6 =	simm.s32 @!p1 $0x1082;
	[sflag:s4] =	ssyncset.s32 $0xFFFFF086  }
0x25: {  	[simem:s6], [sflag:s4] =	dma.local [hbm:s3], $0xF7A  }
0x26: {  	[smem:$0x3F94] =	sst s1;
	(tag) =	ssettag s2;
	_ =	strace s9  }
0x27: {  	s1 =	sld [smem:$0x3FA4]  }
0x28: {  	s2 =	sld [smem:$0x3FA5]  }
0x29: {  	s4 =	sld [smem:$0x3FA7]  }
0x2a: {  	p0 =	seq.s32 s5, $0x0;
	s5 =	sld [smem:$0x3FA8]  }
0x2b: {  	s6 =	sld [smem:$0x3FA9]  }
0x2c: {  	s7 =	sld [smem:$0x3FAA]  }
0x2d: {  	s3 =	simm.s32 $0x108;
	s8 =	sld [smem:$0x3FAB]  }
0x2e: {  	s3 =	simm.s32 @!p0 $0x1082;
	s9 =	sld [smem:$0x3FAC]  }
0x2f: {  	lr =	sadd.s32 s0, s3;
	s0 =	sld [smem:$0x3FA3]  }
0x30: {  	s3 =	sld [smem:$0x3FA6]  }
0x31: {  	[smem:$0x3FAF] =	sst s10  }
0x32: {  	s10 =	sld [smem:$0x3FAD];
	_ =	sdelay $0x3  }
0x33: {  	p0 =	seq.s32 s10, $0x1;
	s10 =	sld [smem:$0x3FAF];
	_ =	sdelay $0x3  }
0x34: {  	[smem:$0x3FAF] =	sst s10  }
0x35: {  	s10 =	sld [smem:$0x3FAE];
	_ =	sdelay $0x3  }
0x36: {  	p1 =	seq.s32 s10, $0x1;
	s10 =	sld [smem:$0x3FAF];
	_ =	sdelay $0x3  }
0x37: {  	[smem:$0x3FAF] =	sst s10  }
0x38: {  	s10 =	sld [smem:$0x3FB0]  }
0x39: {  	_ = 	snop;
	(pc) =	sbr.ind lr, $3  }
0x3a: {  	_ = 	snop  }
0x3b: {  	_ = 	snop  }
0x3c: {  	p2 =	seq.s32 s10, $0x1;
	s10 =	sld [smem:$0x3FAF]  }
0x3d: {  	_ =	shalt  }
0x3e: {  	_ =	shalt  }
0x3f: {  	_ =	shalt  }
0x40: {  	_ =	shalt  }
0x41: {  	_ =	shalt  }
0x42: {  	_ =	shalt  }
0x43: {  	_ =	shalt  }
0x44: {  	_ =	shalt  }
0x45: {  	_ =	shalt  }
0x46: {  	_ =	shalt  }
0x47: {  	_ =	shalt  }
0x48: {  	_ =	shalt  }
0x49: {  	_ =	shalt  }
0x4a: {  	_ =	shalt  }
0x4b: {  	_ =	shalt  }
0x4c: {  	_ =	shalt  }
0x4d: {  	_ =	shalt  }
0x4e: {  	_ =	shalt  }
0x4f: {  	_ =	shalt  }
0x50: {  	_ =	shalt  }
0x51: {  	_ =	shalt  }
0x52: {  	_ =	shalt  }
0x53: {  	_ =	shalt  }
0x54: {  	_ =	shalt  }
0x55: {  	_ =	shalt  }
0x56: {  	_ =	shalt  }
0x57: {  	_ =	shalt  }
0x58: {  	_ =	shalt  }
0x59: {  	_ =	shalt  }
0x5a: {  	_ =	shalt  }
0x5b: {  	_ =	shalt  }
0x5c: {  	_ =	shalt  }
0x5d: {  	_ =	shalt  }
0x5e: {  	_ =	shalt  }
0x5f: {  	_ =	shalt  }
0x60: {  	_ =	shalt  }
0x61: {  	_ =	shalt  }
0x62: {  	_ =	shalt  }
0x63: {  	_ =	shalt  }
0x64: {  	_ =	shalt  }
0x65: {  	_ =	shalt  }
0x66: {  	_ =	shalt  }
0x67: {  	_ =	shalt  }
0x68: {  	_ =	shalt  }
0x69: {  	_ =	shalt  }
0x6a: {  	_ =	shalt  }
0x6b: {  	_ =	shalt  }
0x6c: {  	_ =	shalt  }
0x6d: {  	_ =	shalt  }
0x6e: {  	_ =	shalt  }
0x6f: {  	_ =	shalt  }
0x70: {  	_ =	shalt  }
0x71: {  	_ =	shalt  }
0x72: {  	_ =	shalt  }
0x73: {  	_ =	shalt  }
0x74: {  	_ =	shalt  }
0x75: {  	_ =	shalt  }
0x76: {  	_ =	shalt  }
0x77: {  	_ =	shalt  }
0x78: {  	_ =	shalt  }
0x79: {  	_ =	shalt  }
0x7a: {  	_ =	shalt  }
0x7b: {  	_ =	shalt  }
0x7c: {  	_ =	shalt  }
0x7d: {  	_ =	shalt  }
0x7e: {  	_ =	shalt  }
0x7f: {  	_ =	shalt  }
0x80: {  	_ =	shalt  }
0x81: {  	_ =	shalt  }
0x82: {  	_ =	shalt  }
0x83: {  	_ =	shalt  }
0x84: {  	_ =	shalt  }
0x85: {  	_ =	shalt  }
0x86: {  	_ =	shalt  }
0x87: {  	_ =	shalt  }
.Lfunc_end0:
.L_simem_size_0:
called_computation_lowered:
.L_overlay_start_0:
0x88: {  	s2 =	sld [smem:$0x3FD9]  }
0x89: {  	s3 =	sld [smem:$0x3FFE];
	_ =	sdelay $0x1  }
0x8a: {  	s1 =	srdreg.scid  }
0x8b: {  	s0 =	sand.u32 $0x1, s1  }
0x8c: {  	s17 =	sshll.u32 s0, $0xA;
	s2 =	sadd.s32 s3, s2  }
0x8d: {  	s2 =	sadd.s32 s2, s17  }
0x8e: {  	[smem:$0x3FBB] =	sst s2  }
0x8f: {  	_ = 	snop  }
0x90: {  	s2 =	sld [smem:$0x3FD0];
	(tm) =	ssettm $0x1  }
0x91: {  	s18 =	sld [smem:$0x3FFB];
	_ =	sdelay $0x3  }
0x92: {  	_ =	strace s18  }
0x93: {  	s3 =	sld [smem:$0x3FFC];
	_ =	sdelay $0x3  }
0x94: {  	_ =	strace s3  }
0x95: {  	s3 =	sld [smem:$0x3FFD];
	_ =	sdelay $0x3  }
0x96: {  	_ =	strace s3  }
0x97: {  	_ =	strace $0x8FFFFFFF  }
0x98: {  	s19 =	sld [smem:$0x3FDB];
	_ =	sdelay $0x1  }
0x99: {  	s4 =	simm.s32 $_scs_section_size  }
0x9a: {  	s5 =	simm.s32 $_size__tile_overlayer_lowered;
	s6 =	simm.s32 $_tile_overlayer_lowered  }
0x9b: {  	s22 =	simm.s32 $0x1BFF;
	s21 =	sshll.u32 s6, $0x1;
	s3 =	sadd.s32 s4, s19  }
0x9c: {  	s7 =	simm.s32 $0x0;
	s20 =	sshll.u32 s5, $0x1;
	s5 =	sadd.s32 s21, s3  }
0x9d: {  	[timem:s7], [sflag:s22] =	dma.local [hbm:s5], s20  }
0x9e: {  	_ =	swait.ge [sflag:s22], s20  }
0x9f: {  	s4 =	ssub.s32 $0x0, s20;
	[sflag:s22] =	ssyncset.done $0x0  }
0xa0: {  	[sflag:s22] =	ssyncadd.s32 s4;
	_ =	sdelay $0x1  }
0xa1: {  	s23 =	simm.s32 $0x1B8B  }
0xa2: {  	_ =	swait.ge [sflag:s23], $0x1  }
0xa3: {  	[sflag:s23] =	ssyncset.done $0x0  }
0xa4: {  	s25 =	simm.s32 $0x1B8E;
	s24 =	sld [smem:$0x3FFE];
	[sflag:s23] =	ssyncadd.s32 $0xFFFFFFFF  }
0xa5: {  	s26 =	simm.s32 $execute0_lowered;
	[smem:$0x3FD2] =	sst s25  }
0xa6: {  	s5 =	sshll.u32 s26, $0x1;
	_ =	strace $0x80000046;
	[dreg:$0x1] =	wrdreg $0xFFFFFFFF  }
0xa7: {  	s28 =	simm.s32 $_size_execute0_lowered;
	s3 =	sadd.s32 s3, s5;
	[dreg:$0x0] =	wrdreg $0x0  }
0xa8: {  	s5 =	sshll.u32 s28, $0x1;
	[dreg:$0x2] =	wrdreg s3  }
0xa9: {  	[dreg:$0x3] =	wrdreg s5  }
0xaa: {  	[dreg:$0x4] =	wrdreg $0xC0  }
0xab: {  	_ =	task [dreg:s7], $0x5FFFF  }
0xac: {  	[dreg:$0x1] =	wrdreg $0xFFFFFFFF  }
0xad: {  	[dreg:$0x0] =	wrdreg $0x60  }
0xae: {  	[dreg:$0x2] =	wrdreg s2  }
0xaf: {  	[dreg:$0x3] =	wrdreg s24  }
0xb0: {  	[dreg:$0x4] =	wrdreg $0xD0000  }
0xb1: {  	[dreg:$0x5] =	wrdreg $0x9  }
0xb2: {  	_ =	task.clear_ibuf [dreg:s7], $0x6FFFF;
	_ =	strace $0x90000046  }
0xb3: {  	s29 =	simm.s32 $0x9;
	_ =	strace $0x80000048  }
0xb4: {  	_ =	swait.ge [sflag:s29], $0x1  }
0xb5: {  	[sflag:s29] =	ssyncadd.s32 $0xFFFFFFFF  }
0xb6: {  	_ =	strace $0x90000048  }
0xb7: {  	_ =	sfence  }
0xb8: {  	s30 =	sld [smem:$0x0];
	_ =	sdelay $0x2  }
0xb9: {  	s31 =	sshll.u32 s1, $0xD;
	s1 =	sshrl.u32 s1, $0x2  }
0xba: {  	s3 =	sand.u32 $0x4000, s31;
	s1 =	sadd.s32 s1, s30  }
0xbb: {  	s0 =	sor.u32 s3, s0;
	s1 =	sshll.u32 s1, $0x11  }
0xbc: {  	s0 =	sor.u32 s1, s0  }
0xbd: {  	s0 =	sadd.s32 $0x8F2B, s0  }
0xbe: {  	[sflag:s0] =	ssyncadd.remote.s32 $0x1  }
0xbf: {  	_ =	sfence.sel $0xFFFF  }
0xc0: {  	[dreg:$0x0] =	wrdreg $0xFFFFFFFF;
	(pc) =	sbr.abs _section_cstart, $3  }
0xc1: {  	[dreg:$0x1] =	wrdreg $0xFFFFFFFF  }
0xc2: {  	_ =	task.clear_ibuf [dreg:s7], $0x2FFFF;
	_ =	strace $0x9FFFFFFF  }
0xc3: {  	(tm) =	ssettm $0x7FFFFFFF  }
tec
execute0_lowered:
.L_overlay_start_1:
0x0: {  	(tag) =	ssettag $0x1  }
0x1: {  	s1 =	rddreg [dreg:$0x0]  }
0x2: {  	s6 =	rddreg [dreg:$0x1]  }
0x3: {  	s3 =	rddreg [dreg:$0x2]  }
0x4: {  	s0 =	srdreg.scid;
	s2 =	rddreg [dreg:$0x3];
	s4 =	simm.s32 $0x0  }
0x5: {  	s16 =	simm.s32 $0x5000;
	s17 =	simm.s32 $0x80;
	s7 =	sand.u32 $0x1, s0  }
0x6: {  	s18 =	simm.s32 $0x0;
	s0 =	stileid.u32;
	s5 =	smul.u32 $0x50000, s7  }
0x7: {  	[smem:$0x7FF] =	sst s4;
	s12 =	sadd.s32 $0x17400, s6;
	s8 =	smul.u32 $0x5000, s0  }
0x8: {  	_ =	strace $0x80000047;
	s30 =	ssub.s32 $0x2, s7;
	s31 =	sshll.u32 s0, $0xE  }
0x9: {  	s15 =	smul.u32 $0xA0000, s7;
	p0 =	sgt.u32 s0, $0x8;
	p1 =	sgt.u32 s0, $0x7  }
0xa: {  	s10 =	sshrl.u32 s30, $0x1;
	s11 =	sor.u32 $0x40000, s31;
	s14 =	sor.u32 $0x80000, s31  }
0xb: {  	s5 =	sadd.s32 s8, s5;
	s13 =	ssub.s32 s30, s10;
	s7 =	sadd.s32 s11, s3  }
0xc: {  	s8 =	sadd.s32 s14, s3;
	s10 =	sadd.s32 s31, s15;
	s11 =	sadd.s32 s15, s11  }
0xd: {  	s14 =	sadd.s32 s15, s14;
	s15 =	simm.s32 $0x1;
	s5 =	sshrl.u32 s5, $0x3  }
0xe: {  	s10 =	sshrl.u32 s10, $0x3;
	s11 =	sshrl.u32 s11, $0x3;
	s14 =	sshrl.u32 s14, $0x3  }
0xf: {  	s13 =	smax.u32 s13, $0x1;
	s9 =	sadd.s32 s5, s6;
	s5 =	sadd.s32 $0x16C00, s6  }
0x10: {  	s6 =	sadd.s32 s31, s3;
	s10 =	sadd.s32 s12, s10;
	s11 =	sadd.s32 s12, s11  }
0x11: {  	s12 =	sadd.s32 s12, s14;
	s14 =	simm.s32 $0x9000;
	s9 =	sadd.s32 $0x2C00, s9  }
.LBB2_1:
0x12: {  	[tilespmem:s14], [sflag:$0x1] =	stream.linear.gather [hbm4b:s5+s4], $0x4000, $0x38;
	[tilespmem:$0x17400] =	vst v63  }
0x13: {  	_ =	swait.ge [sflag:s15], $0x4000  }
0x14: {  	[sflag:s15] =	ssyncset.done $0x0  }
0x15: {  	[sflag:s15] =	ssyncadd.s32 $0xFFFFC000  }
0x16: {  	[tilespmem:s16], [sflag:$0x1] =	stream.linear.gather [hbm4b:s1+s4], $0x4000, $0x38;
	[tilespmem:$0x17400] =	vst v63  }
0x17: {  	_ =	swait.ge [sflag:s15], $0x4000  }
0x18: {  	[sflag:s15] =	ssyncset.done $0x0  }
0x19: {  	[sflag:s15] =	ssyncadd.s32 $0xFFFFC000  }
0x1a: {  	[spmem:s6] =	stream.linear.scatter [tilespmem:s14], [sflag:$0x1], $0x4000, $0x38;
	[tilespmem:$0x17400] =	vst v63  }
0x1b: {  	_ =	swait.ge [sflag:s15], $0x4000  }
0x1c: {  	[sflag:s15] =	ssyncset.done $0x0  }
0x1d: {  	[sflag:s15] =	ssyncadd.s32 $0xFFFFC000  }
0x1e: {  	[spmem:s7] =	stream.linear.scatter [tilespmem:s14], [sflag:$0x1], $0x4000, $0x38;
	[tilespmem:$0x17400] =	vst v63  }
0x1f: {  	_ =	swait.ge [sflag:s15], $0x4000  }
0x20: {  	[sflag:s15] =	ssyncset.done $0x0  }
0x21: {  	s19 =	simm.s32 @!p0 $0x9000;
	[sflag:s15] =	ssyncadd.s32 $0xFFFFC000  }
0x22: {  	[spmem:s8] =	stream.linear.scatter @!p0 [tilespmem:s19], [sflag:$0x1], $0x4000, $0x38;
	[tilespmem:$0x17400] =	vst v63  }
0x23: {  	s19 =	simm.s32 @!p0 $0x1  }
0x24: {  	_ =	swait.ge @!p0 [sflag:s19], $0x4000  }
0x25: {  	[sflag:s19] =	ssyncset.done @!p0 $0x0  }
0x26: {  	[sflag:s19] =	ssyncadd.s32 @!p0 $0xFFFFC000  }
0x27: {  	[tilespmem:s4], [sflag:$0x1] =	stream.linear.gather [hbm4b:s9+s4], $0x5000, $0x38;
	[tilespmem:$0x17400] =	vst v63  }
0x28: {  	_ =	swait.ge [sflag:s15], $0x5000  }
0x29: {  	[sflag:s15] =	ssyncset.done $0x0  }
0x2a: {  	[sflag:s15] =	ssyncadd.s32 $0xFFFFB000  }
0x2b: {  	s31 =	simm.s32 $0x0;
	[bflag:$0x0] =	sbarrier.arrive $0xFFFF  }
0x2c: {  	[spmem:s3] =	stream.indirect.scatter.add.f32 [tilespmem:s16], [sflag:$0x1], $0x80, s31, s17, $0xb8;
	[tilespmem:$0x17400] =	vst v63  }
0x2d: {  	_ =	swait.ge [sflag:s15], $0x4000  }
0x2e: {  	s19 =	simm.s32 $0x200;
	[sflag:s15] =	ssyncset.done $0x0  }
.LBB2_2:
0x2f: {  	s20 =	sshra.s32 s19, $0x2;
	[sflag:s15] =	ssyncadd.s32 $0xFFFFC000;
	p2 =	sne.s32 s19, $0x13E00  }
0x30: {  	[spmem:s3] =	stream.indirect.scatter.add.f32 [tilespmem:s16], [sflag:$0x1], $0x80, s20, s17, $0xb8;
	[tilespmem:$0x17400] =	vst v63  }
.Ltmp0:
0x31: {  	_ = 	snop;
	(pc) =	sbr.rel @p2 .LBB2_2-.Ltmp0, $4  }
0x32: {  	_ = 	snop  }
0x33: {  	s19 =	sadd.s32 $0x200, s19  }
0x34: {  	_ =	swait.ge [sflag:s15], $0x4000  }
0x35: {  	[sflag:s15] =	ssyncset.done $0x0  }
0x36: {  	[sflag:s15] =	ssyncadd.s32 $0xFFFFC000  }
0x37: {  	[bflag:$0x0] =	sbarrier.arrive $0xFFFF  }
0x38: {  	[tilespmem:s14], [sflag:$0x1] =	stream.linear.gather [spmem:s6], $0x4000, $0x38;
	[tilespmem:$0x17400] =	vst v63  }
0x39: {  	_ =	swait.ge [sflag:s15], $0x4000  }
0x3a: {  	[sflag:s15] =	ssyncset.done $0x0  }
0x3b: {  	[sflag:s15] =	ssyncadd.s32 $0xFFFFC000  }
0x3c: {  	[hbm4b:s10+s4] =	stream.linear.scatter [tilespmem:s14], [sflag:$0x1], $0x4000, $0x38;
	[tilespmem:$0x17400] =	vst v63  }
0x3d: {  	_ =	swait.ge [sflag:s15], $0x4000  }
0x3e: {  	[sflag:s15] =	ssyncset.done $0x0  }
0x3f: {  	[sflag:s15] =	ssyncadd.s32 $0xFFFFC000  }
0x40: {  	[tilespmem:s14], [sflag:$0x1] =	stream.linear.gather [spmem:s7], $0x4000, $0x38;
	[tilespmem:$0x17400] =	vst v63  }
0x41: {  	_ =	swait.ge [sflag:s15], $0x4000  }
0x42: {  	[sflag:s15] =	ssyncset.done $0x0  }
0x43: {  	[sflag:s15] =	ssyncadd.s32 $0xFFFFC000  }
0x44: {  	[hbm4b:s11+s4] =	stream.linear.scatter [tilespmem:s14], [sflag:$0x1], $0x4000, $0x38;
	[tilespmem:$0x17400] =	vst v63  }
0x45: {  	_ =	swait.ge [sflag:s15], $0x4000  }
0x46: {  	[sflag:s15] =	ssyncset.done $0x0  }
0x47: {  	s19 =	simm.s32 @!p1 $0x9000;
	s20 =	simm.s32 @!p1 $0x1;
	[sflag:s15] =	ssyncadd.s32 $0xFFFFC000  }
0x48: {  	[tilespmem:s19], [sflag:$0x1] =	stream.linear.gather @!p1 [spmem:s8], $0x4000, $0x38;
	[tilespmem:$0x17400] =	vst v63  }
0x49: {  	s18 =	sadd.s32 $0x1, s18;
	_ =	swait.ge @!p1 [sflag:s20], $0x4000  }
0x4a: {  	p2 =	sne.s32 s18, s13;
	[sflag:s20] =	ssyncset.done @!p1 $0x0  }
.Ltmp1:
0x4b: {  	s21 =	simm.s32 @!p1 $0x0;
	[sflag:s20] =	ssyncadd.s32 @!p1 $0xFFFFC000;
	(pc) =	sbr.rel @p2 .LBB2_1-.Ltmp1, $4  }
0x4c: {  	[hbm4b:s12+s21] =	stream.linear.scatter @!p1 [tilespmem:s19], [sflag:$0x1], $0x4000, $0x38;
	[tilespmem:$0x17400] =	vst v63  }
0x4d: {  	_ =	swait.ge @!p1 [sflag:s20], $0x4000  }
0x4e: {  	[sflag:s20] =	ssyncset.done @!p1 $0x0  }
0x4f: {  	[sflag:s20] =	ssyncadd.s32 @!p1 $0xFFFFC000  }
0x50: {  	_ =	sfence.sel $0x180000  }
0x51: {  	[bflag:$0x0] =	sbarrier.arrive $0xFFFF  }
0x52: {  	p0 =	sne.s32 s0, $0x0;
	_ =	strace $0x90000047  }
0x53: {  	s0 =	sadd.s32 @!p0 $0x100000, s2;
	[bflag:$0x2] =	sbarrier.arrive $0xFFFF  }
0x54: {  	[sflag:s0] =	ssyncadd.tile.s32 @!p0 $0x1;
	_ =	shalt  }
.Lfunc_end2:
_tile_overlayer_lowered:
.L_overlay_start_2:
0x55: {  	(tag) =	ssettag $0x2  }
0x56: {  	s0 =	rddreg [dreg:$0x0];
	s2 =	stileid.u32  }
0x57: {  	s1 =	rddreg [dreg:$0x1];
	p0 =	sne.s32 s2, $0x0  }
0x58: {  	s3 =	rddreg [dreg:$0x2];
	[bflag:$0x3] =	sbarrier.arrive $0xFFFF;
	s2 =	simm.s32 @!p0 $0x1C01  }
0x59: {  	[timem:s3], [sflag:s2] =	dma.local @!p0 [hbm:s0], s1  }
0x5a: {  	s0 =	simm.s32 @!p0 $0x1  }
0x5b: {  	_ =	swait.ge @!p0 [sflag:s0], s1  }
0x5c: {  	s1 =	ssub.s32 @!p0 $0x0, s1;
	[sflag:s0] =	ssyncset.done @!p0 $0x0  }
0x5d: {  	[sflag:s0] =	ssyncadd.s32 @!p0 s1  }
0x5e: {  	[bflag:$0x3] =	sbarrier.arrive $0xFFFF  }
0x5f: {  	_ =	shalt  }

</sc_bundles>
